<compile_context>
chip_gen: v7x
topology: tpu7x:2x2x1
jax: 0.10.2.dev20260603
libtpu: 0.0.44.dev20260713+nightly
codegen_flags: <defaults>
</compile_context>

<pallas_src>
import functools

import jax
import jax.numpy as jnp
from jax import lax
from jax.experimental import pallas as pl
from jax.experimental.pallas import tpu as pltpu
from jax.experimental.pallas import tpu_sc as plsc

_NC = 2
_NS = 16
_NW = _NC * _NS
_L = 16

_GRID = 513
_SENTINEL = 30000.0

_SX = (0, -1, 1)
_SY = (0, 1, -1)


def _wrap(v):
    v = jnp.where(v < 0, v + _GRID, v)
    return jnp.where(v >= _GRID, v - _GRID, v)


def _vfull(v, dtype=jnp.float32):
    return jnp.full((_L,), v, dtype)


def _newton_sqrt(x):
    i = lax.bitcast_convert_type(x, jnp.int32)
    y = lax.bitcast_convert_type(
        lax.shift_right_logical(i, _vfull(1, jnp.int32))
        + _vfull(0x1FBD1DF5, jnp.int32),
        jnp.float32,
    )
    half = _vfull(0.5)
    y = half * (y + x / y)
    y = half * (y + x / y)
    return y


def _gauss_tc(bxr, byr, vx, vy, p4):
    grid, _, _ = bxr.shape
    n_pt = p4.shape[-1]

    def body_mxu(
        bx_ref, by_ref, vx_ref, vy_ref, p4_ref, out_ref, ptx_ref, qtx_ref
    ):
        px = vx_ref[0]
        py = vy_ref[0]
        p4v = p4_ref[0]
        valid = jnp.abs(p4v) > 0.1
        flag = jnp.where(valid, jnp.float32(0.0), jnp.float32(1.7e9))
        cnt = jnp.sum(jnp.where(valid, 1, 0))
        scale = jnp.where(cnt > 1, jnp.float32(0.01), jnp.float32(0.0))
        z = jnp.zeros_like(px)
        ptx_ref[0, 0] = px * px + flag
        ptx_ref[0, 1] = px
        ptx_ref[1, 0] = py * py
        ptx_ref[1, 1] = py
        for r in range(2, 8):
            ptx_ref[0, r] = z
            ptx_ref[1, r] = z

        bx = bx_ref[0, 0]
        by = by_ref[0, 0]
        nb = bx.shape[0]
        qx = [
            bx,
            jnp.where(bx == 0, _GRID - 1, bx - 1),
            jnp.where(bx >= _GRID - 1, 0, bx + 1),
        ]
        qy = [
            by,
            jnp.where(by >= _GRID - 1, 0, by + 1),
            jnp.where(by == 0, _GRID - 1, by - 1),
        ]
        qxf = [q.astype(jnp.float32) for q in qx]
        qyf = [q.astype(jnp.float32) for q in qy]
        oneb = jnp.ones((nb,), jnp.float32)
        zb = jnp.zeros((nb,), jnp.float32)
        for k in range(3):
            sl = pl.ds(k * nb, nb)
            qtx_ref[0, 0, sl] = oneb
            qtx_ref[1, 0, sl] = oneb
            qtx_ref[0, 1, sl] = jnp.float32(-2.0) * qxf[k]
            qtx_ref[1, 1, sl] = jnp.float32(-2.0) * qyf[k]
            for r in range(2, 8):
                qtx_ref[0, r, sl] = zb
                qtx_ref[1, r, sl] = zb

        chunk = 256
        dnums = (((0,), (0,)), ((), ()))
        accs = {j: jnp.full((nb,), 3e38, jnp.float32) for j in range(9)}
        for c in range(n_pt // chunk):
            csl = pl.ds(c * chunk, chunk)
            u = lax.dot_general(
                ptx_ref[0, :, csl], qtx_ref[0],
                dnums, preferred_element_type=jnp.float32,
            )
            v = lax.dot_general(
                ptx_ref[1, :, csl], qtx_ref[1],
                dnums, preferred_element_type=jnp.float32,
            )
            for ll in range(3):
                for kk in range(3):
                    j = 3 * ll + kk
                    s = (
                        u[:, kk * nb : (kk + 1) * nb]
                        + v[:, ll * nb : (ll + 1) * nb]
                    )
                    accs[j] = jnp.minimum(accs[j], jnp.min(s, axis=0))

        for ll in range(3):
            for kk in range(3):
                j = 3 * ll + kk
                qn = qxf[kk] * qxf[kk] + qyf[ll] * qyf[ll]
                out_ref[0, j, 0] = jnp.sqrt(accs[j] + qn) * scale

    return pl.pallas_call(
        body_mxu,
        grid=(grid,),
        in_specs=[
            pl.BlockSpec((1, 1, 1024), lambda g: (g, 0, 0)),
            pl.BlockSpec((1, 1, 1024), lambda g: (g, 0, 0)),
            pl.BlockSpec((1, n_pt), lambda g: (0, 0)),
            pl.BlockSpec((1, n_pt), lambda g: (0, 0)),
            pl.BlockSpec((1, n_pt), lambda g: (0, 0)),
        ],
        out_specs=pl.BlockSpec((1, 9, 1, 1024), lambda g: (g, 0, 0, 0)),
        out_shape=jax.ShapeDtypeStruct((grid, 9, 1, 1024), jnp.float32),
        scratch_shapes=[
            pltpu.VMEM((2, 8, n_pt), jnp.float32),
            pltpu.VMEM((2, 8, 3 * 1024), jnp.float32),
        ],
    )(bxr, byr, vx, vy, p4)


def _gauss_sc(rax, ray, vx, vy, p4):
    n_ra = rax.shape[0]
    n_pt = vx.shape[0]
    nb_ra = n_ra // _NW
    mesh = plsc.VectorSubcoreMesh(core_axis_name="c", subcore_axis_name="s")

    @functools.partial(
        pl.kernel,
        mesh=mesh,
        out_type=[
            jax.ShapeDtypeStruct((n_ra * _L,), jnp.float32),
        ],
        scratch_types=[
            pltpu.VMEM((n_pt,), jnp.float32),
            pltpu.VMEM((n_pt,), jnp.float32),
            pltpu.VMEM((n_pt,), jnp.float32),
            pltpu.VMEM((n_pt,), jnp.float32),
            pltpu.SMEM((nb_ra,), jnp.int32),
            pltpu.SMEM((nb_ra,), jnp.int32),
            pltpu.VMEM((nb_ra * _L,), jnp.float32),
            pltpu.VMEM((nb_ra,), jnp.int32),
    ],
    )
    def k(
        rax_hbm,
        ray_hbm,
        vx_hbm,
        vy_hbm,
        p4_hbm,
        ra_out_hbm,
        px_v,
        py_v,
        pn_v,
        p4_v,
        bxr_v,
        byr_v,
        or_v,
        tmp_v,
    ):
        wid = lax.axis_index("s") * _NC + lax.axis_index("c")

        pltpu.sync_copy(vx_hbm, px_v)
        pltpu.sync_copy(vy_hbm, py_v)
        pltpu.sync_copy(p4_hbm, p4_v)
        for hbm, nb_c, smem in (
            (rax_hbm, nb_ra, bxr_v),
            (ray_hbm, nb_ra, byr_v),
        ):
            pltpu.sync_copy(
                hbm.at[pl.ds(wid * nb_c, nb_c)], tmp_v.at[pl.ds(0, nb_c)]
            )
            for g in range(nb_c // _L):
                vec = tmp_v[pl.ds(g * _L, _L)]
                for t in range(_L):
                    smem[g * _L + t] = vec[t]

        sent_v = _vfull(_SENTINEL)
        thresh_v = _vfull(0.1)
        ones_i = _vfull(1, jnp.int32)
        zero_i = _vfull(0, jnp.int32)
        lane = lax.iota(jnp.int32, _L)
        bfly = [lane ^ _vfull(k, jnp.int32) for k in (1, 2, 4, 8)]

        @plsc.parallel_loop(0, n_pt, _L, carry=zero_i)
        def _prep(i, cnt):
            sl = pl.ds(i, _L)
            valid = jnp.abs(p4_v[sl]) > thresh_v
            px = jnp.where(valid, px_v[sl], sent_v)
            py = jnp.where(valid, py_v[sl], sent_v)
            px_v[sl] = px
            py_v[sl] = py
            pn_v[sl] = px * px + py * py
            return cnt + jnp.where(valid, ones_i, zero_i)

        cnt = _prep
        for p in bfly:
            cnt = cnt + jnp.take(cnt, p)
        scale_v = jnp.where(cnt > ones_i, _vfull(0.01), _vfull(0.0))

        lane_is = [lane == _vfull(j, jnp.int32) for j in range(9)]

        def do_bases(nb, bx_v, by_v, out_v):
            def base_body(b, _):
                bx = bx_v[b]
                by = by_v[b]
                qx = [_wrap(bx + s).astype(jnp.float32) for s in _SX]
                qy = [_wrap(by + s).astype(jnp.float32) for s in _SY]
                m2x = [
                    jnp.broadcast_to(jnp.float32(-2.0) * q, (_L,)) for q in qx
                ]
                m2y = [
                    jnp.broadcast_to(jnp.float32(-2.0) * q, (_L,)) for q in qy
                ]
                init = tuple(_vfull(3e38) for _ in range(9))

                @plsc.parallel_loop(0, n_pt, _L, unroll=4, carry=init)
                def accs(i, acc):
                    sl = pl.ds(i, _L)
                    pxc = px_v[sl]
                    pyc = py_v[sl]
                    pnc = pn_v[sl]
                    u = [pnc + m2x[kk] * pxc for kk in range(3)]
                    w = [m2y[ll] * pyc for ll in range(3)]
                    return tuple(
                        jnp.minimum(acc[3 * ll + kk], u[kk] + w[ll])
                        for ll in range(3)
                        for kk in range(3)
                    )

                r = jnp.zeros((_L,), jnp.float32)
                for ll in range(3):
                    for kk in range(3):
                        j = 3 * ll + kk
                        qn = qx[kk] * qx[kk] + qy[ll] * qy[ll]
                        qn_v = jnp.broadcast_to(qn, (_L,))
                        m = accs[j]
                        for p in bfly:
                            m = jnp.minimum(m, jnp.take(m, p))
                        r = jnp.where(lane_is[j], m + qn_v, r)
                out_v[pl.ds(b * _L, _L)] = r
                return 0

            lax.fori_loop(0, nb, base_body, 0)

            @plsc.parallel_loop(0, nb * _L, _L)
            def _fin(i):
                sl = pl.ds(i, _L)
                out_v[sl] = _newton_sqrt(out_v[sl]) * scale_v

        do_bases(nb_ra, bxr_v, byr_v, or_v)

        pltpu.sync_copy(
            or_v, ra_out_hbm.at[pl.ds(wid * nb_ra * _L, nb_ra * _L)]
        )

    return k(rax, ray, vx, vy, p4)


def kernel(li_bev_coors, ra_bev_coors, ra_points, ra_voxel_coords):
    lidar_out = []
    radar_out = []
    B = ra_points.shape[0]
    for b in range(B):
        li = li_bev_coors[b].astype(jnp.int32)
        ra = ra_bev_coors[b].astype(jnp.int32)
        n_li = li.shape[0]
        n_ra = ra.shape[0]
        p4 = ra_points[b, :, 4].astype(jnp.float32)
        vx = ra_voxel_coords[b, :, 1].astype(jnp.float32)
        vy = ra_voxel_coords[b, :, 2].astype(jnp.float32)
        (ra_flat,) = _gauss_sc(ra[:, 0], ra[:, 1], vx, vy, p4)
        li_tc = _gauss_tc(
            li[:, 0].reshape(n_li // 1024, 1, 1024),
            li[:, 1].reshape(n_li // 1024, 1, 1024),
            vx.reshape(1, -1),
            vy.reshape(1, -1),
            p4.reshape(1, -1),
        )
        lidar_out.append(
            li_tc.reshape(n_li // 1024, 9, 1024)
            .transpose(0, 2, 1)
            .reshape(n_li, 9)
        )
        radar_out.append(ra_flat.reshape(n_ra, 16)[:, :9])
    return (tuple(lidar_out), tuple(radar_out))

# --- scband reference (transcript-rebuilt; emitter-appended) ---
"""Pipeline reference for scband-gauss-map-24713241822141 (READ-ONLY COPY).

The authoritative reference and input builder live on the scoring server;
editing this copy changes nothing except your own understanding.
"""

import jax, jax.numpy as jnp
import numpy as np

INDEX_SHIFT = np.array([[0, 0], [-1, 0], [1, 0], [0, 1], [-1, 1], [1, 1], [0, -1], [-1, -1], [1, -1]], dtype=np.int64)
PSEUDO_IMAGE_DIMS = (512, 512)


def neighbour_coors(bev_grids, grid_size):
    # bev_grids: [N, 2] int -> [N, 9, 2]
    bs_grid_size = jnp.array([grid_size[0] + 1, grid_size[1] + 1], dtype=bev_grids.dtype)
    shifts = jnp.asarray(INDEX_SHIFT, dtype=bev_grids.dtype)
    return (bev_grids[:, None, :] + shifts[None, :, :]) % bs_grid_size


def nearest_dy(neighbour_coor, dy_coor, dy_valid):
    # neighbour_coor: [N, 9, 2] int, dy_coor: [D, 2] int, dy_valid: [D] bool -> [N, 9] float32
    dyf = dy_coor.astype(jnp.float32)
    num_neighbour = neighbour_coor.shape[1]
    cols = []
    for j in range(num_neighbour):
        cur = neighbour_coor[:, j, :].astype(jnp.float32)
        diff = cur[:, None, :] - dyf[None, :, :]
        all_dis = jnp.sqrt(jnp.sum(diff * diff, axis=-1))
        all_dis = jnp.where(dy_valid[None, :], all_dis, jnp.inf)
        cols.append(jnp.min(all_dis, axis=-1) * 0.01)
    return jnp.stack(cols, axis=1)


def setup_inputs(seed: int = 0):
    key = jax.random.key(seed)
    k1, k2, k3, k4 = jax.random.split(key, 4)
    li_bev_coors = jax.random.randint(k1, (1, 4096, 2), 0, 512)
    ra_bev_coors = jax.random.randint(k2, (1, 1024, 2), 0, 512)
    ra_points = jax.random.normal(k3, (1, 2048, 5), dtype=jnp.float32)
    ra_voxel_coords = jax.random.randint(k4, (1, 2048, 3), 0, 512)
    return {
        "li_bev_coors": li_bev_coors,
        "ra_bev_coors": ra_bev_coors,
        "ra_points": ra_points,
        "ra_voxel_coords": ra_voxel_coords,
    }


def reference(li_bev_coors, ra_bev_coors, ra_points, ra_voxel_coords):
    lidar_gauss_score = []
    radar_gauss_score = []
    B = ra_points.shape[0]
    for b in range(B):
        cur_li = li_bev_coors[b]
        cur_ra = ra_bev_coors[b]
        pts = ra_points[b]
        coors = ra_voxel_coords[b]
        dy_mask = jnp.abs(pts[:, 4]) > 0.1
        has_dy = jnp.sum(dy_mask.astype(jnp.int32)) > 1
        dy_coor = coors[:, 1:]
        li_n = neighbour_coors(cur_li, PSEUDO_IMAGE_DIMS)
        ra_n = neighbour_coors(cur_ra, PSEUDO_IMAGE_DIMS)
        li_dy_dis = jnp.where(
            has_dy,
            nearest_dy(li_n, dy_coor, dy_mask),
            jnp.zeros((cur_li.shape[0], li_n.shape[1]), dtype=jnp.float32),
        )
        ra_dy_dis = jnp.where(
            has_dy,
            nearest_dy(ra_n, dy_coor, dy_mask),
            jnp.zeros((cur_ra.shape[0], ra_n.shape[1]), dtype=jnp.float32),
        )
        lidar_gauss_score.append(li_dy_dis)
        radar_gauss_score.append(ra_dy_dis)
    return (tuple(lidar_gauss_score), tuple(radar_gauss_score))

if __name__ == "__main__":
    import jax
    _d = setup_inputs()
    print(jax.jit(kernel)(*tuple(_d.values())))

</pallas_src>

<mosaic_0001>
#map = affine_map<(d0, d1) -> (0)>
module attributes {stable_mosaic.version = 14 : i64} {
  func.func @k(%arg0: i32, %arg1: i32, %arg2: memref<1024xi32, #tpu.memory_space<hbm>>, %arg3: memref<1024xi32, #tpu.memory_space<hbm>>, %arg4: memref<2048xf32, #tpu.memory_space<hbm>>, %arg5: memref<2048xf32, #tpu.memory_space<hbm>>, %arg6: memref<2048xf32, #tpu.memory_space<hbm>>, %arg7: memref<16384xf32, #tpu.memory_space<hbm>>, %arg8: memref<2048xf32, #tpu.memory_space<vmem>>, %arg9: memref<2048xf32, #tpu.memory_space<vmem>>, %arg10: memref<2048xf32, #tpu.memory_space<vmem>>, %arg11: memref<2048xf32, #tpu.memory_space<vmem>>, %arg12: memref<32xi32, #tpu.memory_space<smem>>, %arg13: memref<32xi32, #tpu.memory_space<smem>>, %arg14: memref<512xf32, #tpu.memory_space<vmem>>, %arg15: memref<32xi32, #tpu.memory_space<vmem>>) attributes {dimension_semantics = [#tpu.dimension_semantics<core_parallel>, #tpu.dimension_semantics<subcore_parallel>], iteration_bounds = array<i64: 2, 16>, scalar_prefetch = 0 : i64, scratch_operands = 8 : i64, tpu.core_type = #tpu.core_type<sc_vector_subcore>, window_params = [{transform_indices = #map}, {transform_indices = #map}, {transform_indices = #map}, {transform_indices = #map}, {transform_indices = #map}, {transform_indices = #map}]} {
    %mul3A = arith.constant 2 : i32
    %mul3A_0 = arith.muli %arg1, %mul3A : i32
    %add3A = arith.addi %mul3A_0, %arg0 : i32
    "tpu.region"() ({
      %run_scoped3A = tpu.sem_alloc : memref<!tpu.dma_semaphore, #tpu.memory_space<semaphore_mem>>
      tpu.enqueue_dma source(%arg4 : memref<2048xf32, #tpu.memory_space<hbm>>) target(%arg8 : memref<2048xf32, #tpu.memory_space<vmem>>) target_semaphore(%run_scoped3A : memref<!tpu.dma_semaphore, #tpu.memory_space<semaphore_mem>>)
      tpu.wait_dma2 semaphore(%run_scoped3A : memref<!tpu.dma_semaphore, #tpu.memory_space<semaphore_mem>>) src(%arg4 : memref<2048xf32, #tpu.memory_space<hbm>>) dst(%arg8 : memref<2048xf32, #tpu.memory_space<vmem>>)
      tpu.yield
    }) : () -> ()
    "tpu.region"() ({
      %run_scoped3A = tpu.sem_alloc : memref<!tpu.dma_semaphore, #tpu.memory_space<semaphore_mem>>
      tpu.enqueue_dma source(%arg5 : memref<2048xf32, #tpu.memory_space<hbm>>) target(%arg9 : memref<2048xf32, #tpu.memory_space<vmem>>) target_semaphore(%run_scoped3A : memref<!tpu.dma_semaphore, #tpu.memory_space<semaphore_mem>>)
      tpu.wait_dma2 semaphore(%run_scoped3A : memref<!tpu.dma_semaphore, #tpu.memory_space<semaphore_mem>>) src(%arg5 : memref<2048xf32, #tpu.memory_space<hbm>>) dst(%arg9 : memref<2048xf32, #tpu.memory_space<vmem>>)
      tpu.yield
    }) : () -> ()
    "tpu.region"() ({
      %run_scoped3A = tpu.sem_alloc : memref<!tpu.dma_semaphore, #tpu.memory_space<semaphore_mem>>
      tpu.enqueue_dma source(%arg6 : memref<2048xf32, #tpu.memory_space<hbm>>) target(%arg11 : memref<2048xf32, #tpu.memory_space<vmem>>) target_semaphore(%run_scoped3A : memref<!tpu.dma_semaphore, #tpu.memory_space<semaphore_mem>>)
      tpu.wait_dma2 semaphore(%run_scoped3A : memref<!tpu.dma_semaphore, #tpu.memory_space<semaphore_mem>>) src(%arg6 : memref<2048xf32, #tpu.memory_space<hbm>>) dst(%arg11 : memref<2048xf32, #tpu.memory_space<vmem>>)
      tpu.yield
    }) : () -> ()
    %mul3A_1 = arith.constant 32 : i32
    %mul3A_2 = arith.muli %add3A, %mul3A_1 : i32
    "tpu.region"() ({
      %run_scoped3A = tpu.sem_alloc : memref<!tpu.dma_semaphore, #tpu.memory_space<semaphore_mem>>
      %dma_start3A = arith.constant 0 : i32
      %dma_start3A_439 = tpu.memref_slice %arg15[%dma_start3A] : memref<32xi32, #tpu.memory_space<vmem>> -> memref<32xi32, #tpu.memory_space<vmem>>
      %dma_start3A_440 = tpu.memref_slice %arg2[%mul3A_2] : memref<1024xi32, #tpu.memory_space<hbm>> -> memref<32xi32, #tpu.memory_space<hbm>>
      %dma_start3A_441 = arith.constant 0 : i32
      %dma_start3A_442 = tpu.memref_slice %arg15[%dma_start3A_441] : memref<32xi32, #tpu.memory_space<vmem>> -> memref<32xi32, #tpu.memory_space<vmem>>
      %dma_start3A_443 = tpu.memref_slice %arg2[%mul3A_2] : memref<1024xi32, #tpu.memory_space<hbm>> -> memref<32xi32, #tpu.memory_space<hbm>>
      tpu.enqueue_dma source(%dma_start3A_443 : memref<32xi32, #tpu.memory_space<hbm>>) target(%dma_start3A_442 : memref<32xi32, #tpu.memory_space<vmem>>) target_semaphore(%run_scoped3A : memref<!tpu.dma_semaphore, #tpu.memory_space<semaphore_mem>>)
      %dma_wait3A = arith.constant 0 : i32
      %dma_wait3A_444 = tpu.memref_slice %arg15[%dma_wait3A] : memref<32xi32, #tpu.memory_space<vmem>> -> memref<32xi32, #tpu.memory_space<vmem>>
      %dma_wait3A_445 = tpu.memref_slice %arg2[%mul3A_2] : memref<1024xi32, #tpu.memory_space<hbm>> -> memref<32xi32, #tpu.memory_space<hbm>>
      %dma_wait3A_446 = arith.constant 0 : i32
      %dma_wait3A_447 = tpu.memref_slice %arg15[%dma_wait3A_446] : memref<32xi32, #tpu.memory_space<vmem>> -> memref<32xi32, #tpu.memory_space<vmem>>
      %dma_wait3A_448 = tpu.memref_slice %arg2[%mul3A_2] : memref<1024xi32, #tpu.memory_space<hbm>> -> memref<32xi32, #tpu.memory_space<hbm>>
      tpu.wait_dma2 semaphore(%run_scoped3A : memref<!tpu.dma_semaphore, #tpu.memory_space<semaphore_mem>>) src(%dma_wait3A_448 : memref<32xi32, #tpu.memory_space<hbm>>) dst(%dma_wait3A_447 : memref<32xi32, #tpu.memory_space<vmem>>)
      tpu.yield
    }) : () -> ()
    %get3A = arith.constant 0 : index
    %get3A_3 = tpu.vector_load %arg15[%get3A] {strides = array<i32>} : memref<32xi32, #tpu.memory_space<vmem>>, vector<16xi32>,
    %get3A_4 = vector.shape_cast %get3A_3 : vector<16xi32> to vector<16xi32>
    %slice3A = vector.extract_strided_slice %get3A_4 {offsets = [0], sizes = [1], strides = [1]} : vector<16xi32> to vector<1xi32>
    %squeeze3A = vector.extract %slice3A[0] : i32 from vector<1xi32>
    %swap3A = arith.constant 0 : i32
    %swap3A_5 = arith.index_cast %swap3A : i32 to index
    %swap3A_6 = memref.load %arg12[%swap3A_5] : memref<32xi32, #tpu.memory_space<smem>>
    memref.store %squeeze3A, %arg12[%swap3A_5] : memref<32xi32, #tpu.memory_space<smem>>
    %slice3A_7 = vector.extract_strided_slice %get3A_4 {offsets = [1], sizes = [1], strides = [1]} : vector<16xi32> to vector<1xi32>
    %squeeze3A_8 = vector.extract %slice3A_7[0] : i32 from vector<1xi32>
    %swap3A_9 = arith.constant 1 : i32
    %swap3A_10 = arith.index_cast %swap3A_9 : i32 to index
    %swap3A_11 = memref.load %arg12[%swap3A_10] : memref<32xi32, #tpu.memory_space<smem>>
    memref.store %squeeze3A_8, %arg12[%swap3A_10] : memref<32xi32, #tpu.memory_space<smem>>
    %slice3A_12 = vector.extract_strided_slice %get3A_4 {offsets = [2], sizes = [1], strides = [1]} : vector<16xi32> to vector<1xi32>
    %squeeze3A_13 = vector.extract %slice3A_12[0] : i32 from vector<1xi32>
    %swap3A_14 = arith.constant 2 : i32
    %swap3A_15 = arith.index_cast %swap3A_14 : i32 to index
    %swap3A_16 = memref.load %arg12[%swap3A_15] : memref<32xi32, #tpu.memory_space<smem>>
    memref.store %squeeze3A_13, %arg12[%swap3A_15] : memref<32xi32, #tpu.memory_space<smem>>
    %slice3A_17 = vector.extract_strided_slice %get3A_4 {offsets = [3], sizes = [1], strides = [1]} : vector<16xi32> to vector<1xi32>
    %squeeze3A_18 = vector.extract %slice3A_17[0] : i32 from vector<1xi32>
    %swap3A_19 = arith.constant 3 : i32
    %swap3A_20 = arith.index_cast %swap3A_19 : i32 to index
    %swap3A_21 = memref.load %arg12[%swap3A_20] : memref<32xi32, #tpu.memory_space<smem>>
    memref.store %squeeze3A_18, %arg12[%swap3A_20] : memref<32xi32, #tpu.memory_space<smem>>
    %slice3A_22 = vector.extract_strided_slice %get3A_4 {offsets = [4], sizes = [1], strides = [1]} : vector<16xi32> to vector<1xi32>
    %squeeze3A_23 = vector.extract %slice3A_22[0] : i32 from vector<1xi32>
    %swap3A_24 = arith.constant 4 : i32
    %swap3A_25 = arith.index_cast %swap3A_24 : i32 to index
    %swap3A_26 = memref.load %arg12[%swap3A_25] : memref<32xi32, #tpu.memory_space<smem>>
    memref.store %squeeze3A_23, %arg12[%swap3A_25] : memref<32xi32, #tpu.memory_space<smem>>
    %slice3A_27 = vector.extract_strided_slice %get3A_4 {offsets = [5], sizes = [1], strides = [1]} : vector<16xi32> to vector<1xi32>
    %squeeze3A_28 = vector.extract %slice3A_27[0] : i32 from vector<1xi32>
    %swap3A_29 = arith.constant 5 : i32
    %swap3A_30 = arith.index_cast %swap3A_29 : i32 to index
    %swap3A_31 = memref.load %arg12[%swap3A_30] : memref<32xi32, #tpu.memory_space<smem>>
    memref.store %squeeze3A_28, %arg12[%swap3A_30] : memref<32xi32, #tpu.memory_space<smem>>
    %slice3A_32 = vector.extract_strided_slice %get3A_4 {offsets = [6], sizes = [1], strides = [1]} : vector<16xi32> to vector<1xi32>
    %squeeze3A_33 = vector.extract %slice3A_32[0] : i32 from vector<1xi32>
    %swap3A_34 = arith.constant 6 : i32
    %swap3A_35 = arith.index_cast %swap3A_34 : i32 to index
    %swap3A_36 = memref.load %arg12[%swap3A_35] : memref<32xi32, #tpu.memory_space<smem>>
    memref.store %squeeze3A_33, %arg12[%swap3A_35] : memref<32xi32, #tpu.memory_space<smem>>
    %slice3A_37 = vector.extract_strided_slice %get3A_4 {offsets = [7], sizes = [1], strides = [1]} : vector<16xi32> to vector<1xi32>
    %squeeze3A_38 = vector.extract %slice3A_37[0] : i32 from vector<1xi32>
    %swap3A_39 = arith.constant 7 : i32
    %swap3A_40 = arith.index_cast %swap3A_39 : i32 to index
    %swap3A_41 = memref.load %arg12[%swap3A_40] : memref<32xi32, #tpu.memory_space<smem>>
    memref.store %squeeze3A_38, %arg12[%swap3A_40] : memref<32xi32, #tpu.memory_space<smem>>
    %slice3A_42 = vector.extract_strided_slice %get3A_4 {offsets = [8], sizes = [1], strides = [1]} : vector<16xi32> to vector<1xi32>
    %squeeze3A_43 = vector.extract %slice3A_42[0] : i32 from vector<1xi32>
    %swap3A_44 = arith.constant 8 : i32
    %swap3A_45 = arith.index_cast %swap3A_44 : i32 to index
    %swap3A_46 = memref.load %arg12[%swap3A_45] : memref<32xi32, #tpu.memory_space<smem>>
    memref.store %squeeze3A_43, %arg12[%swap3A_45] : memref<32xi32, #tpu.memory_space<smem>>
    %slice3A_47 = vector.extract_strided_slice %get3A_4 {offsets = [9], sizes = [1], strides = [1]} : vector<16xi32> to vector<1xi32>
    %squeeze3A_48 = vector.extract %slice3A_47[0] : i32 from vector<1xi32>
    %swap3A_49 = arith.constant 9 : i32
    %swap3A_50 = arith.index_cast %swap3A_49 : i32 to index
    %swap3A_51 = memref.load %arg12[%swap3A_50] : memref<32xi32, #tpu.memory_space<smem>>
    memref.store %squeeze3A_48, %arg12[%swap3A_50] : memref<32xi32, #tpu.memory_space<smem>>
    %slice3A_52 = vector.extract_strided_slice %get3A_4 {offsets = [10], sizes = [1], strides = [1]} : vector<16xi32> to vector<1xi32>
    %squeeze3A_53 = vector.extract %slice3A_52[0] : i32 from vector<1xi32>
    %swap3A_54 = arith.constant 10 : i32
    %swap3A_55 = arith.index_cast %swap3A_54 : i32 to index
    %swap3A_56 = memref.load %arg12[%swap3A_55] : memref<32xi32, #tpu.memory_space<smem>>
    memref.store %squeeze3A_53, %arg12[%swap3A_55] : memref<32xi32, #tpu.memory_space<smem>>
    %slice3A_57 = vector.extract_strided_slice %get3A_4 {offsets = [11], sizes = [1], strides = [1]} : vector<16xi32> to vector<1xi32>
    %squeeze3A_58 = vector.extract %slice3A_57[0] : i32 from vector<1xi32>
    %swap3A_59 = arith.constant 11 : i32
    %swap3A_60 = arith.index_cast %swap3A_59 : i32 to index
    %swap3A_61 = memref.load %arg12[%swap3A_60] : memref<32xi32, #tpu.memory_space<smem>>
    memref.store %squeeze3A_58, %arg12[%swap3A_60] : memref<32xi32, #tpu.memory_space<smem>>
    %slice3A_62 = vector.extract_strided_slice %get3A_4 {offsets = [12], sizes = [1], strides = [1]} : vector<16xi32> to vector<1xi32>
    %squeeze3A_63 = vector.extract %slice3A_62[0] : i32 from vector<1xi32>
    %swap3A_64 = arith.constant 12 : i32
    %swap3A_65 = arith.index_cast %swap3A_64 : i32 to index
    %swap3A_66 = memref.load %arg12[%swap3A_65] : memref<32xi32, #tpu.memory_space<smem>>
    memref.store %squeeze3A_63, %arg12[%swap3A_65] : memref<32xi32, #tpu.memory_space<smem>>
    %slice3A_67 = vector.extract_strided_slice %get3A_4 {offsets = [13], sizes = [1], strides = [1]} : vector<16xi32> to vector<1xi32>
    %squeeze3A_68 = vector.extract %slice3A_67[0] : i32 from vector<1xi32>
    %swap3A_69 = arith.constant 13 : i32
    %swap3A_70 = arith.index_cast %swap3A_69 : i32 to index
    %swap3A_71 = memref.load %arg12[%swap3A_70] : memref<32xi32, #tpu.memory_space<smem>>
    memref.store %squeeze3A_68, %arg12[%swap3A_70] : memref<32xi32, #tpu.memory_space<smem>>
    %slice3A_72 = vector.extract_strided_slice %get3A_4 {offsets = [14], sizes = [1], strides = [1]} : vector<16xi32> to vector<1xi32>
    %squeeze3A_73 = vector.extract %slice3A_72[0] : i32 from vector<1xi32>
    %swap3A_74 = arith.constant 14 : i32
    %swap3A_75 = arith.index_cast %swap3A_74 : i32 to index
    %swap3A_76 = memref.load %arg12[%swap3A_75] : memref<32xi32, #tpu.memory_space<smem>>
    memref.store %squeeze3A_73, %arg12[%swap3A_75] : memref<32xi32, #tpu.memory_space<smem>>
    %slice3A_77 = vector.extract_strided_slice %get3A_4 {offsets = [15], sizes = [1], strides = [1]} : vector<16xi32> to vector<1xi32>
    %squeeze3A_78 = vector.extract %slice3A_77[0] : i32 from vector<1xi32>
    %swap3A_79 = arith.constant 15 : i32
    %swap3A_80 = arith.index_cast %swap3A_79 : i32 to index
    %swap3A_81 = memref.load %arg12[%swap3A_80] : memref<32xi32, #tpu.memory_space<smem>>
    memref.store %squeeze3A_78, %arg12[%swap3A_80] : memref<32xi32, #tpu.memory_space<smem>>
    %get3A_82 = arith.constant 16 : index
    %get3A_83 = tpu.vector_load %arg15[%get3A_82] {strides = array<i32>} : memref<32xi32, #tpu.memory_space<vmem>>, vector<16xi32>,
    %get3A_84 = vector.shape_cast %get3A_83 : vector<16xi32> to vector<16xi32>
    %slice3A_85 = vector.extract_strided_slice %get3A_84 {offsets = [0], sizes = [1], strides = [1]} : vector<16xi32> to vector<1xi32>
    %squeeze3A_86 = vector.extract %slice3A_85[0] : i32 from vector<1xi32>
    %swap3A_87 = arith.constant 16 : i32
    %swap3A_88 = arith.index_cast %swap3A_87 : i32 to index
    %swap3A_89 = memref.load %arg12[%swap3A_88] : memref<32xi32, #tpu.memory_space<smem>>
    memref.store %squeeze3A_86, %arg12[%swap3A_88] : memref<32xi32, #tpu.memory_space<smem>>
    %slice3A_90 = vector.extract_strided_slice %get3A_84 {offsets = [1], sizes = [1], strides = [1]} : vector<16xi32> to vector<1xi32>
    %squeeze3A_91 = vector.extract %slice3A_90[0] : i32 from vector<1xi32>
    %swap3A_92 = arith.constant 17 : i32
    %swap3A_93 = arith.index_cast %swap3A_92 : i32 to index
    %swap3A_94 = memref.load %arg12[%swap3A_93] : memref<32xi32, #tpu.memory_space<smem>>
    memref.store %squeeze3A_91, %arg12[%swap3A_93] : memref<32xi32, #tpu.memory_space<smem>>
    %slice3A_95 = vector.extract_strided_slice %get3A_84 {offsets = [2], sizes = [1], strides = [1]} : vector<16xi32> to vector<1xi32>
    %squeeze3A_96 = vector.extract %slice3A_95[0] : i32 from vector<1xi32>
    %swap3A_97 = arith.constant 18 : i32
    %swap3A_98 = arith.index_cast %swap3A_97 : i32 to index
    %swap3A_99 = memref.load %arg12[%swap3A_98] : memref<32xi32, #tpu.memory_space<smem>>
    memref.store %squeeze3A_96, %arg12[%swap3A_98] : memref<32xi32, #tpu.memory_space<smem>>
    %slice3A_100 = vector.extract_strided_slice %get3A_84 {offsets = [3], sizes = [1], strides = [1]} : vector<16xi32> to vector<1xi32>
    %squeeze3A_101 = vector.extract %slice3A_100[0] : i32 from vector<1xi32>
    %swap3A_102 = arith.constant 19 : i32
    %swap3A_103 = arith.index_cast %swap3A_102 : i32 to index
    %swap3A_104 = memref.load %arg12[%swap3A_103] : memref<32xi32, #tpu.memory_space<smem>>
    memref.store %squeeze3A_101, %arg12[%swap3A_103] : memref<32xi32, #tpu.memory_space<smem>>
    %slice3A_105 = vector.extract_strided_slice %get3A_84 {offsets = [4], sizes = [1], strides = [1]} : vector<16xi32> to vector<1xi32>
    %squeeze3A_106 = vector.extract %slice3A_105[0] : i32 from vector<1xi32>
    %swap3A_107 = arith.constant 20 : i32
    %swap3A_108 = arith.index_cast %swap3A_107 : i32 to index
    %swap3A_109 = memref.load %arg12[%swap3A_108] : memref<32xi32, #tpu.memory_space<smem>>
    memref.store %squeeze3A_106, %arg12[%swap3A_108] : memref<32xi32, #tpu.memory_space<smem>>
    %slice3A_110 = vector.extract_strided_slice %get3A_84 {offsets = [5], sizes = [1], strides = [1]} : vector<16xi32> to vector<1xi32>
    %squeeze3A_111 = vector.extract %slice3A_110[0] : i32 from vector<1xi32>
    %swap3A_112 = arith.constant 21 : i32
    %swap3A_113 = arith.index_cast %swap3A_112 : i32 to index
    %swap3A_114 = memref.load %arg12[%swap3A_113] : memref<32xi32, #tpu.memory_space<smem>>
    memref.store %squeeze3A_111, %arg12[%swap3A_113] : memref<32xi32, #tpu.memory_space<smem>>
    %slice3A_115 = vector.extract_strided_slice %get3A_84 {offsets = [6], sizes = [1], strides = [1]} : vector<16xi32> to vector<1xi32>
    %squeeze3A_116 = vector.extract %slice3A_115[0] : i32 from vector<1xi32>
    %swap3A_117 = arith.constant 22 : i32
    %swap3A_118 = arith.index_cast %swap3A_117 : i32 to index
    %swap3A_119 = memref.load %arg12[%swap3A_118] : memref<32xi32, #tpu.memory_space<smem>>
    memref.store %squeeze3A_116, %arg12[%swap3A_118] : memref<32xi32, #tpu.memory_space<smem>>
    %slice3A_120 = vector.extract_strided_slice %get3A_84 {offsets = [7], sizes = [1], strides = [1]} : vector<16xi32> to vector<1xi32>
    %squeeze3A_121 = vector.extract %slice3A_120[0] : i32 from vector<1xi32>
    %swap3A_122 = arith.constant 23 : i32
    %swap3A_123 = arith.index_cast %swap3A_122 : i32 to index
    %swap3A_124 = memref.load %arg12[%swap3A_123] : memref<32xi32, #tpu.memory_space<smem>>
    memref.store %squeeze3A_121, %arg12[%swap3A_123] : memref<32xi32, #tpu.memory_space<smem>>
    %slice3A_125 = vector.extract_strided_slice %get3A_84 {offsets = [8], sizes = [1], strides = [1]} : vector<16xi32> to vector<1xi32>
    %squeeze3A_126 = vector.extract %slice3A_125[0] : i32 from vector<1xi32>
    %swap3A_127 = arith.constant 24 : i32
    %swap3A_128 = arith.index_cast %swap3A_127 : i32 to index
    %swap3A_129 = memref.load %arg12[%swap3A_128] : memref<32xi32, #tpu.memory_space<smem>>
    memref.store %squeeze3A_126, %arg12[%swap3A_128] : memref<32xi32, #tpu.memory_space<smem>>
    %slice3A_130 = vector.extract_strided_slice %get3A_84 {offsets = [9], sizes = [1], strides = [1]} : vector<16xi32> to vector<1xi32>
    %squeeze3A_131 = vector.extract %slice3A_130[0] : i32 from vector<1xi32>
    %swap3A_132 = arith.constant 25 : i32
    %swap3A_133 = arith.index_cast %swap3A_132 : i32 to index
    %swap3A_134 = memref.load %arg12[%swap3A_133] : memref<32xi32, #tpu.memory_space<smem>>
    memref.store %squeeze3A_131, %arg12[%swap3A_133] : memref<32xi32, #tpu.memory_space<smem>>
    %slice3A_135 = vector.extract_strided_slice %get3A_84 {offsets = [10], sizes = [1], strides = [1]} : vector<16xi32> to vector<1xi32>
    %squeeze3A_136 = vector.extract %slice3A_135[0] : i32 from vector<1xi32>
    %swap3A_137 = arith.constant 26 : i32
    %swap3A_138 = arith.index_cast %swap3A_137 : i32 to index
    %swap3A_139 = memref.load %arg12[%swap3A_138] : memref<32xi32, #tpu.memory_space<smem>>
    memref.store %squeeze3A_136, %arg12[%swap3A_138] : memref<32xi32, #tpu.memory_space<smem>>
    %slice3A_140 = vector.extract_strided_slice %get3A_84 {offsets = [11], sizes = [1], strides = [1]} : vector<16xi32> to vector<1xi32>
    %squeeze3A_141 = vector.extract %slice3A_140[0] : i32 from vector<1xi32>
    %swap3A_142 = arith.constant 27 : i32
    %swap3A_143 = arith.index_cast %swap3A_142 : i32 to index
    %swap3A_144 = memref.load %arg12[%swap3A_143] : memref<32xi32, #tpu.memory_space<smem>>
    memref.store %squeeze3A_141, %arg12[%swap3A_143] : memref<32xi32, #tpu.memory_space<smem>>
    %slice3A_145 = vector.extract_strided_slice %get3A_84 {offsets = [12], sizes = [1], strides = [1]} : vector<16xi32> to vector<1xi32>
    %squeeze3A_146 = vector.extract %slice3A_145[0] : i32 from vector<1xi32>
    %swap3A_147 = arith.constant 28 : i32
    %swap3A_148 = arith.index_cast %swap3A_147 : i32 to index
    %swap3A_149 = memref.load %arg12[%swap3A_148] : memref<32xi32, #tpu.memory_space<smem>>
    memref.store %squeeze3A_146, %arg12[%swap3A_148] : memref<32xi32, #tpu.memory_space<smem>>
    %slice3A_150 = vector.extract_strided_slice %get3A_84 {offsets = [13], sizes = [1], strides = [1]} : vector<16xi32> to vector<1xi32>
    %squeeze3A_151 = vector.extract %slice3A_150[0] : i32 from vector<1xi32>
    %swap3A_152 = arith.constant 29 : i32
    %swap3A_153 = arith.index_cast %swap3A_152 : i32 to index
    %swap3A_154 = memref.load %arg12[%swap3A_153] : memref<32xi32, #tpu.memory_space<smem>>
    memref.store %squeeze3A_151, %arg12[%swap3A_153] : memref<32xi32, #tpu.memory_space<smem>>
    %slice3A_155 = vector.extract_strided_slice %get3A_84 {offsets = [14], sizes = [1], strides = [1]} : vector<16xi32> to vector<1xi32>
    %squeeze3A_156 = vector.extract %slice3A_155[0] : i32 from vector<1xi32>
    %swap3A_157 = arith.constant 30 : i32
    %swap3A_158 = arith.index_cast %swap3A_157 : i32 to index
    %swap3A_159 = memref.load %arg12[%swap3A_158] : memref<32xi32, #tpu.memory_space<smem>>
    memref.store %squeeze3A_156, %arg12[%swap3A_158] : memref<32xi32, #tpu.memory_space<smem>>
    %slice3A_160 = vector.extract_strided_slice %get3A_84 {offsets = [15], sizes = [1], strides = [1]} : vector<16xi32> to vector<1xi32>
    %squeeze3A_161 = vector.extract %slice3A_160[0] : i32 from vector<1xi32>
    %swap3A_162 = arith.constant 31 : i32
    %swap3A_163 = arith.index_cast %swap3A_162 : i32 to index
    %swap3A_164 = memref.load %arg12[%swap3A_163] : memref<32xi32, #tpu.memory_space<smem>>
    memref.store %squeeze3A_161, %arg12[%swap3A_163] : memref<32xi32, #tpu.memory_space<smem>>
    %mul3A_165 = arith.constant 32 : i32
    %mul3A_166 = arith.muli %add3A, %mul3A_165 : i32
    "tpu.region"() ({
      %run_scoped3A = tpu.sem_alloc : memref<!tpu.dma_semaphore, #tpu.memory_space<semaphore_mem>>
      %dma_start3A = arith.constant 0 : i32
      %dma_start3A_439 = tpu.memref_slice %arg15[%dma_start3A] : memref<32xi32, #tpu.memory_space<vmem>> -> memref<32xi32, #tpu.memory_space<vmem>>
      %dma_start3A_440 = tpu.memref_slice %arg3[%mul3A_166] : memref<1024xi32, #tpu.memory_space<hbm>> -> memref<32xi32, #tpu.memory_space<hbm>>
      %dma_start3A_441 = arith.constant 0 : i32
      %dma_start3A_442 = tpu.memref_slice %arg15[%dma_start3A_441] : memref<32xi32, #tpu.memory_space<vmem>> -> memref<32xi32, #tpu.memory_space<vmem>>
      %dma_start3A_443 = tpu.memref_slice %arg3[%mul3A_166] : memref<1024xi32, #tpu.memory_space<hbm>> -> memref<32xi32, #tpu.memory_space<hbm>>
      tpu.enqueue_dma source(%dma_start3A_443 : memref<32xi32, #tpu.memory_space<hbm>>) target(%dma_start3A_442 : memref<32xi32, #tpu.memory_space<vmem>>) target_semaphore(%run_scoped3A : memref<!tpu.dma_semaphore, #tpu.memory_space<semaphore_mem>>)
      %dma_wait3A = arith.constant 0 : i32
      %dma_wait3A_444 = tpu.memref_slice %arg15[%dma_wait3A] : memref<32xi32, #tpu.memory_space<vmem>> -> memref<32xi32, #tpu.memory_space<vmem>>
      %dma_wait3A_445 = tpu.memref_slice %arg3[%mul3A_166] : memref<1024xi32, #tpu.memory_space<hbm>> -> memref<32xi32, #tpu.memory_space<hbm>>
      %dma_wait3A_446 = arith.constant 0 : i32
      %dma_wait3A_447 = tpu.memref_slice %arg15[%dma_wait3A_446] : memref<32xi32, #tpu.memory_space<vmem>> -> memref<32xi32, #tpu.memory_space<vmem>>
      %dma_wait3A_448 = tpu.memref_slice %arg3[%mul3A_166] : memref<1024xi32, #tpu.memory_space<hbm>> -> memref<32xi32, #tpu.memory_space<hbm>>
      tpu.wait_dma2 semaphore(%run_scoped3A : memref<!tpu.dma_semaphore, #tpu.memory_space<semaphore_mem>>) src(%dma_wait3A_448 : memref<32xi32, #tpu.memory_space<hbm>>) dst(%dma_wait3A_447 : memref<32xi32, #tpu.memory_space<vmem>>)
      tpu.yield
    }) : () -> ()
    %get3A_167 = arith.constant 0 : index
    %get3A_168 = tpu.vector_load %arg15[%get3A_167] {strides = array<i32>} : memref<32xi32, #tpu.memory_space<vmem>>, vector<16xi32>,
    %get3A_169 = vector.shape_cast %get3A_168 : vector<16xi32> to vector<16xi32>
    %slice3A_170 = vector.extract_strided_slice %get3A_169 {offsets = [0], sizes = [1], strides = [1]} : vector<16xi32> to vector<1xi32>
    %squeeze3A_171 = vector.extract %slice3A_170[0] : i32 from vector<1xi32>
    %swap3A_172 = arith.constant 0 : i32
    %swap3A_173 = arith.index_cast %swap3A_172 : i32 to index
    %swap3A_174 = memref.load %arg13[%swap3A_173] : memref<32xi32, #tpu.memory_space<smem>>
    memref.store %squeeze3A_171, %arg13[%swap3A_173] : memref<32xi32, #tpu.memory_space<smem>>
    %slice3A_175 = vector.extract_strided_slice %get3A_169 {offsets = [1], sizes = [1], strides = [1]} : vector<16xi32> to vector<1xi32>
    %squeeze3A_176 = vector.extract %slice3A_175[0] : i32 from vector<1xi32>
    %swap3A_177 = arith.constant 1 : i32
    %swap3A_178 = arith.index_cast %swap3A_177 : i32 to index
    %swap3A_179 = memref.load %arg13[%swap3A_178] : memref<32xi32, #tpu.memory_space<smem>>
    memref.store %squeeze3A_176, %arg13[%swap3A_178] : memref<32xi32, #tpu.memory_space<smem>>
    %slice3A_180 = vector.extract_strided_slice %get3A_169 {offsets = [2], sizes = [1], strides = [1]} : vector<16xi32> to vector<1xi32>
    %squeeze3A_181 = vector.extract %slice3A_180[0] : i32 from vector<1xi32>
    %swap3A_182 = arith.constant 2 : i32
    %swap3A_183 = arith.index_cast %swap3A_182 : i32 to index
    %swap3A_184 = memref.load %arg13[%swap3A_183] : memref<32xi32, #tpu.memory_space<smem>>
    memref.store %squeeze3A_181, %arg13[%swap3A_183] : memref<32xi32, #tpu.memory_space<smem>>
    %slice3A_185 = vector.extract_strided_slice %get3A_169 {offsets = [3], sizes = [1], strides = [1]} : vector<16xi32> to vector<1xi32>
    %squeeze3A_186 = vector.extract %slice3A_185[0] : i32 from vector<1xi32>
    %swap3A_187 = arith.constant 3 : i32
    %swap3A_188 = arith.index_cast %swap3A_187 : i32 to index
    %swap3A_189 = memref.load %arg13[%swap3A_188] : memref<32xi32, #tpu.memory_space<smem>>
    memref.store %squeeze3A_186, %arg13[%swap3A_188] : memref<32xi32, #tpu.memory_space<smem>>
    %slice3A_190 = vector.extract_strided_slice %get3A_169 {offsets = [4], sizes = [1], strides = [1]} : vector<16xi32> to vector<1xi32>
    %squeeze3A_191 = vector.extract %slice3A_190[0] : i32 from vector<1xi32>
    %swap3A_192 = arith.constant 4 : i32
    %swap3A_193 = arith.index_cast %swap3A_192 : i32 to index
    %swap3A_194 = memref.load %arg13[%swap3A_193] : memref<32xi32, #tpu.memory_space<smem>>
    memref.store %squeeze3A_191, %arg13[%swap3A_193] : memref<32xi32, #tpu.memory_space<smem>>
    %slice3A_195 = vector.extract_strided_slice %get3A_169 {offsets = [5], sizes = [1], strides = [1]} : vector<16xi32> to vector<1xi32>
    %squeeze3A_196 = vector.extract %slice3A_195[0] : i32 from vector<1xi32>
    %swap3A_197 = arith.constant 5 : i32
    %swap3A_198 = arith.index_cast %swap3A_197 : i32 to index
    %swap3A_199 = memref.load %arg13[%swap3A_198] : memref<32xi32, #tpu.memory_space<smem>>
    memref.store %squeeze3A_196, %arg13[%swap3A_198] : memref<32xi32, #tpu.memory_space<smem>>
    %slice3A_200 = vector.extract_strided_slice %get3A_169 {offsets = [6], sizes = [1], strides = [1]} : vector<16xi32> to vector<1xi32>
    %squeeze3A_201 = vector.extract %slice3A_200[0] : i32 from vector<1xi32>
    %swap3A_202 = arith.constant 6 : i32
    %swap3A_203 = arith.index_cast %swap3A_202 : i32 to index
    %swap3A_204 = memref.load %arg13[%swap3A_203] : memref<32xi32, #tpu.memory_space<smem>>
    memref.store %squeeze3A_201, %arg13[%swap3A_203] : memref<32xi32, #tpu.memory_space<smem>>
    %slice3A_205 = vector.extract_strided_slice %get3A_169 {offsets = [7], sizes = [1], strides = [1]} : vector<16xi32> to vector<1xi32>
    %squeeze3A_206 = vector.extract %slice3A_205[0] : i32 from vector<1xi32>
    %swap3A_207 = arith.constant 7 : i32
    %swap3A_208 = arith.index_cast %swap3A_207 : i32 to index
    %swap3A_209 = memref.load %arg13[%swap3A_208] : memref<32xi32, #tpu.memory_space<smem>>
    memref.store %squeeze3A_206, %arg13[%swap3A_208] : memref<32xi32, #tpu.memory_space<smem>>
    %slice3A_210 = vector.extract_strided_slice %get3A_169 {offsets = [8], sizes = [1], strides = [1]} : vector<16xi32> to vector<1xi32>
    %squeeze3A_211 = vector.extract %slice3A_210[0] : i32 from vector<1xi32>
    %swap3A_212 = arith.constant 8 : i32
    %swap3A_213 = arith.index_cast %swap3A_212 : i32 to index
    %swap3A_214 = memref.load %arg13[%swap3A_213] : memref<32xi32, #tpu.memory_space<smem>>
    memref.store %squeeze3A_211, %arg13[%swap3A_213] : memref<32xi32, #tpu.memory_space<smem>>
    %slice3A_215 = vector.extract_strided_slice %get3A_169 {offsets = [9], sizes = [1], strides = [1]} : vector<16xi32> to vector<1xi32>
    %squeeze3A_216 = vector.extract %slice3A_215[0] : i32 from vector<1xi32>
    %swap3A_217 = arith.constant 9 : i32
    %swap3A_218 = arith.index_cast %swap3A_217 : i32 to index
    %swap3A_219 = memref.load %arg13[%swap3A_218] : memref<32xi32, #tpu.memory_space<smem>>
    memref.store %squeeze3A_216, %arg13[%swap3A_218] : memref<32xi32, #tpu.memory_space<smem>>
    %slice3A_220 = vector.extract_strided_slice %get3A_169 {offsets = [10], sizes = [1], strides = [1]} : vector<16xi32> to vector<1xi32>
    %squeeze3A_221 = vector.extract %slice3A_220[0] : i32 from vector<1xi32>
    %swap3A_222 = arith.constant 10 : i32
    %swap3A_223 = arith.index_cast %swap3A_222 : i32 to index
    %swap3A_224 = memref.load %arg13[%swap3A_223] : memref<32xi32, #tpu.memory_space<smem>>
    memref.store %squeeze3A_221, %arg13[%swap3A_223] : memref<32xi32, #tpu.memory_space<smem>>
    %slice3A_225 = vector.extract_strided_slice %get3A_169 {offsets = [11], sizes = [1], strides = [1]} : vector<16xi32> to vector<1xi32>
    %squeeze3A_226 = vector.extract %slice3A_225[0] : i32 from vector<1xi32>
    %swap3A_227 = arith.constant 11 : i32
    %swap3A_228 = arith.index_cast %swap3A_227 : i32 to index
    %swap3A_229 = memref.load %arg13[%swap3A_228] : memref<32xi32, #tpu.memory_space<smem>>
    memref.store %squeeze3A_226, %arg13[%swap3A_228] : memref<32xi32, #tpu.memory_space<smem>>
    %slice3A_230 = vector.extract_strided_slice %get3A_169 {offsets = [12], sizes = [1], strides = [1]} : vector<16xi32> to vector<1xi32>
    %squeeze3A_231 = vector.extract %slice3A_230[0] : i32 from vector<1xi32>
    %swap3A_232 = arith.constant 12 : i32
    %swap3A_233 = arith.index_cast %swap3A_232 : i32 to index
    %swap3A_234 = memref.load %arg13[%swap3A_233] : memref<32xi32, #tpu.memory_space<smem>>
    memref.store %squeeze3A_231, %arg13[%swap3A_233] : memref<32xi32, #tpu.memory_space<smem>>
    %slice3A_235 = vector.extract_strided_slice %get3A_169 {offsets = [13], sizes = [1], strides = [1]} : vector<16xi32> to vector<1xi32>
    %squeeze3A_236 = vector.extract %slice3A_235[0] : i32 from vector<1xi32>
    %swap3A_237 = arith.constant 13 : i32
    %swap3A_238 = arith.index_cast %swap3A_237 : i32 to index
    %swap3A_239 = memref.load %arg13[%swap3A_238] : memref<32xi32, #tpu.memory_space<smem>>
    memref.store %squeeze3A_236, %arg13[%swap3A_238] : memref<32xi32, #tpu.memory_space<smem>>
    %slice3A_240 = vector.extract_strided_slice %get3A_169 {offsets = [14], sizes = [1], strides = [1]} : vector<16xi32> to vector<1xi32>
    %squeeze3A_241 = vector.extract %slice3A_240[0] : i32 from vector<1xi32>
    %swap3A_242 = arith.constant 14 : i32
    %swap3A_243 = arith.index_cast %swap3A_242 : i32 to index
    %swap3A_244 = memref.load %arg13[%swap3A_243] : memref<32xi32, #tpu.memory_space<smem>>
    memref.store %squeeze3A_241, %arg13[%swap3A_243] : memref<32xi32, #tpu.memory_space<smem>>
    %slice3A_245 = vector.extract_strided_slice %get3A_169 {offsets = [15], sizes = [1], strides = [1]} : vector<16xi32> to vector<1xi32>
    %squeeze3A_246 = vector.extract %slice3A_245[0] : i32 from vector<1xi32>
    %swap3A_247 = arith.constant 15 : i32
    %swap3A_248 = arith.index_cast %swap3A_247 : i32 to index
    %swap3A_249 = memref.load %arg13[%swap3A_248] : memref<32xi32, #tpu.memory_space<smem>>
    memref.store %squeeze3A_246, %arg13[%swap3A_248] : memref<32xi32, #tpu.memory_space<smem>>
    %get3A_250 = arith.constant 16 : index
    %get3A_251 = tpu.vector_load %arg15[%get3A_250] {strides = array<i32>} : memref<32xi32, #tpu.memory_space<vmem>>, vector<16xi32>,
    %get3A_252 = vector.shape_cast %get3A_251 : vector<16xi32> to vector<16xi32>
    %slice3A_253 = vector.extract_strided_slice %get3A_252 {offsets = [0], sizes = [1], strides = [1]} : vector<16xi32> to vector<1xi32>
    %squeeze3A_254 = vector.extract %slice3A_253[0] : i32 from vector<1xi32>
    %swap3A_255 = arith.constant 16 : i32
    %swap3A_256 = arith.index_cast %swap3A_255 : i32 to index
    %swap3A_257 = memref.load %arg13[%swap3A_256] : memref<32xi32, #tpu.memory_space<smem>>
    memref.store %squeeze3A_254, %arg13[%swap3A_256] : memref<32xi32, #tpu.memory_space<smem>>
    %slice3A_258 = vector.extract_strided_slice %get3A_252 {offsets = [1], sizes = [1], strides = [1]} : vector<16xi32> to vector<1xi32>
    %squeeze3A_259 = vector.extract %slice3A_258[0] : i32 from vector<1xi32>
    %swap3A_260 = arith.constant 17 : i32
    %swap3A_261 = arith.index_cast %swap3A_260 : i32 to index
    %swap3A_262 = memref.load %arg13[%swap3A_261] : memref<32xi32, #tpu.memory_space<smem>>
    memref.store %squeeze3A_259, %arg13[%swap3A_261] : memref<32xi32, #tpu.memory_space<smem>>
    %slice3A_263 = vector.extract_strided_slice %get3A_252 {offsets = [2], sizes = [1], strides = [1]} : vector<16xi32> to vector<1xi32>
    %squeeze3A_264 = vector.extract %slice3A_263[0] : i32 from vector<1xi32>
    %swap3A_265 = arith.constant 18 : i32
    %swap3A_266 = arith.index_cast %swap3A_265 : i32 to index
    %swap3A_267 = memref.load %arg13[%swap3A_266] : memref<32xi32, #tpu.memory_space<smem>>
    memref.store %squeeze3A_264, %arg13[%swap3A_266] : memref<32xi32, #tpu.memory_space<smem>>
    %slice3A_268 = vector.extract_strided_slice %get3A_252 {offsets = [3], sizes = [1], strides = [1]} : vector<16xi32> to vector<1xi32>
    %squeeze3A_269 = vector.extract %slice3A_268[0] : i32 from vector<1xi32>
    %swap3A_270 = arith.constant 19 : i32
    %swap3A_271 = arith.index_cast %swap3A_270 : i32 to index
    %swap3A_272 = memref.load %arg13[%swap3A_271] : memref<32xi32, #tpu.memory_space<smem>>
    memref.store %squeeze3A_269, %arg13[%swap3A_271] : memref<32xi32, #tpu.memory_space<smem>>
    %slice3A_273 = vector.extract_strided_slice %get3A_252 {offsets = [4], sizes = [1], strides = [1]} : vector<16xi32> to vector<1xi32>
    %squeeze3A_274 = vector.extract %slice3A_273[0] : i32 from vector<1xi32>
    %swap3A_275 = arith.constant 20 : i32
    %swap3A_276 = arith.index_cast %swap3A_275 : i32 to index
    %swap3A_277 = memref.load %arg13[%swap3A_276] : memref<32xi32, #tpu.memory_space<smem>>
    memref.store %squeeze3A_274, %arg13[%swap3A_276] : memref<32xi32, #tpu.memory_space<smem>>
    %slice3A_278 = vector.extract_strided_slice %get3A_252 {offsets = [5], sizes = [1], strides = [1]} : vector<16xi32> to vector<1xi32>
    %squeeze3A_279 = vector.extract %slice3A_278[0] : i32 from vector<1xi32>
    %swap3A_280 = arith.constant 21 : i32
    %swap3A_281 = arith.index_cast %swap3A_280 : i32 to index
    %swap3A_282 = memref.load %arg13[%swap3A_281] : memref<32xi32, #tpu.memory_space<smem>>
    memref.store %squeeze3A_279, %arg13[%swap3A_281] : memref<32xi32, #tpu.memory_space<smem>>
    %slice3A_283 = vector.extract_strided_slice %get3A_252 {offsets = [6], sizes = [1], strides = [1]} : vector<16xi32> to vector<1xi32>
    %squeeze3A_284 = vector.extract %slice3A_283[0] : i32 from vector<1xi32>
    %swap3A_285 = arith.constant 22 : i32
    %swap3A_286 = arith.index_cast %swap3A_285 : i32 to index
    %swap3A_287 = memref.load %arg13[%swap3A_286] : memref<32xi32, #tpu.memory_space<smem>>
    memref.store %squeeze3A_284, %arg13[%swap3A_286] : memref<32xi32, #tpu.memory_space<smem>>
    %slice3A_288 = vector.extract_strided_slice %get3A_252 {offsets = [7], sizes = [1], strides = [1]} : vector<16xi32> to vector<1xi32>
    %squeeze3A_289 = vector.extract %slice3A_288[0] : i32 from vector<1xi32>
    %swap3A_290 = arith.constant 23 : i32
    %swap3A_291 = arith.index_cast %swap3A_290 : i32 to index
    %swap3A_292 = memref.load %arg13[%swap3A_291] : memref<32xi32, #tpu.memory_space<smem>>
    memref.store %squeeze3A_289, %arg13[%swap3A_291] : memref<32xi32, #tpu.memory_space<smem>>
    %slice3A_293 = vector.extract_strided_slice %get3A_252 {offsets = [8], sizes = [1], strides = [1]} : vector<16xi32> to vector<1xi32>
    %squeeze3A_294 = vector.extract %slice3A_293[0] : i32 from vector<1xi32>
    %swap3A_295 = arith.constant 24 : i32
    %swap3A_296 = arith.index_cast %swap3A_295 : i32 to index
    %swap3A_297 = memref.load %arg13[%swap3A_296] : memref<32xi32, #tpu.memory_space<smem>>
    memref.store %squeeze3A_294, %arg13[%swap3A_296] : memref<32xi32, #tpu.memory_space<smem>>
    %slice3A_298 = vector.extract_strided_slice %get3A_252 {offsets = [9], sizes = [1], strides = [1]} : vector<16xi32> to vector<1xi32>
    %squeeze3A_299 = vector.extract %slice3A_298[0] : i32 from vector<1xi32>
    %swap3A_300 = arith.constant 25 : i32
    %swap3A_301 = arith.index_cast %swap3A_300 : i32 to index
    %swap3A_302 = memref.load %arg13[%swap3A_301] : memref<32xi32, #tpu.memory_space<smem>>
    memref.store %squeeze3A_299, %arg13[%swap3A_301] : memref<32xi32, #tpu.memory_space<smem>>
    %slice3A_303 = vector.extract_strided_slice %get3A_252 {offsets = [10], sizes = [1], strides = [1]} : vector<16xi32> to vector<1xi32>
    %squeeze3A_304 = vector.extract %slice3A_303[0] : i32 from vector<1xi32>
    %swap3A_305 = arith.constant 26 : i32
    %swap3A_306 = arith.index_cast %swap3A_305 : i32 to index
    %swap3A_307 = memref.load %arg13[%swap3A_306] : memref<32xi32, #tpu.memory_space<smem>>
    memref.store %squeeze3A_304, %arg13[%swap3A_306] : memref<32xi32, #tpu.memory_space<smem>>
    %slice3A_308 = vector.extract_strided_slice %get3A_252 {offsets = [11], sizes = [1], strides = [1]} : vector<16xi32> to vector<1xi32>
    %squeeze3A_309 = vector.extract %slice3A_308[0] : i32 from vector<1xi32>
    %swap3A_310 = arith.constant 27 : i32
    %swap3A_311 = arith.index_cast %swap3A_310 : i32 to index
    %swap3A_312 = memref.load %arg13[%swap3A_311] : memref<32xi32, #tpu.memory_space<smem>>
    memref.store %squeeze3A_309, %arg13[%swap3A_311] : memref<32xi32, #tpu.memory_space<smem>>
    %slice3A_313 = vector.extract_strided_slice %get3A_252 {offsets = [12], sizes = [1], strides = [1]} : vector<16xi32> to vector<1xi32>
    %squeeze3A_314 = vector.extract %slice3A_313[0] : i32 from vector<1xi32>
    %swap3A_315 = arith.constant 28 : i32
    %swap3A_316 = arith.index_cast %swap3A_315 : i32 to index
    %swap3A_317 = memref.load %arg13[%swap3A_316] : memref<32xi32, #tpu.memory_space<smem>>
    memref.store %squeeze3A_314, %arg13[%swap3A_316] : memref<32xi32, #tpu.memory_space<smem>>
    %slice3A_318 = vector.extract_strided_slice %get3A_252 {offsets = [13], sizes = [1], strides = [1]} : vector<16xi32> to vector<1xi32>
    %squeeze3A_319 = vector.extract %slice3A_318[0] : i32 from vector<1xi32>
    %swap3A_320 = arith.constant 29 : i32
    %swap3A_321 = arith.index_cast %swap3A_320 : i32 to index
    %swap3A_322 = memref.load %arg13[%swap3A_321] : memref<32xi32, #tpu.memory_space<smem>>
    memref.store %squeeze3A_319, %arg13[%swap3A_321] : memref<32xi32, #tpu.memory_space<smem>>
    %slice3A_323 = vector.extract_strided_slice %get3A_252 {offsets = [14], sizes = [1], strides = [1]} : vector<16xi32> to vector<1xi32>
    %squeeze3A_324 = vector.extract %slice3A_323[0] : i32 from vector<1xi32>
    %swap3A_325 = arith.constant 30 : i32
    %swap3A_326 = arith.index_cast %swap3A_325 : i32 to index
    %swap3A_327 = memref.load %arg13[%swap3A_326] : memref<32xi32, #tpu.memory_space<smem>>
    memref.store %squeeze3A_324, %arg13[%swap3A_326] : memref<32xi32, #tpu.memory_space<smem>>
    %slice3A_328 = vector.extract_strided_slice %get3A_252 {offsets = [15], sizes = [1], strides = [1]} : vector<16xi32> to vector<1xi32>
    %squeeze3A_329 = vector.extract %slice3A_328[0] : i32 from vector<1xi32>
    %swap3A_330 = arith.constant 31 : i32
    %swap3A_331 = arith.index_cast %swap3A_330 : i32 to index
    %swap3A_332 = memref.load %arg13[%swap3A_331] : memref<32xi32, #tpu.memory_space<smem>>
    memref.store %squeeze3A_329, %arg13[%swap3A_331] : memref<32xi32, #tpu.memory_space<smem>>
    %broadcast_in_dim3A = arith.constant 3.000000e+04 : f32
    %broadcast_in_dim3A_333 = vector.broadcast %broadcast_in_dim3A : f32 to vector<16xf32>
    %broadcast_in_dim3A_334 = arith.constant 1.000000e-01 : f32
    %broadcast_in_dim3A_335 = vector.broadcast %broadcast_in_dim3A_334 : f32 to vector<16xf32>
    %broadcast_in_dim3A_336 = arith.constant 1 : i32
    %broadcast_in_dim3A_337 = vector.broadcast %broadcast_in_dim3A_336 : i32 to vector<16xi32>
    %broadcast_in_dim3A_338 = arith.constant 0 : i32
    %broadcast_in_dim3A_339 = vector.broadcast %broadcast_in_dim3A_338 : i32 to vector<16xi32>
    %iota3A = tpu.iota {dimensions = array<i32: 0>} : vector<16xi32>
    %broadcast_in_dim3A_340 = arith.constant 1 : i32
    %broadcast_in_dim3A_341 = vector.broadcast %broadcast_in_dim3A_340 : i32 to vector<16xi32>
    %xor3A = arith.xori %iota3A, %broadcast_in_dim3A_341 : vector<16xi32>
    %broadcast_in_dim3A_342 = arith.constant 2 : i32
    %broadcast_in_dim3A_343 = vector.broadcast %broadcast_in_dim3A_342 : i32 to vector<16xi32>
    %xor3A_344 = arith.xori %iota3A, %broadcast_in_dim3A_343 : vector<16xi32>
    %broadcast_in_dim3A_345 = arith.constant 4 : i32
    %broadcast_in_dim3A_346 = vector.broadcast %broadcast_in_dim3A_345 : i32 to vector<16xi32>
    %xor3A_347 = arith.xori %iota3A, %broadcast_in_dim3A_346 : vector<16xi32>
    %broadcast_in_dim3A_348 = arith.constant 8 : i32
    %broadcast_in_dim3A_349 = vector.broadcast %broadcast_in_dim3A_348 : i32 to vector<16xi32>
    %xor3A_350 = arith.xori %iota3A, %broadcast_in_dim3A_349 : vector<16xi32>
    %parallel_loop3A = arith.constant 0 : i32
    %parallel_loop3A_351 = arith.constant 2048 : i32
    %parallel_loop3A_352 = arith.constant 16 : i32
    %parallel_loop3A_353 = scf.for %parallel_loop3A_439 = %parallel_loop3A to %parallel_loop3A_351 step %parallel_loop3A_352 iter_args(%parallel_loop3A_440 = %broadcast_in_dim3A_339) -> (vector<16xi32>)  : i32 {
      %parallel_loop3A_441 = arith.index_cast %parallel_loop3A_439 : i32 to index
      %parallel_loop3A_442 = tpu.vector_load %arg11[%parallel_loop3A_441] {strides = array<i32>} : memref<2048xf32, #tpu.memory_space<vmem>>, vector<16xf32>,
      %parallel_loop3A_443 = vector.shape_cast %parallel_loop3A_442 : vector<16xf32> to vector<16xf32>
      %parallel_loop3A_444 = math.absf %parallel_loop3A_443 : vector<16xf32>
      %parallel_loop3A_445 = arith.cmpf ogt, %parallel_loop3A_444, %broadcast_in_dim3A_335 : vector<16xf32>
      %parallel_loop3A_446 = arith.index_cast %parallel_loop3A_439 : i32 to index
      %parallel_loop3A_447 = tpu.vector_load %arg8[%parallel_loop3A_446] {strides = array<i32>} : memref<2048xf32, #tpu.memory_space<vmem>>, vector<16xf32>,
      %parallel_loop3A_448 = vector.shape_cast %parallel_loop3A_447 : vector<16xf32> to vector<16xf32>
      %parallel_loop3A_449 = arith.select %parallel_loop3A_445, %parallel_loop3A_448, %broadcast_in_dim3A_333 : vector<16xi1>, vector<16xf32>
      %parallel_loop3A_450 = arith.index_cast %parallel_loop3A_439 : i32 to index
      %parallel_loop3A_451 = tpu.vector_load %arg9[%parallel_loop3A_450] {strides = array<i32>} : memref<2048xf32, #tpu.memory_space<vmem>>, vector<16xf32>,
      %parallel_loop3A_452 = vector.shape_cast %parallel_loop3A_451 : vector<16xf32> to vector<16xf32>
      %parallel_loop3A_453 = arith.select %parallel_loop3A_445, %parallel_loop3A_452, %broadcast_in_dim3A_333 : vector<16xi1>, vector<16xf32>
      %parallel_loop3A_454 = arith.index_cast %parallel_loop3A_439 : i32 to index
      %parallel_loop3A_455 = tpu.vector_load %arg8[%parallel_loop3A_454] {strides = array<i32>} : memref<2048xf32, #tpu.memory_space<vmem>>, vector<16xf32>,
      %parallel_loop3A_456 = vector.shape_cast %parallel_loop3A_455 : vector<16xf32> to vector<16xf32>
      %parallel_loop3A_457 = vector.shape_cast %parallel_loop3A_449 : vector<16xf32> to vector<16xf32>
      tpu.vector_store %arg8[%parallel_loop3A_454], %parallel_loop3A_457 {strides = array<i32>} : memref<2048xf32, #tpu.memory_space<vmem>>, vector<16xf32>,
      %parallel_loop3A_458 = arith.index_cast %parallel_loop3A_439 : i32 to index
      %parallel_loop3A_459 = tpu.vector_load %arg9[%parallel_loop3A_458] {strides = array<i32>} : memref<2048xf32, #tpu.memory_space<vmem>>, vector<16xf32>,
      %parallel_loop3A_460 = vector.shape_cast %parallel_loop3A_459 : vector<16xf32> to vector<16xf32>
      %parallel_loop3A_461 = vector.shape_cast %parallel_loop3A_453 : vector<16xf32> to vector<16xf32>
      tpu.vector_store %arg9[%parallel_loop3A_458], %parallel_loop3A_461 {strides = array<i32>} : memref<2048xf32, #tpu.memory_space<vmem>>, vector<16xf32>,
      %parallel_loop3A_462 = arith.mulf %parallel_loop3A_449, %parallel_loop3A_449 : vector<16xf32>
      %parallel_loop3A_463 = arith.mulf %parallel_loop3A_453, %parallel_loop3A_453 : vector<16xf32>
      %parallel_loop3A_464 = arith.addf %parallel_loop3A_462, %parallel_loop3A_463 : vector<16xf32>
      %parallel_loop3A_465 = arith.index_cast %parallel_loop3A_439 : i32 to index
      %parallel_loop3A_466 = tpu.vector_load %arg10[%parallel_loop3A_465] {strides = array<i32>} : memref<2048xf32, #tpu.memory_space<vmem>>, vector<16xf32>,
      %parallel_loop3A_467 = vector.shape_cast %parallel_loop3A_466 : vector<16xf32> to vector<16xf32>
      %parallel_loop3A_468 = vector.shape_cast %parallel_loop3A_464 : vector<16xf32> to vector<16xf32>
      tpu.vector_store %arg10[%parallel_loop3A_465], %parallel_loop3A_468 {strides = array<i32>} : memref<2048xf32, #tpu.memory_space<vmem>>, vector<16xf32>,
      %parallel_loop3A_469 = arith.select %parallel_loop3A_445, %broadcast_in_dim3A_337, %broadcast_in_dim3A_339 : vector<16xi1>, vector<16xi32>
      %parallel_loop3A_470 = arith.addi %parallel_loop3A_440, %parallel_loop3A_469 : vector<16xi32>
      scf.yield %parallel_loop3A_470 : vector<16xi32>
    } {sc.loop_unroll_factor = 1 : i64, sc.parallel_access}
    %lt3A = arith.constant 0 : i32
    %lt3A_354 = vector.broadcast %lt3A : i32 to vector<16xi32>
    %lt3A_355 = arith.cmpi slt, %xor3A, %lt3A_354 : vector<16xi32>
    %add3A_356 = arith.constant 16 : i32
    %add3A_357 = vector.broadcast %add3A_356 : i32 to vector<16xi32>
    %add3A_358 = arith.addi %xor3A, %add3A_357 : vector<16xi32>
    %select_n3A = arith.select %lt3A_355, %add3A_358, %xor3A : vector<16xi1>, vector<16xi32>
    %broadcast_in_dim3A_359 = vector.shape_cast %select_n3A : vector<16xi32> to vector<16x1xi32>
    %gather3A = vector.shape_cast %broadcast_in_dim3A_359 : vector<16x1xi32> to vector<16xi32>
    %gather3A_360 = tpu.dynamic_gather %parallel_loop3A_353[%gather3A] in [0] : vector<16xi32>, vector<16xi32> -> vector<16xi32>
    %add3A_361 = arith.addi %parallel_loop3A_353, %gather3A_360 : vector<16xi32>
    %lt3A_362 = arith.constant 0 : i32
    %lt3A_363 = vector.broadcast %lt3A_362 : i32 to vector<16xi32>
    %lt3A_364 = arith.cmpi slt, %xor3A_344, %lt3A_363 : vector<16xi32>
    %add3A_365 = arith.constant 16 : i32
    %add3A_366 = vector.broadcast %add3A_365 : i32 to vector<16xi32>
    %add3A_367 = arith.addi %xor3A_344, %add3A_366 : vector<16xi32>
    %select_n3A_368 = arith.select %lt3A_364, %add3A_367, %xor3A_344 : vector<16xi1>, vector<16xi32>
    %broadcast_in_dim3A_369 = vector.shape_cast %select_n3A_368 : vector<16xi32> to vector<16x1xi32>
    %gather3A_370 = vector.shape_cast %broadcast_in_dim3A_369 : vector<16x1xi32> to vector<16xi32>
    %gather3A_371 = tpu.dynamic_gather %add3A_361[%gather3A_370] in [0] : vector<16xi32>, vector<16xi32> -> vector<16xi32>
    %add3A_372 = arith.addi %add3A_361, %gather3A_371 : vector<16xi32>
    %lt3A_373 = arith.constant 0 : i32
    %lt3A_374 = vector.broadcast %lt3A_373 : i32 to vector<16xi32>
    %lt3A_375 = arith.cmpi slt, %xor3A_347, %lt3A_374 : vector<16xi32>
    %add3A_376 = arith.constant 16 : i32
    %add3A_377 = vector.broadcast %add3A_376 : i32 to vector<16xi32>
    %add3A_378 = arith.addi %xor3A_347, %add3A_377 : vector<16xi32>
    %select_n3A_379 = arith.select %lt3A_375, %add3A_378, %xor3A_347 : vector<16xi1>, vector<16xi32>
    %broadcast_in_dim3A_380 = vector.shape_cast %select_n3A_379 : vector<16xi32> to vector<16x1xi32>
    %gather3A_381 = vector.shape_cast %broadcast_in_dim3A_380 : vector<16x1xi32> to vector<16xi32>
    %gather3A_382 = tpu.dynamic_gather %add3A_372[%gather3A_381] in [0] : vector<16xi32>, vector<16xi32> -> vector<16xi32>
    %add3A_383 = arith.addi %add3A_372, %gather3A_382 : vector<16xi32>
    %lt3A_384 = arith.constant 0 : i32
    %lt3A_385 = vector.broadcast %lt3A_384 : i32 to vector<16xi32>
    %lt3A_386 = arith.cmpi slt, %xor3A_350, %lt3A_385 : vector<16xi32>
    %add3A_387 = arith.constant 16 : i32
    %add3A_388 = vector.broadcast %add3A_387 : i32 to vector<16xi32>
    %add3A_389 = arith.addi %xor3A_350, %add3A_388 : vector<16xi32>
    %select_n3A_390 = arith.select %lt3A_386, %add3A_389, %xor3A_350 : vector<16xi1>, vector<16xi32>
    %broadcast_in_dim3A_391 = vector.shape_cast %select_n3A_390 : vector<16xi32> to vector<16x1xi32>
    %gather3A_392 = vector.shape_cast %broadcast_in_dim3A_391 : vector<16x1xi32> to vector<16xi32>
    %gather3A_393 = tpu.dynamic_gather %add3A_383[%gather3A_392] in [0] : vector<16xi32>, vector<16xi32> -> vector<16xi32>
    %add3A_394 = arith.addi %add3A_383, %gather3A_393 : vector<16xi32>
    %gt3A = arith.cmpi sgt, %add3A_394, %broadcast_in_dim3A_337 : vector<16xi32>
    %broadcast_in_dim3A_395 = arith.constant 0.00999999977 : f32
    %broadcast_in_dim3A_396 = vector.broadcast %broadcast_in_dim3A_395 : f32 to vector<16xf32>
    %broadcast_in_dim3A_397 = arith.constant 0.000000e+00 : f32
    %broadcast_in_dim3A_398 = vector.broadcast %broadcast_in_dim3A_397 : f32 to vector<16xf32>
    %select_n3A_399 = arith.select %gt3A, %broadcast_in_dim3A_396, %broadcast_in_dim3A_398 : vector<16xi1>, vector<16xf32>
    %broadcast_in_dim3A_400 = arith.constant 0 : i32
    %broadcast_in_dim3A_401 = vector.broadcast %broadcast_in_dim3A_400 : i32 to vector<16xi32>
    %eq3A = arith.cmpi eq, %iota3A, %broadcast_in_dim3A_401 : vector<16xi32>
    %broadcast_in_dim3A_402 = arith.constant 1 : i32
    %broadcast_in_dim3A_403 = vector.broadcast %broadcast_in_dim3A_402 : i32 to vector<16xi32>
    %eq3A_404 = arith.cmpi eq, %iota3A, %broadcast_in_dim3A_403 : vector<16xi32>
    %broadcast_in_dim3A_405 = arith.constant 2 : i32
    %broadcast_in_dim3A_406 = vector.broadcast %broadcast_in_dim3A_405 : i32 to vector<16xi32>
    %eq3A_407 = arith.cmpi eq, %iota3A, %broadcast_in_dim3A_406 : vector<16xi32>
    %broadcast_in_dim3A_408 = arith.constant 3 : i32
    %broadcast_in_dim3A_409 = vector.broadcast %broadcast_in_dim3A_408 : i32 to vector<16xi32>
    %eq3A_410 = arith.cmpi eq, %iota3A, %broadcast_in_dim3A_409 : vector<16xi32>
    %broadcast_in_dim3A_411 = arith.constant 4 : i32
    %broadcast_in_dim3A_412 = vector.broadcast %broadcast_in_dim3A_411 : i32 to vector<16xi32>
    %eq3A_413 = arith.cmpi eq, %iota3A, %broadcast_in_dim3A_412 : vector<16xi32>
    %broadcast_in_dim3A_414 = arith.constant 5 : i32
    %broadcast_in_dim3A_415 = vector.broadcast %broadcast_in_dim3A_414 : i32 to vector<16xi32>
    %eq3A_416 = arith.cmpi eq, %iota3A, %broadcast_in_dim3A_415 : vector<16xi32>
    %broadcast_in_dim3A_417 = arith.constant 6 : i32
    %broadcast_in_dim3A_418 = vector.broadcast %broadcast_in_dim3A_417 : i32 to vector<16xi32>
    %eq3A_419 = arith.cmpi eq, %iota3A, %broadcast_in_dim3A_418 : vector<16xi32>
    %broadcast_in_dim3A_420 = arith.constant 7 : i32
    %broadcast_in_dim3A_421 = vector.broadcast %broadcast_in_dim3A_420 : i32 to vector<16xi32>
    %eq3A_422 = arith.cmpi eq, %iota3A, %broadcast_in_dim3A_421 : vector<16xi32>
    %broadcast_in_dim3A_423 = arith.constant 8 : i32
    %broadcast_in_dim3A_424 = vector.broadcast %broadcast_in_dim3A_423 : i32 to vector<16xi32>
    %eq3A_425 = arith.cmpi eq, %iota3A, %broadcast_in_dim3A_424 : vector<16xi32>
    %scan3A = arith.constant 0 : i32
    %scan3A_426 = arith.constant 0 : i32
    %scan3A_427 = arith.constant 32 : i32
    %scan3A_428 = arith.addi %scan3A_426, %scan3A_427 : i32
    %scan3A_429 = arith.constant 1 : i32
    %scan3A_430 = scf.for %scan3A_439 = %scan3A_426 to %scan3A_428 step %scan3A_429 iter_args(%scan3A_440 = %scan3A) -> (i32)  : i32 {
      %get3A_441 = arith.index_cast %scan3A_439 : i32 to index
      %get3A_442 = memref.load %arg12[%get3A_441] : memref<32xi32, #tpu.memory_space<smem>>
      %get3A_443 = arith.index_cast %scan3A_439 : i32 to index
      %get3A_444 = memref.load %arg13[%get3A_443] : memref<32xi32, #tpu.memory_space<smem>>
      %add3A_445 = arith.constant 0 : i32
      %add3A_446 = arith.addi %get3A_442, %add3A_445 : i32
      %lt3A_447 = arith.constant 0 : i32
      %lt3A_448 = arith.cmpi slt, %add3A_446, %lt3A_447 : i32
      %add3A_449 = arith.constant 513 : i32
      %add3A_450 = arith.addi %add3A_446, %add3A_449 : i32
      %select_n3A_451 = arith.select %lt3A_448, %add3A_450, %add3A_446 : i32
      %ge3A = arith.constant 513 : i32
      %ge3A_452 = arith.cmpi sge, %select_n3A_451, %ge3A : i32
      %sub3A = arith.constant 513 : i32
      %sub3A_453 = arith.subi %select_n3A_451, %sub3A : i32
      %select_n3A_454 = arith.select %ge3A_452, %sub3A_453, %select_n3A_451 : i32
      %convert_element_type3A = arith.sitofp %select_n3A_454 : i32 to f32
      %add3A_455 = arith.constant -1 : i32
      %add3A_456 = arith.addi %get3A_442, %add3A_455 : i32
      %lt3A_457 = arith.constant 0 : i32
      %lt3A_458 = arith.cmpi slt, %add3A_456, %lt3A_457 : i32
      %add3A_459 = arith.constant 513 : i32
      %add3A_460 = arith.addi %add3A_456, %add3A_459 : i32
      %select_n3A_461 = arith.select %lt3A_458, %add3A_460, %add3A_456 : i32
      %ge3A_462 = arith.constant 513 : i32
      %ge3A_463 = arith.cmpi sge, %select_n3A_461, %ge3A_462 : i32
      %sub3A_464 = arith.constant 513 : i32
      %sub3A_465 = arith.subi %select_n3A_461, %sub3A_464 : i32
      %select_n3A_466 = arith.select %ge3A_463, %sub3A_465, %select_n3A_461 : i32
      %convert_element_type3A_467 = arith.sitofp %select_n3A_466 : i32 to f32
      %add3A_468 = arith.constant 1 : i32
      %add3A_469 = arith.addi %get3A_442, %add3A_468 : i32
      %lt3A_470 = arith.constant 0 : i32
      %lt3A_471 = arith.cmpi slt, %add3A_469, %lt3A_470 : i32
      %add3A_472 = arith.constant 513 : i32
      %add3A_473 = arith.addi %add3A_469, %add3A_472 : i32
      %select_n3A_474 = arith.select %lt3A_471, %add3A_473, %add3A_469 : i32
      %ge3A_475 = arith.constant 513 : i32
      %ge3A_476 = arith.cmpi sge, %select_n3A_474, %ge3A_475 : i32
      %sub3A_477 = arith.constant 513 : i32
      %sub3A_478 = arith.subi %select_n3A_474, %sub3A_477 : i32
      %select_n3A_479 = arith.select %ge3A_476, %sub3A_478, %select_n3A_474 : i32
      %convert_element_type3A_480 = arith.sitofp %select_n3A_479 : i32 to f32
      %add3A_481 = arith.constant 0 : i32
      %add3A_482 = arith.addi %get3A_444, %add3A_481 : i32
      %lt3A_483 = arith.constant 0 : i32
      %lt3A_484 = arith.cmpi slt, %add3A_482, %lt3A_483 : i32
      %add3A_485 = arith.constant 513 : i32
      %add3A_486 = arith.addi %add3A_482, %add3A_485 : i32
      %select_n3A_487 = arith.select %lt3A_484, %add3A_486, %add3A_482 : i32
      %ge3A_488 = arith.constant 513 : i32
      %ge3A_489 = arith.cmpi sge, %select_n3A_487, %ge3A_488 : i32
      %sub3A_490 = arith.constant 513 : i32
      %sub3A_491 = arith.subi %select_n3A_487, %sub3A_490 : i32
      %select_n3A_492 = arith.select %ge3A_489, %sub3A_491, %select_n3A_487 : i32
      %convert_element_type3A_493 = arith.sitofp %select_n3A_492 : i32 to f32
      %add3A_494 = arith.constant 1 : i32
      %add3A_495 = arith.addi %get3A_444, %add3A_494 : i32
      %lt3A_496 = arith.constant 0 : i32
      %lt3A_497 = arith.cmpi slt, %add3A_495, %lt3A_496 : i32
      %add3A_498 = arith.constant 513 : i32
      %add3A_499 = arith.addi %add3A_495, %add3A_498 : i32
      %select_n3A_500 = arith.select %lt3A_497, %add3A_499, %add3A_495 : i32
      %ge3A_501 = arith.constant 513 : i32
      %ge3A_502 = arith.cmpi sge, %select_n3A_500, %ge3A_501 : i32
      %sub3A_503 = arith.constant 513 : i32
      %sub3A_504 = arith.subi %select_n3A_500, %sub3A_503 : i32
      %select_n3A_505 = arith.select %ge3A_502, %sub3A_504, %select_n3A_500 : i32
      %convert_element_type3A_506 = arith.sitofp %select_n3A_505 : i32 to f32
      %add3A_507 = arith.constant -1 : i32
      %add3A_508 = arith.addi %get3A_444, %add3A_507 : i32
      %lt3A_509 = arith.constant 0 : i32
      %lt3A_510 = arith.cmpi slt, %add3A_508, %lt3A_509 : i32
      %add3A_511 = arith.constant 513 : i32
      %add3A_512 = arith.addi %add3A_508, %add3A_511 : i32
      %select_n3A_513 = arith.select %lt3A_510, %add3A_512, %add3A_508 : i32
      %ge3A_514 = arith.constant 513 : i32
      %ge3A_515 = arith.cmpi sge, %select_n3A_513, %ge3A_514 : i32
      %sub3A_516 = arith.constant 513 : i32
      %sub3A_517 = arith.subi %select_n3A_513, %sub3A_516 : i32
      %select_n3A_518 = arith.select %ge3A_515, %sub3A_517, %select_n3A_513 : i32
      %convert_element_type3A_519 = arith.sitofp %select_n3A_518 : i32 to f32
      %mul3A_520 = arith.constant -2.000000e+00 : f32
      %mul3A_521 = arith.mulf %mul3A_520, %convert_element_type3A : f32
      %broadcast_in_dim3A_522 = vector.broadcast %mul3A_521 : f32 to vector<16xf32>
      %mul3A_523 = arith.constant -2.000000e+00 : f32
      %mul3A_524 = arith.mulf %mul3A_523, %convert_element_type3A_467 : f32
      %broadcast_in_dim3A_525 = vector.broadcast %mul3A_524 : f32 to vector<16xf32>
      %mul3A_526 = arith.constant -2.000000e+00 : f32
      %mul3A_527 = arith.mulf %mul3A_526, %convert_element_type3A_480 : f32
      %broadcast_in_dim3A_528 = vector.broadcast %mul3A_527 : f32 to vector<16xf32>
      %mul3A_529 = arith.constant -2.000000e+00 : f32
      %mul3A_530 = arith.mulf %mul3A_529, %convert_element_type3A_493 : f32
      %broadcast_in_dim3A_531 = vector.broadcast %mul3A_530 : f32 to vector<16xf32>
      %mul3A_532 = arith.constant -2.000000e+00 : f32
      %mul3A_533 = arith.mulf %mul3A_532, %convert_element_type3A_506 : f32
      %broadcast_in_dim3A_534 = vector.broadcast %mul3A_533 : f32 to vector<16xf32>
      %mul3A_535 = arith.constant -2.000000e+00 : f32
      %mul3A_536 = arith.mulf %mul3A_535, %convert_element_type3A_519 : f32
      %broadcast_in_dim3A_537 = vector.broadcast %mul3A_536 : f32 to vector<16xf32>
      %broadcast_in_dim3A_538 = arith.constant 3.000000e+38 : f32
      %broadcast_in_dim3A_539 = vector.broadcast %broadcast_in_dim3A_538 : f32 to vector<16xf32>
      %broadcast_in_dim3A_540 = arith.constant 3.000000e+38 : f32
      %broadcast_in_dim3A_541 = vector.broadcast %broadcast_in_dim3A_540 : f32 to vector<16xf32>
      %broadcast_in_dim3A_542 = arith.constant 3.000000e+38 : f32
      %broadcast_in_dim3A_543 = vector.broadcast %broadcast_in_dim3A_542 : f32 to vector<16xf32>
      %broadcast_in_dim3A_544 = arith.constant 3.000000e+38 : f32
      %broadcast_in_dim3A_545 = vector.broadcast %broadcast_in_dim3A_544 : f32 to vector<16xf32>
      %broadcast_in_dim3A_546 = arith.constant 3.000000e+38 : f32
      %broadcast_in_dim3A_547 = vector.broadcast %broadcast_in_dim3A_546 : f32 to vector<16xf32>
      %broadcast_in_dim3A_548 = arith.constant 3.000000e+38 : f32
      %broadcast_in_dim3A_549 = vector.broadcast %broadcast_in_dim3A_548 : f32 to vector<16xf32>
      %broadcast_in_dim3A_550 = arith.constant 3.000000e+38 : f32
      %broadcast_in_dim3A_551 = vector.broadcast %broadcast_in_dim3A_550 : f32 to vector<16xf32>
      %broadcast_in_dim3A_552 = arith.constant 3.000000e+38 : f32
      %broadcast_in_dim3A_553 = vector.broadcast %broadcast_in_dim3A_552 : f32 to vector<16xf32>
      %broadcast_in_dim3A_554 = arith.constant 3.000000e+38 : f32
      %broadcast_in_dim3A_555 = vector.broadcast %broadcast_in_dim3A_554 : f32 to vector<16xf32>
      %parallel_loop3A_556 = arith.constant 0 : i32
      %parallel_loop3A_557 = arith.constant 2048 : i32
      %parallel_loop3A_558 = arith.constant 16 : i32
      %parallel_loop3A_559:9 = scf.for %parallel_loop3A_1018 = %parallel_loop3A_556 to %parallel_loop3A_557 step %parallel_loop3A_558 iter_args(%parallel_loop3A_1019 = %broadcast_in_dim3A_539, %parallel_loop3A_1020 = %broadcast_in_dim3A_541, %parallel_loop3A_1021 = %broadcast_in_dim3A_543, %parallel_loop3A_1022 = %broadcast_in_dim3A_545, %parallel_loop3A_1023 = %broadcast_in_dim3A_547, %parallel_loop3A_1024 = %broadcast_in_dim3A_549, %parallel_loop3A_1025 = %broadcast_in_dim3A_551, %parallel_loop3A_1026 = %broadcast_in_dim3A_553, %parallel_loop3A_1027 = %broadcast_in_dim3A_555) -> (vector<16xf32>, vector<16xf32>, vector<16xf32>, vector<16xf32>, vector<16xf32>, vector<16xf32>, vector<16xf32>, vector<16xf32>, vector<16xf32>)  : i32 {
        %parallel_loop3A_1028 = arith.index_cast %parallel_loop3A_1018 : i32 to index
        %parallel_loop3A_1029 = tpu.vector_load %arg8[%parallel_loop3A_1028] {strides = array<i32>} : memref<2048xf32, #tpu.memory_space<vmem>>, vector<16xf32>,
        %parallel_loop3A_1030 = vector.shape_cast %parallel_loop3A_1029 : vector<16xf32> to vector<16xf32>
        %parallel_loop3A_1031 = arith.index_cast %parallel_loop3A_1018 : i32 to index
        %parallel_loop3A_1032 = tpu.vector_load %arg9[%parallel_loop3A_1031] {strides = array<i32>} : memref<2048xf32, #tpu.memory_space<vmem>>, vector<16xf32>,
        %parallel_loop3A_1033 = vector.shape_cast %parallel_loop3A_1032 : vector<16xf32> to vector<16xf32>
        %parallel_loop3A_1034 = arith.index_cast %parallel_loop3A_1018 : i32 to index
        %parallel_loop3A_1035 = tpu.vector_load %arg10[%parallel_loop3A_1034] {strides = array<i32>} : memref<2048xf32, #tpu.memory_space<vmem>>, vector<16xf32>,
        %parallel_loop3A_1036 = vector.shape_cast %parallel_loop3A_1035 : vector<16xf32> to vector<16xf32>
        %parallel_loop3A_1037 = arith.mulf %broadcast_in_dim3A_522, %parallel_loop3A_1030 : vector<16xf32>
        %parallel_loop3A_1038 = arith.addf %parallel_loop3A_1036, %parallel_loop3A_1037 : vector<16xf32>
        %parallel_loop3A_1039 = arith.mulf %broadcast_in_dim3A_525, %parallel_loop3A_1030 : vector<16xf32>
        %parallel_loop3A_1040 = arith.addf %parallel_loop3A_1036, %parallel_loop3A_1039 : vector<16xf32>
        %parallel_loop3A_1041 = arith.mulf %broadcast_in_dim3A_528, %parallel_loop3A_1030 : vector<16xf32>
        %parallel_loop3A_1042 = arith.addf %parallel_loop3A_1036, %parallel_loop3A_1041 : vector<16xf32>
        %parallel_loop3A_1043 = arith.mulf %broadcast_in_dim3A_531, %parallel_loop3A_1033 : vector<16xf32>
        %parallel_loop3A_1044 = arith.mulf %broadcast_in_dim3A_534, %parallel_loop3A_1033 : vector<16xf32>
        %parallel_loop3A_1045 = arith.mulf %broadcast_in_dim3A_537, %parallel_loop3A_1033 : vector<16xf32>
        %parallel_loop3A_1046 = arith.addf %parallel_loop3A_1038, %parallel_loop3A_1043 : vector<16xf32>
        %parallel_loop3A_1047 = arith.minimumf %parallel_loop3A_1019, %parallel_loop3A_1046 : vector<16xf32>
        %parallel_loop3A_1048 = arith.addf %parallel_loop3A_1040, %parallel_loop3A_1043 : vector<16xf32>
        %parallel_loop3A_1049 = arith.minimumf %parallel_loop3A_1020, %parallel_loop3A_1048 : vector<16xf32>
        %parallel_loop3A_1050 = arith.addf %parallel_loop3A_1042, %parallel_loop3A_1043 : vector<16xf32>
        %parallel_loop3A_1051 = arith.minimumf %parallel_loop3A_1021, %parallel_loop3A_1050 : vector<16xf32>
        %parallel_loop3A_1052 = arith.addf %parallel_loop3A_1038, %parallel_loop3A_1044 : vector<16xf32>
        %parallel_loop3A_1053 = arith.minimumf %parallel_loop3A_1022, %parallel_loop3A_1052 : vector<16xf32>
        %parallel_loop3A_1054 = arith.addf %parallel_loop3A_1040, %parallel_loop3A_1044 : vector<16xf32>
        %parallel_loop3A_1055 = arith.minimumf %parallel_loop3A_1023, %parallel_loop3A_1054 : vector<16xf32>
        %parallel_loop3A_1056 = arith.addf %parallel_loop3A_1042, %parallel_loop3A_1044 : vector<16xf32>
        %parallel_loop3A_1057 = arith.minimumf %parallel_loop3A_1024, %parallel_loop3A_1056 : vector<16xf32>
        %parallel_loop3A_1058 = arith.addf %parallel_loop3A_1038, %parallel_loop3A_1045 : vector<16xf32>
        %parallel_loop3A_1059 = arith.minimumf %parallel_loop3A_1025, %parallel_loop3A_1058 : vector<16xf32>
        %parallel_loop3A_1060 = arith.addf %parallel_loop3A_1040, %parallel_loop3A_1045 : vector<16xf32>
        %parallel_loop3A_1061 = arith.minimumf %parallel_loop3A_1026, %parallel_loop3A_1060 : vector<16xf32>
        %parallel_loop3A_1062 = arith.addf %parallel_loop3A_1042, %parallel_loop3A_1045 : vector<16xf32>
        %parallel_loop3A_1063 = arith.minimumf %parallel_loop3A_1027, %parallel_loop3A_1062 : vector<16xf32>
        scf.yield %parallel_loop3A_1047, %parallel_loop3A_1049, %parallel_loop3A_1051, %parallel_loop3A_1053, %parallel_loop3A_1055, %parallel_loop3A_1057, %parallel_loop3A_1059, %parallel_loop3A_1061, %parallel_loop3A_1063 : vector<16xf32>, vector<16xf32>, vector<16xf32>, vector<16xf32>, vector<16xf32>, vector<16xf32>, vector<16xf32>, vector<16xf32>, vector<16xf32>
      } {sc.loop_unroll_factor = 4 : i64, sc.parallel_access}
      %broadcast_in_dim3A_560 = arith.constant 0.000000e+00 : f32
      %broadcast_in_dim3A_561 = vector.broadcast %broadcast_in_dim3A_560 : f32 to vector<16xf32>
      %mul3A_562 = arith.mulf %convert_element_type3A, %convert_element_type3A : f32
      %mul3A_563 = arith.mulf %convert_element_type3A_493, %convert_element_type3A_493 : f32
      %add3A_564 = arith.addf %mul3A_562, %mul3A_563 : f32
      %broadcast_in_dim3A_565 = vector.broadcast %add3A_564 : f32 to vector<16xf32>
      %lt3A_566 = arith.constant 0 : i32
      %lt3A_567 = vector.broadcast %lt3A_566 : i32 to vector<16xi32>
      %lt3A_568 = arith.cmpi slt, %xor3A, %lt3A_567 : vector<16xi32>
      %add3A_569 = arith.constant 16 : i32
      %add3A_570 = vector.broadcast %add3A_569 : i32 to vector<16xi32>
      %add3A_571 = arith.addi %xor3A, %add3A_570 : vector<16xi32>
      %select_n3A_572 = arith.select %lt3A_568, %add3A_571, %xor3A : vector<16xi1>, vector<16xi32>
      %broadcast_in_dim3A_573 = vector.shape_cast %select_n3A_572 : vector<16xi32> to vector<16x1xi32>
      %gather3A_574 = vector.shape_cast %broadcast_in_dim3A_573 : vector<16x1xi32> to vector<16xi32>
      %gather3A_575 = tpu.dynamic_gather %parallel_loop3A_559#0[%gather3A_574] in [0] : vector<16xf32>, vector<16xi32> -> vector<16xf32>
      %min3A = arith.minimumf %parallel_loop3A_559#0, %gather3A_575 : vector<16xf32>
      %lt3A_576 = arith.constant 0 : i32
      %lt3A_577 = vector.broadcast %lt3A_576 : i32 to vector<16xi32>
      %lt3A_578 = arith.cmpi slt, %xor3A_344, %lt3A_577 : vector<16xi32>
      %add3A_579 = arith.constant 16 : i32
      %add3A_580 = vector.broadcast %add3A_579 : i32 to vector<16xi32>
      %add3A_581 = arith.addi %xor3A_344, %add3A_580 : vector<16xi32>
      %select_n3A_582 = arith.select %lt3A_578, %add3A_581, %xor3A_344 : vector<16xi1>, vector<16xi32>
      %broadcast_in_dim3A_583 = vector.shape_cast %select_n3A_582 : vector<16xi32> to vector<16x1xi32>
      %gather3A_584 = vector.shape_cast %broadcast_in_dim3A_583 : vector<16x1xi32> to vector<16xi32>
      %gather3A_585 = tpu.dynamic_gather %min3A[%gather3A_584] in [0] : vector<16xf32>, vector<16xi32> -> vector<16xf32>
      %min3A_586 = arith.minimumf %min3A, %gather3A_585 : vector<16xf32>
      %lt3A_587 = arith.constant 0 : i32
      %lt3A_588 = vector.broadcast %lt3A_587 : i32 to vector<16xi32>
      %lt3A_589 = arith.cmpi slt, %xor3A_347, %lt3A_588 : vector<16xi32>
      %add3A_590 = arith.constant 16 : i32
      %add3A_591 = vector.broadcast %add3A_590 : i32 to vector<16xi32>
      %add3A_592 = arith.addi %xor3A_347, %add3A_591 : vector<16xi32>
      %select_n3A_593 = arith.select %lt3A_589, %add3A_592, %xor3A_347 : vector<16xi1>, vector<16xi32>
      %broadcast_in_dim3A_594 = vector.shape_cast %select_n3A_593 : vector<16xi32> to vector<16x1xi32>
      %gather3A_595 = vector.shape_cast %broadcast_in_dim3A_594 : vector<16x1xi32> to vector<16xi32>
      %gather3A_596 = tpu.dynamic_gather %min3A_586[%gather3A_595] in [0] : vector<16xf32>, vector<16xi32> -> vector<16xf32>
      %min3A_597 = arith.minimumf %min3A_586, %gather3A_596 : vector<16xf32>
      %lt3A_598 = arith.constant 0 : i32
      %lt3A_599 = vector.broadcast %lt3A_598 : i32 to vector<16xi32>
      %lt3A_600 = arith.cmpi slt, %xor3A_350, %lt3A_599 : vector<16xi32>
      %add3A_601 = arith.constant 16 : i32
      %add3A_602 = vector.broadcast %add3A_601 : i32 to vector<16xi32>
      %add3A_603 = arith.addi %xor3A_350, %add3A_602 : vector<16xi32>
      %select_n3A_604 = arith.select %lt3A_600, %add3A_603, %xor3A_350 : vector<16xi1>, vector<16xi32>
      %broadcast_in_dim3A_605 = vector.shape_cast %select_n3A_604 : vector<16xi32> to vector<16x1xi32>
      %gather3A_606 = vector.shape_cast %broadcast_in_dim3A_605 : vector<16x1xi32> to vector<16xi32>
      %gather3A_607 = tpu.dynamic_gather %min3A_597[%gather3A_606] in [0] : vector<16xf32>, vector<16xi32> -> vector<16xf32>
      %min3A_608 = arith.minimumf %min3A_597, %gather3A_607 : vector<16xf32>
      %add3A_609 = arith.addf %min3A_608, %broadcast_in_dim3A_565 : vector<16xf32>
      %select_n3A_610 = arith.select %eq3A, %add3A_609, %broadcast_in_dim3A_561 : vector<16xi1>, vector<16xf32>
      %mul3A_611 = arith.mulf %convert_element_type3A_467, %convert_element_type3A_467 : f32
      %mul3A_612 = arith.mulf %convert_element_type3A_493, %convert_element_type3A_493 : f32
      %add3A_613 = arith.addf %mul3A_611, %mul3A_612 : f32
      %broadcast_in_dim3A_614 = vector.broadcast %add3A_613 : f32 to vector<16xf32>
      %lt3A_615 = arith.constant 0 : i32
      %lt3A_616 = vector.broadcast %lt3A_615 : i32 to vector<16xi32>
      %lt3A_617 = arith.cmpi slt, %xor3A, %lt3A_616 : vector<16xi32>
      %add3A_618 = arith.constant 16 : i32
      %add3A_619 = vector.broadcast %add3A_618 : i32 to vector<16xi32>
      %add3A_620 = arith.addi %xor3A, %add3A_619 : vector<16xi32>
      %select_n3A_621 = arith.select %lt3A_617, %add3A_620, %xor3A : vector<16xi1>, vector<16xi32>
      %broadcast_in_dim3A_622 = vector.shape_cast %select_n3A_621 : vector<16xi32> to vector<16x1xi32>
      %gather3A_623 = vector.shape_cast %broadcast_in_dim3A_622 : vector<16x1xi32> to vector<16xi32>
      %gather3A_624 = tpu.dynamic_gather %parallel_loop3A_559#1[%gather3A_623] in [0] : vector<16xf32>, vector<16xi32> -> vector<16xf32>
      %min3A_625 = arith.minimumf %parallel_loop3A_559#1, %gather3A_624 : vector<16xf32>
      %lt3A_626 = arith.constant 0 : i32
      %lt3A_627 = vector.broadcast %lt3A_626 : i32 to vector<16xi32>
      %lt3A_628 = arith.cmpi slt, %xor3A_344, %lt3A_627 : vector<16xi32>
      %add3A_629 = arith.constant 16 : i32
      %add3A_630 = vector.broadcast %add3A_629 : i32 to vector<16xi32>
      %add3A_631 = arith.addi %xor3A_344, %add3A_630 : vector<16xi32>
      %select_n3A_632 = arith.select %lt3A_628, %add3A_631, %xor3A_344 : vector<16xi1>, vector<16xi32>
      %broadcast_in_dim3A_633 = vector.shape_cast %select_n3A_632 : vector<16xi32> to vector<16x1xi32>
      %gather3A_634 = vector.shape_cast %broadcast_in_dim3A_633 : vector<16x1xi32> to vector<16xi32>
      %gather3A_635 = tpu.dynamic_gather %min3A_625[%gather3A_634] in [0] : vector<16xf32>, vector<16xi32> -> vector<16xf32>
      %min3A_636 = arith.minimumf %min3A_625, %gather3A_635 : vector<16xf32>
      %lt3A_637 = arith.constant 0 : i32
      %lt3A_638 = vector.broadcast %lt3A_637 : i32 to vector<16xi32>
      %lt3A_639 = arith.cmpi slt, %xor3A_347, %lt3A_638 : vector<16xi32>
      %add3A_640 = arith.constant 16 : i32
      %add3A_641 = vector.broadcast %add3A_640 : i32 to vector<16xi32>
      %add3A_642 = arith.addi %xor3A_347, %add3A_641 : vector<16xi32>
      %select_n3A_643 = arith.select %lt3A_639, %add3A_642, %xor3A_347 : vector<16xi1>, vector<16xi32>
      %broadcast_in_dim3A_644 = vector.shape_cast %select_n3A_643 : vector<16xi32> to vector<16x1xi32>
      %gather3A_645 = vector.shape_cast %broadcast_in_dim3A_644 : vector<16x1xi32> to vector<16xi32>
      %gather3A_646 = tpu.dynamic_gather %min3A_636[%gather3A_645] in [0] : vector<16xf32>, vector<16xi32> -> vector<16xf32>
      %min3A_647 = arith.minimumf %min3A_636, %gather3A_646 : vector<16xf32>
      %lt3A_648 = arith.constant 0 : i32
      %lt3A_649 = vector.broadcast %lt3A_648 : i32 to vector<16xi32>
      %lt3A_650 = arith.cmpi slt, %xor3A_350, %lt3A_649 : vector<16xi32>
      %add3A_651 = arith.constant 16 : i32
      %add3A_652 = vector.broadcast %add3A_651 : i32 to vector<16xi32>
      %add3A_653 = arith.addi %xor3A_350, %add3A_652 : vector<16xi32>
      %select_n3A_654 = arith.select %lt3A_650, %add3A_653, %xor3A_350 : vector<16xi1>, vector<16xi32>
      %broadcast_in_dim3A_655 = vector.shape_cast %select_n3A_654 : vector<16xi32> to vector<16x1xi32>
      %gather3A_656 = vector.shape_cast %broadcast_in_dim3A_655 : vector<16x1xi32> to vector<16xi32>
      %gather3A_657 = tpu.dynamic_gather %min3A_647[%gather3A_656] in [0] : vector<16xf32>, vector<16xi32> -> vector<16xf32>
      %min3A_658 = arith.minimumf %min3A_647, %gather3A_657 : vector<16xf32>
      %add3A_659 = arith.addf %min3A_658, %broadcast_in_dim3A_614 : vector<16xf32>
      %select_n3A_660 = arith.select %eq3A_404, %add3A_659, %select_n3A_610 : vector<16xi1>, vector<16xf32>
      %mul3A_661 = arith.mulf %convert_element_type3A_480, %convert_element_type3A_480 : f32
      %mul3A_662 = arith.mulf %convert_element_type3A_493, %convert_element_type3A_493 : f32
      %add3A_663 = arith.addf %mul3A_661, %mul3A_662 : f32
      %broadcast_in_dim3A_664 = vector.broadcast %add3A_663 : f32 to vector<16xf32>
      %lt3A_665 = arith.constant 0 : i32
      %lt3A_666 = vector.broadcast %lt3A_665 : i32 to vector<16xi32>
      %lt3A_667 = arith.cmpi slt, %xor3A, %lt3A_666 : vector<16xi32>
      %add3A_668 = arith.constant 16 : i32
      %add3A_669 = vector.broadcast %add3A_668 : i32 to vector<16xi32>
      %add3A_670 = arith.addi %xor3A, %add3A_669 : vector<16xi32>
      %select_n3A_671 = arith.select %lt3A_667, %add3A_670, %xor3A : vector<16xi1>, vector<16xi32>
      %broadcast_in_dim3A_672 = vector.shape_cast %select_n3A_671 : vector<16xi32> to vector<16x1xi32>
      %gather3A_673 = vector.shape_cast %broadcast_in_dim3A_672 : vector<16x1xi32> to vector<16xi32>
      %gather3A_674 = tpu.dynamic_gather %parallel_loop3A_559#2[%gather3A_673] in [0] : vector<16xf32>, vector<16xi32> -> vector<16xf32>
      %min3A_675 = arith.minimumf %parallel_loop3A_559#2, %gather3A_674 : vector<16xf32>
      %lt3A_676 = arith.constant 0 : i32
      %lt3A_677 = vector.broadcast %lt3A_676 : i32 to vector<16xi32>
      %lt3A_678 = arith.cmpi slt, %xor3A_344, %lt3A_677 : vector<16xi32>
      %add3A_679 = arith.constant 16 : i32
      %add3A_680 = vector.broadcast %add3A_679 : i32 to vector<16xi32>
      %add3A_681 = arith.addi %xor3A_344, %add3A_680 : vector<16xi32>
      %select_n3A_682 = arith.select %lt3A_678, %add3A_681, %xor3A_344 : vector<16xi1>, vector<16xi32>
      %broadcast_in_dim3A_683 = vector.shape_cast %select_n3A_682 : vector<16xi32> to vector<16x1xi32>
      %gather3A_684 = vector.shape_cast %broadcast_in_dim3A_683 : vector<16x1xi32> to vector<16xi32>
      %gather3A_685 = tpu.dynamic_gather %min3A_675[%gather3A_684] in [0] : vector<16xf32>, vector<16xi32> -> vector<16xf32>
      %min3A_686 = arith.minimumf %min3A_675, %gather3A_685 : vector<16xf32>
      %lt3A_687 = arith.constant 0 : i32
      %lt3A_688 = vector.broadcast %lt3A_687 : i32 to vector<16xi32>
      %lt3A_689 = arith.cmpi slt, %xor3A_347, %lt3A_688 : vector<16xi32>
      %add3A_690 = arith.constant 16 : i32
      %add3A_691 = vector.broadcast %add3A_690 : i32 to vector<16xi32>
      %add3A_692 = arith.addi %xor3A_347, %add3A_691 : vector<16xi32>
      %select_n3A_693 = arith.select %lt3A_689, %add3A_692, %xor3A_347 : vector<16xi1>, vector<16xi32>
      %broadcast_in_dim3A_694 = vector.shape_cast %select_n3A_693 : vector<16xi32> to vector<16x1xi32>
      %gather3A_695 = vector.shape_cast %broadcast_in_dim3A_694 : vector<16x1xi32> to vector<16xi32>
      %gather3A_696 = tpu.dynamic_gather %min3A_686[%gather3A_695] in [0] : vector<16xf32>, vector<16xi32> -> vector<16xf32>
      %min3A_697 = arith.minimumf %min3A_686, %gather3A_696 : vector<16xf32>
      %lt3A_698 = arith.constant 0 : i32
      %lt3A_699 = vector.broadcast %lt3A_698 : i32 to vector<16xi32>
      %lt3A_700 = arith.cmpi slt, %xor3A_350, %lt3A_699 : vector<16xi32>
      %add3A_701 = arith.constant 16 : i32
      %add3A_702 = vector.broadcast %add3A_701 : i32 to vector<16xi32>
      %add3A_703 = arith.addi %xor3A_350, %add3A_702 : vector<16xi32>
      %select_n3A_704 = arith.select %lt3A_700, %add3A_703, %xor3A_350 : vector<16xi1>, vector<16xi32>
      %broadcast_in_dim3A_705 = vector.shape_cast %select_n3A_704 : vector<16xi32> to vector<16x1xi32>
      %gather3A_706 = vector.shape_cast %broadcast_in_dim3A_705 : vector<16x1xi32> to vector<16xi32>
      %gather3A_707 = tpu.dynamic_gather %min3A_697[%gather3A_706] in [0] : vector<16xf32>, vector<16xi32> -> vector<16xf32>
      %min3A_708 = arith.minimumf %min3A_697, %gather3A_707 : vector<16xf32>
      %add3A_709 = arith.addf %min3A_708, %broadcast_in_dim3A_664 : vector<16xf32>
      %select_n3A_710 = arith.select %eq3A_407, %add3A_709, %select_n3A_660 : vector<16xi1>, vector<16xf32>
      %mul3A_711 = arith.mulf %convert_element_type3A, %convert_element_type3A : f32
      %mul3A_712 = arith.mulf %convert_element_type3A_506, %convert_element_type3A_506 : f32
      %add3A_713 = arith.addf %mul3A_711, %mul3A_712 : f32
      %broadcast_in_dim3A_714 = vector.broadcast %add3A_713 : f32 to vector<16xf32>
      %lt3A_715 = arith.constant 0 : i32
      %lt3A_716 = vector.broadcast %lt3A_715 : i32 to vector<16xi32>
      %lt3A_717 = arith.cmpi slt, %xor3A, %lt3A_716 : vector<16xi32>
      %add3A_718 = arith.constant 16 : i32
      %add3A_719 = vector.broadcast %add3A_718 : i32 to vector<16xi32>
      %add3A_720 = arith.addi %xor3A, %add3A_719 : vector<16xi32>
      %select_n3A_721 = arith.select %lt3A_717, %add3A_720, %xor3A : vector<16xi1>, vector<16xi32>
      %broadcast_in_dim3A_722 = vector.shape_cast %select_n3A_721 : vector<16xi32> to vector<16x1xi32>
      %gather3A_723 = vector.shape_cast %broadcast_in_dim3A_722 : vector<16x1xi32> to vector<16xi32>
      %gather3A_724 = tpu.dynamic_gather %parallel_loop3A_559#3[%gather3A_723] in [0] : vector<16xf32>, vector<16xi32> -> vector<16xf32>
      %min3A_725 = arith.minimumf %parallel_loop3A_559#3, %gather3A_724 : vector<16xf32>
      %lt3A_726 = arith.constant 0 : i32
      %lt3A_727 = vector.broadcast %lt3A_726 : i32 to vector<16xi32>
      %lt3A_728 = arith.cmpi slt, %xor3A_344, %lt3A_727 : vector<16xi32>
      %add3A_729 = arith.constant 16 : i32
      %add3A_730 = vector.broadcast %add3A_729 : i32 to vector<16xi32>
      %add3A_731 = arith.addi %xor3A_344, %add3A_730 : vector<16xi32>
      %select_n3A_732 = arith.select %lt3A_728, %add3A_731, %xor3A_344 : vector<16xi1>, vector<16xi32>
      %broadcast_in_dim3A_733 = vector.shape_cast %select_n3A_732 : vector<16xi32> to vector<16x1xi32>
      %gather3A_734 = vector.shape_cast %broadcast_in_dim3A_733 : vector<16x1xi32> to vector<16xi32>
      %gather3A_735 = tpu.dynamic_gather %min3A_725[%gather3A_734] in [0] : vector<16xf32>, vector<16xi32> -> vector<16xf32>
      %min3A_736 = arith.minimumf %min3A_725, %gather3A_735 : vector<16xf32>
      %lt3A_737 = arith.constant 0 : i32
      %lt3A_738 = vector.broadcast %lt3A_737 : i32 to vector<16xi32>
      %lt3A_739 = arith.cmpi slt, %xor3A_347, %lt3A_738 : vector<16xi32>
      %add3A_740 = arith.constant 16 : i32
      %add3A_741 = vector.broadcast %add3A_740 : i32 to vector<16xi32>
      %add3A_742 = arith.addi %xor3A_347, %add3A_741 : vector<16xi32>
      %select_n3A_743 = arith.select %lt3A_739, %add3A_742, %xor3A_347 : vector<16xi1>, vector<16xi32>
      %broadcast_in_dim3A_744 = vector.shape_cast %select_n3A_743 : vector<16xi32> to vector<16x1xi32>
      %gather3A_745 = vector.shape_cast %broadcast_in_dim3A_744 : vector<16x1xi32> to vector<16xi32>
      %gather3A_746 = tpu.dynamic_gather %min3A_736[%gather3A_745] in [0] : vector<16xf32>, vector<16xi32> -> vector<16xf32>
      %min3A_747 = arith.minimumf %min3A_736, %gather3A_746 : vector<16xf32>
      %lt3A_748 = arith.constant 0 : i32
      %lt3A_749 = vector.broadcast %lt3A_748 : i32 to vector<16xi32>
      %lt3A_750 = arith.cmpi slt, %xor3A_350, %lt3A_749 : vector<16xi32>
      %add3A_751 = arith.constant 16 : i32
      %add3A_752 = vector.broadcast %add3A_751 : i32 to vector<16xi32>
      %add3A_753 = arith.addi %xor3A_350, %add3A_752 : vector<16xi32>
      %select_n3A_754 = arith.select %lt3A_750, %add3A_753, %xor3A_350 : vector<16xi1>, vector<16xi32>
      %broadcast_in_dim3A_755 = vector.shape_cast %select_n3A_754 : vector<16xi32> to vector<16x1xi32>
      %gather3A_756 = vector.shape_cast %broadcast_in_dim3A_755 : vector<16x1xi32> to vector<16xi32>
      %gather3A_757 = tpu.dynamic_gather %min3A_747[%gather3A_756] in [0] : vector<16xf32>, vector<16xi32> -> vector<16xf32>
      %min3A_758 = arith.minimumf %min3A_747, %gather3A_757 : vector<16xf32>
      %add3A_759 = arith.addf %min3A_758, %broadcast_in_dim3A_714 : vector<16xf32>
      %select_n3A_760 = arith.select %eq3A_410, %add3A_759, %select_n3A_710 : vector<16xi1>, vector<16xf32>
      %mul3A_761 = arith.mulf %convert_element_type3A_467, %convert_element_type3A_467 : f32
      %mul3A_762 = arith.mulf %convert_element_type3A_506, %convert_element_type3A_506 : f32
      %add3A_763 = arith.addf %mul3A_761, %mul3A_762 : f32
      %broadcast_in_dim3A_764 = vector.broadcast %add3A_763 : f32 to vector<16xf32>
      %lt3A_765 = arith.constant 0 : i32
      %lt3A_766 = vector.broadcast %lt3A_765 : i32 to vector<16xi32>
      %lt3A_767 = arith.cmpi slt, %xor3A, %lt3A_766 : vector<16xi32>
      %add3A_768 = arith.constant 16 : i32
      %add3A_769 = vector.broadcast %add3A_768 : i32 to vector<16xi32>
      %add3A_770 = arith.addi %xor3A, %add3A_769 : vector<16xi32>
      %select_n3A_771 = arith.select %lt3A_767, %add3A_770, %xor3A : vector<16xi1>, vector<16xi32>
      %broadcast_in_dim3A_772 = vector.shape_cast %select_n3A_771 : vector<16xi32> to vector<16x1xi32>
      %gather3A_773 = vector.shape_cast %broadcast_in_dim3A_772 : vector<16x1xi32> to vector<16xi32>
      %gather3A_774 = tpu.dynamic_gather %parallel_loop3A_559#4[%gather3A_773] in [0] : vector<16xf32>, vector<16xi32> -> vector<16xf32>
      %min3A_775 = arith.minimumf %parallel_loop3A_559#4, %gather3A_774 : vector<16xf32>
      %lt3A_776 = arith.constant 0 : i32
      %lt3A_777 = vector.broadcast %lt3A_776 : i32 to vector<16xi32>
      %lt3A_778 = arith.cmpi slt, %xor3A_344, %lt3A_777 : vector<16xi32>
      %add3A_779 = arith.constant 16 : i32
      %add3A_780 = vector.broadcast %add3A_779 : i32 to vector<16xi32>
      %add3A_781 = arith.addi %xor3A_344, %add3A_780 : vector<16xi32>
      %select_n3A_782 = arith.select %lt3A_778, %add3A_781, %xor3A_344 : vector<16xi1>, vector<16xi32>
      %broadcast_in_dim3A_783 = vector.shape_cast %select_n3A_782 : vector<16xi32> to vector<16x1xi32>
      %gather3A_784 = vector.shape_cast %broadcast_in_dim3A_783 : vector<16x1xi32> to vector<16xi32>
      %gather3A_785 = tpu.dynamic_gather %min3A_775[%gather3A_784] in [0] : vector<16xf32>, vector<16xi32> -> vector<16xf32>
      %min3A_786 = arith.minimumf %min3A_775, %gather3A_785 : vector<16xf32>
      %lt3A_787 = arith.constant 0 : i32
      %lt3A_788 = vector.broadcast %lt3A_787 : i32 to vector<16xi32>
      %lt3A_789 = arith.cmpi slt, %xor3A_347, %lt3A_788 : vector<16xi32>
      %add3A_790 = arith.constant 16 : i32
      %add3A_791 = vector.broadcast %add3A_790 : i32 to vector<16xi32>
      %add3A_792 = arith.addi %xor3A_347, %add3A_791 : vector<16xi32>
      %select_n3A_793 = arith.select %lt3A_789, %add3A_792, %xor3A_347 : vector<16xi1>, vector<16xi32>
      %broadcast_in_dim3A_794 = vector.shape_cast %select_n3A_793 : vector<16xi32> to vector<16x1xi32>
      %gather3A_795 = vector.shape_cast %broadcast_in_dim3A_794 : vector<16x1xi32> to vector<16xi32>
      %gather3A_796 = tpu.dynamic_gather %min3A_786[%gather3A_795] in [0] : vector<16xf32>, vector<16xi32> -> vector<16xf32>
      %min3A_797 = arith.minimumf %min3A_786, %gather3A_796 : vector<16xf32>
      %lt3A_798 = arith.constant 0 : i32
      %lt3A_799 = vector.broadcast %lt3A_798 : i32 to vector<16xi32>
      %lt3A_800 = arith.cmpi slt, %xor3A_350, %lt3A_799 : vector<16xi32>
      %add3A_801 = arith.constant 16 : i32
      %add3A_802 = vector.broadcast %add3A_801 : i32 to vector<16xi32>
      %add3A_803 = arith.addi %xor3A_350, %add3A_802 : vector<16xi32>
      %select_n3A_804 = arith.select %lt3A_800, %add3A_803, %xor3A_350 : vector<16xi1>, vector<16xi32>
      %broadcast_in_dim3A_805 = vector.shape_cast %select_n3A_804 : vector<16xi32> to vector<16x1xi32>
      %gather3A_806 = vector.shape_cast %broadcast_in_dim3A_805 : vector<16x1xi32> to vector<16xi32>
      %gather3A_807 = tpu.dynamic_gather %min3A_797[%gather3A_806] in [0] : vector<16xf32>, vector<16xi32> -> vector<16xf32>
      %min3A_808 = arith.minimumf %min3A_797, %gather3A_807 : vector<16xf32>
      %add3A_809 = arith.addf %min3A_808, %broadcast_in_dim3A_764 : vector<16xf32>
      %select_n3A_810 = arith.select %eq3A_413, %add3A_809, %select_n3A_760 : vector<16xi1>, vector<16xf32>
      %mul3A_811 = arith.mulf %convert_element_type3A_480, %convert_element_type3A_480 : f32
      %mul3A_812 = arith.mulf %convert_element_type3A_506, %convert_element_type3A_506 : f32
      %add3A_813 = arith.addf %mul3A_811, %mul3A_812 : f32
      %broadcast_in_dim3A_814 = vector.broadcast %add3A_813 : f32 to vector<16xf32>
      %lt3A_815 = arith.constant 0 : i32
      %lt3A_816 = vector.broadcast %lt3A_815 : i32 to vector<16xi32>
      %lt3A_817 = arith.cmpi slt, %xor3A, %lt3A_816 : vector<16xi32>
      %add3A_818 = arith.constant 16 : i32
      %add3A_819 = vector.broadcast %add3A_818 : i32 to vector<16xi32>
      %add3A_820 = arith.addi %xor3A, %add3A_819 : vector<16xi32>
      %select_n3A_821 = arith.select %lt3A_817, %add3A_820, %xor3A : vector<16xi1>, vector<16xi32>
      %broadcast_in_dim3A_822 = vector.shape_cast %select_n3A_821 : vector<16xi32> to vector<16x1xi32>
      %gather3A_823 = vector.shape_cast %broadcast_in_dim3A_822 : vector<16x1xi32> to vector<16xi32>
      %gather3A_824 = tpu.dynamic_gather %parallel_loop3A_559#5[%gather3A_823] in [0] : vector<16xf32>, vector<16xi32> -> vector<16xf32>
      %min3A_825 = arith.minimumf %parallel_loop3A_559#5, %gather3A_824 : vector<16xf32>
      %lt3A_826 = arith.constant 0 : i32
      %lt3A_827 = vector.broadcast %lt3A_826 : i32 to vector<16xi32>
      %lt3A_828 = arith.cmpi slt, %xor3A_344, %lt3A_827 : vector<16xi32>
      %add3A_829 = arith.constant 16 : i32
      %add3A_830 = vector.broadcast %add3A_829 : i32 to vector<16xi32>
      %add3A_831 = arith.addi %xor3A_344, %add3A_830 : vector<16xi32>
      %select_n3A_832 = arith.select %lt3A_828, %add3A_831, %xor3A_344 : vector<16xi1>, vector<16xi32>
      %broadcast_in_dim3A_833 = vector.shape_cast %select_n3A_832 : vector<16xi32> to vector<16x1xi32>
      %gather3A_834 = vector.shape_cast %broadcast_in_dim3A_833 : vector<16x1xi32> to vector<16xi32>
      %gather3A_835 = tpu.dynamic_gather %min3A_825[%gather3A_834] in [0] : vector<16xf32>, vector<16xi32> -> vector<16xf32>
      %min3A_836 = arith.minimumf %min3A_825, %gather3A_835 : vector<16xf32>
      %lt3A_837 = arith.constant 0 : i32
      %lt3A_838 = vector.broadcast %lt3A_837 : i32 to vector<16xi32>
      %lt3A_839 = arith.cmpi slt, %xor3A_347, %lt3A_838 : vector<16xi32>
      %add3A_840 = arith.constant 16 : i32
      %add3A_841 = vector.broadcast %add3A_840 : i32 to vector<16xi32>
      %add3A_842 = arith.addi %xor3A_347, %add3A_841 : vector<16xi32>
      %select_n3A_843 = arith.select %lt3A_839, %add3A_842, %xor3A_347 : vector<16xi1>, vector<16xi32>
      %broadcast_in_dim3A_844 = vector.shape_cast %select_n3A_843 : vector<16xi32> to vector<16x1xi32>
      %gather3A_845 = vector.shape_cast %broadcast_in_dim3A_844 : vector<16x1xi32> to vector<16xi32>
      %gather3A_846 = tpu.dynamic_gather %min3A_836[%gather3A_845] in [0] : vector<16xf32>, vector<16xi32> -> vector<16xf32>
      %min3A_847 = arith.minimumf %min3A_836, %gather3A_846 : vector<16xf32>
      %lt3A_848 = arith.constant 0 : i32
      %lt3A_849 = vector.broadcast %lt3A_848 : i32 to vector<16xi32>
      %lt3A_850 = arith.cmpi slt, %xor3A_350, %lt3A_849 : vector<16xi32>
      %add3A_851 = arith.constant 16 : i32
      %add3A_852 = vector.broadcast %add3A_851 : i32 to vector<16xi32>
      %add3A_853 = arith.addi %xor3A_350, %add3A_852 : vector<16xi32>
      %select_n3A_854 = arith.select %lt3A_850, %add3A_853, %xor3A_350 : vector<16xi1>, vector<16xi32>
      %broadcast_in_dim3A_855 = vector.shape_cast %select_n3A_854 : vector<16xi32> to vector<16x1xi32>
      %gather3A_856 = vector.shape_cast %broadcast_in_dim3A_855 : vector<16x1xi32> to vector<16xi32>
      %gather3A_857 = tpu.dynamic_gather %min3A_847[%gather3A_856] in [0] : vector<16xf32>, vector<16xi32> -> vector<16xf32>
      %min3A_858 = arith.minimumf %min3A_847, %gather3A_857 : vector<16xf32>
      %add3A_859 = arith.addf %min3A_858, %broadcast_in_dim3A_814 : vector<16xf32>
      %select_n3A_860 = arith.select %eq3A_416, %add3A_859, %select_n3A_810 : vector<16xi1>, vector<16xf32>
      %mul3A_861 = arith.mulf %convert_element_type3A, %convert_element_type3A : f32
      %mul3A_862 = arith.mulf %convert_element_type3A_519, %convert_element_type3A_519 : f32
      %add3A_863 = arith.addf %mul3A_861, %mul3A_862 : f32
      %broadcast_in_dim3A_864 = vector.broadcast %add3A_863 : f32 to vector<16xf32>
      %lt3A_865 = arith.constant 0 : i32
      %lt3A_866 = vector.broadcast %lt3A_865 : i32 to vector<16xi32>
      %lt3A_867 = arith.cmpi slt, %xor3A, %lt3A_866 : vector<16xi32>
      %add3A_868 = arith.constant 16 : i32
      %add3A_869 = vector.broadcast %add3A_868 : i32 to vector<16xi32>
      %add3A_870 = arith.addi %xor3A, %add3A_869 : vector<16xi32>
      %select_n3A_871 = arith.select %lt3A_867, %add3A_870, %xor3A : vector<16xi1>, vector<16xi32>
      %broadcast_in_dim3A_872 = vector.shape_cast %select_n3A_871 : vector<16xi32> to vector<16x1xi32>
      %gather3A_873 = vector.shape_cast %broadcast_in_dim3A_872 : vector<16x1xi32> to vector<16xi32>
      %gather3A_874 = tpu.dynamic_gather %parallel_loop3A_559#6[%gather3A_873] in [0] : vector<16xf32>, vector<16xi32> -> vector<16xf32>
      %min3A_875 = arith.minimumf %parallel_loop3A_559#6, %gather3A_874 : vector<16xf32>
      %lt3A_876 = arith.constant 0 : i32
      %lt3A_877 = vector.broadcast %lt3A_876 : i32 to vector<16xi32>
      %lt3A_878 = arith.cmpi slt, %xor3A_344, %lt3A_877 : vector<16xi32>
      %add3A_879 = arith.constant 16 : i32
      %add3A_880 = vector.broadcast %add3A_879 : i32 to vector<16xi32>
      %add3A_881 = arith.addi %xor3A_344, %add3A_880 : vector<16xi32>
      %select_n3A_882 = arith.select %lt3A_878, %add3A_881, %xor3A_344 : vector<16xi1>, vector<16xi32>
      %broadcast_in_dim3A_883 = vector.shape_cast %select_n3A_882 : vector<16xi32> to vector<16x1xi32>
      %gather3A_884 = vector.shape_cast %broadcast_in_dim3A_883 : vector<16x1xi32> to vector<16xi32>
      %gather3A_885 = tpu.dynamic_gather %min3A_875[%gather3A_884] in [0] : vector<16xf32>, vector<16xi32> -> vector<16xf32>
      %min3A_886 = arith.minimumf %min3A_875, %gather3A_885 : vector<16xf32>
      %lt3A_887 = arith.constant 0 : i32
      %lt3A_888 = vector.broadcast %lt3A_887 : i32 to vector<16xi32>
      %lt3A_889 = arith.cmpi slt, %xor3A_347, %lt3A_888 : vector<16xi32>
      %add3A_890 = arith.constant 16 : i32
      %add3A_891 = vector.broadcast %add3A_890 : i32 to vector<16xi32>
      %add3A_892 = arith.addi %xor3A_347, %add3A_891 : vector<16xi32>
      %select_n3A_893 = arith.select %lt3A_889, %add3A_892, %xor3A_347 : vector<16xi1>, vector<16xi32>
      %broadcast_in_dim3A_894 = vector.shape_cast %select_n3A_893 : vector<16xi32> to vector<16x1xi32>
      %gather3A_895 = vector.shape_cast %broadcast_in_dim3A_894 : vector<16x1xi32> to vector<16xi32>
      %gather3A_896 = tpu.dynamic_gather %min3A_886[%gather3A_895] in [0] : vector<16xf32>, vector<16xi32> -> vector<16xf32>
      %min3A_897 = arith.minimumf %min3A_886, %gather3A_896 : vector<16xf32>
      %lt3A_898 = arith.constant 0 : i32
      %lt3A_899 = vector.broadcast %lt3A_898 : i32 to vector<16xi32>
      %lt3A_900 = arith.cmpi slt, %xor3A_350, %lt3A_899 : vector<16xi32>
      %add3A_901 = arith.constant 16 : i32
      %add3A_902 = vector.broadcast %add3A_901 : i32 to vector<16xi32>
      %add3A_903 = arith.addi %xor3A_350, %add3A_902 : vector<16xi32>
      %select_n3A_904 = arith.select %lt3A_900, %add3A_903, %xor3A_350 : vector<16xi1>, vector<16xi32>
      %broadcast_in_dim3A_905 = vector.shape_cast %select_n3A_904 : vector<16xi32> to vector<16x1xi32>
      %gather3A_906 = vector.shape_cast %broadcast_in_dim3A_905 : vector<16x1xi32> to vector<16xi32>
      %gather3A_907 = tpu.dynamic_gather %min3A_897[%gather3A_906] in [0] : vector<16xf32>, vector<16xi32> -> vector<16xf32>
      %min3A_908 = arith.minimumf %min3A_897, %gather3A_907 : vector<16xf32>
      %add3A_909 = arith.addf %min3A_908, %broadcast_in_dim3A_864 : vector<16xf32>
      %select_n3A_910 = arith.select %eq3A_419, %add3A_909, %select_n3A_860 : vector<16xi1>, vector<16xf32>
      %mul3A_911 = arith.mulf %convert_element_type3A_467, %convert_element_type3A_467 : f32
      %mul3A_912 = arith.mulf %convert_element_type3A_519, %convert_element_type3A_519 : f32
      %add3A_913 = arith.addf %mul3A_911, %mul3A_912 : f32
      %broadcast_in_dim3A_914 = vector.broadcast %add3A_913 : f32 to vector<16xf32>
      %lt3A_915 = arith.constant 0 : i32
      %lt3A_916 = vector.broadcast %lt3A_915 : i32 to vector<16xi32>
      %lt3A_917 = arith.cmpi slt, %xor3A, %lt3A_916 : vector<16xi32>
      %add3A_918 = arith.constant 16 : i32
      %add3A_919 = vector.broadcast %add3A_918 : i32 to vector<16xi32>
      %add3A_920 = arith.addi %xor3A, %add3A_919 : vector<16xi32>
      %select_n3A_921 = arith.select %lt3A_917, %add3A_920, %xor3A : vector<16xi1>, vector<16xi32>
      %broadcast_in_dim3A_922 = vector.shape_cast %select_n3A_921 : vector<16xi32> to vector<16x1xi32>
      %gather3A_923 = vector.shape_cast %broadcast_in_dim3A_922 : vector<16x1xi32> to vector<16xi32>
      %gather3A_924 = tpu.dynamic_gather %parallel_loop3A_559#7[%gather3A_923] in [0] : vector<16xf32>, vector<16xi32> -> vector<16xf32>
      %min3A_925 = arith.minimumf %parallel_loop3A_559#7, %gather3A_924 : vector<16xf32>
      %lt3A_926 = arith.constant 0 : i32
      %lt3A_927 = vector.broadcast %lt3A_926 : i32 to vector<16xi32>
      %lt3A_928 = arith.cmpi slt, %xor3A_344, %lt3A_927 : vector<16xi32>
      %add3A_929 = arith.constant 16 : i32
      %add3A_930 = vector.broadcast %add3A_929 : i32 to vector<16xi32>
      %add3A_931 = arith.addi %xor3A_344, %add3A_930 : vector<16xi32>
      %select_n3A_932 = arith.select %lt3A_928, %add3A_931, %xor3A_344 : vector<16xi1>, vector<16xi32>
      %broadcast_in_dim3A_933 = vector.shape_cast %select_n3A_932 : vector<16xi32> to vector<16x1xi32>
      %gather3A_934 = vector.shape_cast %broadcast_in_dim3A_933 : vector<16x1xi32> to vector<16xi32>
      %gather3A_935 = tpu.dynamic_gather %min3A_925[%gather3A_934] in [0] : vector<16xf32>, vector<16xi32> -> vector<16xf32>
      %min3A_936 = arith.minimumf %min3A_925, %gather3A_935 : vector<16xf32>
      %lt3A_937 = arith.constant 0 : i32
      %lt3A_938 = vector.broadcast %lt3A_937 : i32 to vector<16xi32>
      %lt3A_939 = arith.cmpi slt, %xor3A_347, %lt3A_938 : vector<16xi32>
      %add3A_940 = arith.constant 16 : i32
      %add3A_941 = vector.broadcast %add3A_940 : i32 to vector<16xi32>
      %add3A_942 = arith.addi %xor3A_347, %add3A_941 : vector<16xi32>
      %select_n3A_943 = arith.select %lt3A_939, %add3A_942, %xor3A_347 : vector<16xi1>, vector<16xi32>
      %broadcast_in_dim3A_944 = vector.shape_cast %select_n3A_943 : vector<16xi32> to vector<16x1xi32>
      %gather3A_945 = vector.shape_cast %broadcast_in_dim3A_944 : vector<16x1xi32> to vector<16xi32>
      %gather3A_946 = tpu.dynamic_gather %min3A_936[%gather3A_945] in [0] : vector<16xf32>, vector<16xi32> -> vector<16xf32>
      %min3A_947 = arith.minimumf %min3A_936, %gather3A_946 : vector<16xf32>
      %lt3A_948 = arith.constant 0 : i32
      %lt3A_949 = vector.broadcast %lt3A_948 : i32 to vector<16xi32>
      %lt3A_950 = arith.cmpi slt, %xor3A_350, %lt3A_949 : vector<16xi32>
      %add3A_951 = arith.constant 16 : i32
      %add3A_952 = vector.broadcast %add3A_951 : i32 to vector<16xi32>
      %add3A_953 = arith.addi %xor3A_350, %add3A_952 : vector<16xi32>
      %select_n3A_954 = arith.select %lt3A_950, %add3A_953, %xor3A_350 : vector<16xi1>, vector<16xi32>
      %broadcast_in_dim3A_955 = vector.shape_cast %select_n3A_954 : vector<16xi32> to vector<16x1xi32>
      %gather3A_956 = vector.shape_cast %broadcast_in_dim3A_955 : vector<16x1xi32> to vector<16xi32>
      %gather3A_957 = tpu.dynamic_gather %min3A_947[%gather3A_956] in [0] : vector<16xf32>, vector<16xi32> -> vector<16xf32>
      %min3A_958 = arith.minimumf %min3A_947, %gather3A_957 : vector<16xf32>
      %add3A_959 = arith.addf %min3A_958, %broadcast_in_dim3A_914 : vector<16xf32>
      %select_n3A_960 = arith.select %eq3A_422, %add3A_959, %select_n3A_910 : vector<16xi1>, vector<16xf32>
      %mul3A_961 = arith.mulf %convert_element_type3A_480, %convert_element_type3A_480 : f32
      %mul3A_962 = arith.mulf %convert_element_type3A_519, %convert_element_type3A_519 : f32
      %add3A_963 = arith.addf %mul3A_961, %mul3A_962 : f32
      %broadcast_in_dim3A_964 = vector.broadcast %add3A_963 : f32 to vector<16xf32>
      %lt3A_965 = arith.constant 0 : i32
      %lt3A_966 = vector.broadcast %lt3A_965 : i32 to vector<16xi32>
      %lt3A_967 = arith.cmpi slt, %xor3A, %lt3A_966 : vector<16xi32>
      %add3A_968 = arith.constant 16 : i32
      %add3A_969 = vector.broadcast %add3A_968 : i32 to vector<16xi32>
      %add3A_970 = arith.addi %xor3A, %add3A_969 : vector<16xi32>
      %select_n3A_971 = arith.select %lt3A_967, %add3A_970, %xor3A : vector<16xi1>, vector<16xi32>
      %broadcast_in_dim3A_972 = vector.shape_cast %select_n3A_971 : vector<16xi32> to vector<16x1xi32>
      %gather3A_973 = vector.shape_cast %broadcast_in_dim3A_972 : vector<16x1xi32> to vector<16xi32>
      %gather3A_974 = tpu.dynamic_gather %parallel_loop3A_559#8[%gather3A_973] in [0] : vector<16xf32>, vector<16xi32> -> vector<16xf32>
      %min3A_975 = arith.minimumf %parallel_loop3A_559#8, %gather3A_974 : vector<16xf32>
      %lt3A_976 = arith.constant 0 : i32
      %lt3A_977 = vector.broadcast %lt3A_976 : i32 to vector<16xi32>
      %lt3A_978 = arith.cmpi slt, %xor3A_344, %lt3A_977 : vector<16xi32>
      %add3A_979 = arith.constant 16 : i32
      %add3A_980 = vector.broadcast %add3A_979 : i32 to vector<16xi32>
      %add3A_981 = arith.addi %xor3A_344, %add3A_980 : vector<16xi32>
      %select_n3A_982 = arith.select %lt3A_978, %add3A_981, %xor3A_344 : vector<16xi1>, vector<16xi32>
      %broadcast_in_dim3A_983 = vector.shape_cast %select_n3A_982 : vector<16xi32> to vector<16x1xi32>
      %gather3A_984 = vector.shape_cast %broadcast_in_dim3A_983 : vector<16x1xi32> to vector<16xi32>
      %gather3A_985 = tpu.dynamic_gather %min3A_975[%gather3A_984] in [0] : vector<16xf32>, vector<16xi32> -> vector<16xf32>
      %min3A_986 = arith.minimumf %min3A_975, %gather3A_985 : vector<16xf32>
      %lt3A_987 = arith.constant 0 : i32
      %lt3A_988 = vector.broadcast %lt3A_987 : i32 to vector<16xi32>
      %lt3A_989 = arith.cmpi slt, %xor3A_347, %lt3A_988 : vector<16xi32>
      %add3A_990 = arith.constant 16 : i32
      %add3A_991 = vector.broadcast %add3A_990 : i32 to vector<16xi32>
      %add3A_992 = arith.addi %xor3A_347, %add3A_991 : vector<16xi32>
      %select_n3A_993 = arith.select %lt3A_989, %add3A_992, %xor3A_347 : vector<16xi1>, vector<16xi32>
      %broadcast_in_dim3A_994 = vector.shape_cast %select_n3A_993 : vector<16xi32> to vector<16x1xi32>
      %gather3A_995 = vector.shape_cast %broadcast_in_dim3A_994 : vector<16x1xi32> to vector<16xi32>
      %gather3A_996 = tpu.dynamic_gather %min3A_986[%gather3A_995] in [0] : vector<16xf32>, vector<16xi32> -> vector<16xf32>
      %min3A_997 = arith.minimumf %min3A_986, %gather3A_996 : vector<16xf32>
      %lt3A_998 = arith.constant 0 : i32
      %lt3A_999 = vector.broadcast %lt3A_998 : i32 to vector<16xi32>
      %lt3A_1000 = arith.cmpi slt, %xor3A_350, %lt3A_999 : vector<16xi32>
      %add3A_1001 = arith.constant 16 : i32
      %add3A_1002 = vector.broadcast %add3A_1001 : i32 to vector<16xi32>
      %add3A_1003 = arith.addi %xor3A_350, %add3A_1002 : vector<16xi32>
      %select_n3A_1004 = arith.select %lt3A_1000, %add3A_1003, %xor3A_350 : vector<16xi1>, vector<16xi32>
      %broadcast_in_dim3A_1005 = vector.shape_cast %select_n3A_1004 : vector<16xi32> to vector<16x1xi32>
      %gather3A_1006 = vector.shape_cast %broadcast_in_dim3A_1005 : vector<16x1xi32> to vector<16xi32>
      %gather3A_1007 = tpu.dynamic_gather %min3A_997[%gather3A_1006] in [0] : vector<16xf32>, vector<16xi32> -> vector<16xf32>
      %min3A_1008 = arith.minimumf %min3A_997, %gather3A_1007 : vector<16xf32>
      %add3A_1009 = arith.addf %min3A_1008, %broadcast_in_dim3A_964 : vector<16xf32>
      %select_n3A_1010 = arith.select %eq3A_425, %add3A_1009, %select_n3A_960 : vector<16xi1>, vector<16xf32>
      %mul3A_1011 = arith.constant 16 : i32
      %mul3A_1012 = arith.muli %scan3A_439, %mul3A_1011 : i32
      %swap3A_1013 = arith.index_cast %mul3A_1012 : i32 to index
      %swap3A_1014 = tpu.vector_load %arg14[%swap3A_1013] {strides = array<i32>} : memref<512xf32, #tpu.memory_space<vmem>>, vector<16xf32>,
      %swap3A_1015 = vector.shape_cast %swap3A_1014 : vector<16xf32> to vector<16xf32>
      %swap3A_1016 = vector.shape_cast %select_n3A_1010 : vector<16xf32> to vector<16xf32>
      tpu.vector_store %arg14[%swap3A_1013], %swap3A_1016 {strides = array<i32>} : memref<512xf32, #tpu.memory_space<vmem>>, vector<16xf32>,
      %scan3A_1017 = arith.constant 0 : i32
      scf.yield %scan3A_1017 : i32
    }
    %scan3A_431 = arith.constant 32 : i32
    %parallel_loop3A_432 = arith.constant 0 : i32
    %parallel_loop3A_433 = arith.constant 512 : i32
    %parallel_loop3A_434 = arith.constant 16 : i32
    scf.for %parallel_loop3A_439 = %parallel_loop3A_432 to %parallel_loop3A_433 step %parallel_loop3A_434  : i32 {
      %parallel_loop3A_440 = arith.index_cast %parallel_loop3A_439 : i32 to index
      %parallel_loop3A_441 = tpu.vector_load %arg14[%parallel_loop3A_440] {strides = array<i32>} : memref<512xf32, #tpu.memory_space<vmem>>, vector<16xf32>,
      %parallel_loop3A_442 = vector.shape_cast %parallel_loop3A_441 : vector<16xf32> to vector<16xf32>
      %parallel_loop3A_443 = tpu.bitcast %parallel_loop3A_442 : vector<16xf32> -> vector<16xi32>
      %parallel_loop3A_444 = arith.constant 1 : i32
      %parallel_loop3A_445 = vector.broadcast %parallel_loop3A_444 : i32 to vector<16xi32>
      %parallel_loop3A_446 = arith.shrui %parallel_loop3A_443, %parallel_loop3A_445 : vector<16xi32>
      %parallel_loop3A_447 = arith.constant 532487669 : i32
      %parallel_loop3A_448 = vector.broadcast %parallel_loop3A_447 : i32 to vector<16xi32>
      %parallel_loop3A_449 = arith.addi %parallel_loop3A_446, %parallel_loop3A_448 : vector<16xi32>
      %parallel_loop3A_450 = tpu.bitcast %parallel_loop3A_449 : vector<16xi32> -> vector<16xf32>
      %parallel_loop3A_451 = arith.constant 5.000000e-01 : f32
      %parallel_loop3A_452 = vector.broadcast %parallel_loop3A_451 : f32 to vector<16xf32>
      %parallel_loop3A_453 = arith.divf %parallel_loop3A_442, %parallel_loop3A_450 : vector<16xf32>
      %parallel_loop3A_454 = arith.addf %parallel_loop3A_450, %parallel_loop3A_453 : vector<16xf32>
      %parallel_loop3A_455 = arith.mulf %parallel_loop3A_452, %parallel_loop3A_454 : vector<16xf32>
      %parallel_loop3A_456 = arith.divf %parallel_loop3A_442, %parallel_loop3A_455 : vector<16xf32>
      %parallel_loop3A_457 = arith.addf %parallel_loop3A_455, %parallel_loop3A_456 : vector<16xf32>
      %parallel_loop3A_458 = arith.mulf %parallel_loop3A_452, %parallel_loop3A_457 : vector<16xf32>
      %parallel_loop3A_459 = arith.mulf %parallel_loop3A_458, %select_n3A_399 : vector<16xf32>
      %parallel_loop3A_460 = arith.index_cast %parallel_loop3A_439 : i32 to index
      %parallel_loop3A_461 = tpu.vector_load %arg14[%parallel_loop3A_460] {strides = array<i32>} : memref<512xf32, #tpu.memory_space<vmem>>, vector<16xf32>,
      %parallel_loop3A_462 = vector.shape_cast %parallel_loop3A_461 : vector<16xf32> to vector<16xf32>
      %parallel_loop3A_463 = vector.shape_cast %parallel_loop3A_459 : vector<16xf32> to vector<16xf32>
      tpu.vector_store %arg14[%parallel_loop3A_460], %parallel_loop3A_463 {strides = array<i32>} : memref<512xf32, #tpu.memory_space<vmem>>, vector<16xf32>,
    } {sc.loop_unroll_factor = 1 : i64, sc.parallel_access}
    %mul3A_435 = arith.constant 32 : i32
    %mul3A_436 = arith.muli %add3A, %mul3A_435 : i32
    %mul3A_437 = arith.constant 16 : i32
    %mul3A_438 = arith.muli %mul3A_436, %mul3A_437 : i32
    "tpu.region"() ({
      %run_scoped3A = tpu.sem_alloc : memref<!tpu.dma_semaphore, #tpu.memory_space<semaphore_mem>>
      %dma_start3A = tpu.memref_slice %arg7[%mul3A_438] : memref<16384xf32, #tpu.memory_space<hbm>> -> memref<512xf32, #tpu.memory_space<hbm>>
      %dma_start3A_439 = tpu.memref_slice %arg7[%mul3A_438] : memref<16384xf32, #tpu.memory_space<hbm>> -> memref<512xf32, #tpu.memory_space<hbm>>
      tpu.enqueue_dma source(%arg14 : memref<512xf32, #tpu.memory_space<vmem>>) target(%dma_start3A_439 : memref<512xf32, #tpu.memory_space<hbm>>) target_semaphore(%run_scoped3A : memref<!tpu.dma_semaphore, #tpu.memory_space<semaphore_mem>>)
      %dma_wait3A = tpu.memref_slice %arg7[%mul3A_438] : memref<16384xf32, #tpu.memory_space<hbm>> -> memref<512xf32, #tpu.memory_space<hbm>>
      %dma_wait3A_440 = tpu.memref_slice %arg7[%mul3A_438] : memref<16384xf32, #tpu.memory_space<hbm>> -> memref<512xf32, #tpu.memory_space<hbm>>
      tpu.wait_dma2 semaphore(%run_scoped3A : memref<!tpu.dma_semaphore, #tpu.memory_space<semaphore_mem>>) src(%arg14 : memref<512xf32, #tpu.memory_space<vmem>>) dst(%dma_wait3A_440 : memref<512xf32, #tpu.memory_space<hbm>>)
      tpu.yield
    }) : () -> ()
    return
  }
}

module attributes {stable_mosaic.version = 14 : i64} {
  func.func @body_mxu(%arg0: i32, %arg1: memref<1x1x1024xi32, #tpu.memory_space<vmem>>, %arg2: memref<1x1x1024xi32, #tpu.memory_space<vmem>>, %arg3: memref<1x2048xf32, #tpu.memory_space<vmem>>, %arg4: memref<1x2048xf32, #tpu.memory_space<vmem>>, %arg5: memref<1x2048xf32, #tpu.memory_space<vmem>>, %arg6: memref<1x9x1x1024xf32, #tpu.memory_space<vmem>>, %arg7: memref<2x8x2048xf32, #tpu.memory_space<vmem>>, %arg8: memref<2x8x3072xf32, #tpu.memory_space<vmem>>) attributes {dimension_semantics = [#tpu.dimension_semantics<arbitrary>], iteration_bounds = array<i64: 4>, scalar_prefetch = 0 : i64, scratch_operands = 2 : i64, tpu.core_type = #tpu.core_type<tc>, window_params = [{transform_indices = @transform_0, window_bounds = array<i64: 1, 1, 1024>}, {transform_indices = @transform_1, window_bounds = array<i64: 1, 1, 1024>}, {pipeline_mode = #tpu.pipeline_mode<synchronous>, transform_indices = @transform_2, window_bounds = array<i64: 1, 2048>}, {pipeline_mode = #tpu.pipeline_mode<synchronous>, transform_indices = @transform_3, window_bounds = array<i64: 1, 2048>}, {pipeline_mode = #tpu.pipeline_mode<synchronous>, transform_indices = @transform_4, window_bounds = array<i64: 1, 2048>}, {transform_indices = @transform_5, window_bounds = array<i64: 1, 9, 1, 1024>}]} {
    %get3A = arith.constant 0 : index
    %get3A_0 = arith.constant 0 : index
    %get3A_1 = vector.load %arg3[%get3A, %get3A_0] : memref<1x2048xf32, #tpu.memory_space<vmem>>, vector<1x2048xf32>
    %get3A_2 = vector.shape_cast %get3A_1 : vector<1x2048xf32> to vector<2048xf32>
    %get3A_3 = arith.constant 0 : index
    %get3A_4 = arith.constant 0 : index
    %get3A_5 = vector.load %arg4[%get3A_3, %get3A_4] : memref<1x2048xf32, #tpu.memory_space<vmem>>, vector<1x2048xf32>
    %get3A_6 = vector.shape_cast %get3A_5 : vector<1x2048xf32> to vector<2048xf32>
    %get3A_7 = arith.constant 0 : index
    %get3A_8 = arith.constant 0 : index
    %get3A_9 = vector.load %arg5[%get3A_7, %get3A_8] : memref<1x2048xf32, #tpu.memory_space<vmem>>, vector<1x2048xf32>
    %get3A_10 = vector.shape_cast %get3A_9 : vector<1x2048xf32> to vector<2048xf32>
    %abs3A = math.absf %get3A_10 : vector<2048xf32>
    %gt3A = arith.constant 1.000000e-01 : f32
    %gt3A_11 = vector.broadcast %gt3A : f32 to vector<2048xf32>
    %gt3A_12 = arith.cmpf ogt, %abs3A, %gt3A_11 : vector<2048xf32>
    %jit3A = arith.constant 0.000000e+00 : f32
    %jit3A_13 = arith.constant 1.700000e+09 : f32
    %broadcast_in_dim3A = vector.broadcast %jit3A : f32 to vector<2048xf32>
    %broadcast_in_dim3A_14 = vector.broadcast %jit3A_13 : f32 to vector<2048xf32>
    %select_n3A = arith.select %gt3A_12, %broadcast_in_dim3A, %broadcast_in_dim3A_14 : vector<2048xi1>, vector<2048xf32>
    %jit3A_15 = arith.constant 1 : i32
    %jit3A_16 = arith.constant 0 : i32
    %broadcast_in_dim3A_17 = vector.broadcast %jit3A_15 : i32 to vector<2048xi32>
    %broadcast_in_dim3A_18 = vector.broadcast %jit3A_16 : i32 to vector<2048xi32>
    %select_n3A_19 = arith.select %gt3A_12, %broadcast_in_dim3A_17, %broadcast_in_dim3A_18 : vector<2048xi1>, vector<2048xi32>
    %reduce_sum3A = vector.shape_cast %select_n3A_19 : vector<2048xi32> to vector<1x2048xi32>
    %reduce_sum3A_20 = arith.constant dense<0> : vector<1xi32>
    %reduce_sum3A_21 = vector.multi_reduction <add>, %reduce_sum3A, %reduce_sum3A_20 [1] : vector<1x2048xi32> to vector<1xi32>
    %reduce_sum3A_22 = vector.shape_cast %reduce_sum3A_21 : vector<1xi32> to vector<1x1xi32>
    %reduce_sum3A_23 = vector.extract %reduce_sum3A_22[0, 0] : i32 from vector<1x1xi32>
    %gt3A_24 = arith.constant 1 : i32
    %gt3A_25 = arith.cmpi sgt, %reduce_sum3A_23, %gt3A_24 : i32
    %jit3A_26 = arith.constant 0.00999999977 : f32
    %jit3A_27 = arith.constant 0.000000e+00 : f32
    %select_n3A_28 = arith.select %gt3A_25, %jit3A_26, %jit3A_27 : f32
    %broadcast_in_dim3A_29 = arith.constant 0.000000e+00 : f32
    %broadcast_in_dim3A_30 = vector.broadcast %broadcast_in_dim3A_29 : f32 to vector<2048xf32>
    %mul3A = arith.mulf %get3A_2, %get3A_2 : vector<2048xf32>
    %add3A = arith.addf %mul3A, %select_n3A : vector<2048xf32>
    %swap3A = arith.constant 0 : index
    %swap3A_31 = arith.constant 0 : index
    %swap3A_32 = arith.constant 0 : index
    %swap3A_33 = vector.load %arg7[%swap3A, %swap3A_31, %swap3A_32] : memref<2x8x2048xf32, #tpu.memory_space<vmem>>, vector<1x1x2048xf32>
    %swap3A_34 = vector.shape_cast %swap3A_33 : vector<1x1x2048xf32> to vector<2048xf32>
    %swap3A_35 = vector.shape_cast %add3A : vector<2048xf32> to vector<1x1x2048xf32>
    tpu.vector_store %arg7[%swap3A, %swap3A_31, %swap3A_32], %swap3A_35 {strides = array<i32>} : memref<2x8x2048xf32, #tpu.memory_space<vmem>>, vector<1x1x2048xf32>,
    %swap3A_36 = arith.constant 0 : index
    %swap3A_37 = arith.constant 1 : index
    %swap3A_38 = arith.constant 0 : index
    %swap3A_39 = vector.load %arg7[%swap3A_36, %swap3A_37, %swap3A_38] : memref<2x8x2048xf32, #tpu.memory_space<vmem>>, vector<1x1x2048xf32>
    %swap3A_40 = vector.shape_cast %swap3A_39 : vector<1x1x2048xf32> to vector<2048xf32>
    %swap3A_41 = vector.shape_cast %get3A_2 : vector<2048xf32> to vector<1x1x2048xf32>
    tpu.vector_store %arg7[%swap3A_36, %swap3A_37, %swap3A_38], %swap3A_41 {strides = array<i32>} : memref<2x8x2048xf32, #tpu.memory_space<vmem>>, vector<1x1x2048xf32>,
    %mul3A_42 = arith.mulf %get3A_6, %get3A_6 : vector<2048xf32>
    %swap3A_43 = arith.constant 1 : index
    %swap3A_44 = arith.constant 0 : index
    %swap3A_45 = arith.constant 0 : index
    %swap3A_46 = vector.load %arg7[%swap3A_43, %swap3A_44, %swap3A_45] : memref<2x8x2048xf32, #tpu.memory_space<vmem>>, vector<1x1x2048xf32>
    %swap3A_47 = vector.shape_cast %swap3A_46 : vector<1x1x2048xf32> to vector<2048xf32>
    %swap3A_48 = vector.shape_cast %mul3A_42 : vector<2048xf32> to vector<1x1x2048xf32>
    tpu.vector_store %arg7[%swap3A_43, %swap3A_44, %swap3A_45], %swap3A_48 {strides = array<i32>} : memref<2x8x2048xf32, #tpu.memory_space<vmem>>, vector<1x1x2048xf32>,
    %swap3A_49 = arith.constant 1 : index
    %swap3A_50 = arith.constant 1 : index
    %swap3A_51 = arith.constant 0 : index
    %swap3A_52 = vector.load %arg7[%swap3A_49, %swap3A_50, %swap3A_51] : memref<2x8x2048xf32, #tpu.memory_space<vmem>>, vector<1x1x2048xf32>
    %swap3A_53 = vector.shape_cast %swap3A_52 : vector<1x1x2048xf32> to vector<2048xf32>
    %swap3A_54 = vector.shape_cast %get3A_6 : vector<2048xf32> to vector<1x1x2048xf32>
    tpu.vector_store %arg7[%swap3A_49, %swap3A_50, %swap3A_51], %swap3A_54 {strides = array<i32>} : memref<2x8x2048xf32, #tpu.memory_space<vmem>>, vector<1x1x2048xf32>,
    %swap3A_55 = arith.constant 0 : index
    %swap3A_56 = arith.constant 2 : index
    %swap3A_57 = arith.constant 0 : index
    %swap3A_58 = vector.load %arg7[%swap3A_55, %swap3A_56, %swap3A_57] : memref<2x8x2048xf32, #tpu.memory_space<vmem>>, vector<1x1x2048xf32>
    %swap3A_59 = vector.shape_cast %swap3A_58 : vector<1x1x2048xf32> to vector<2048xf32>
    %swap3A_60 = vector.shape_cast %broadcast_in_dim3A_30 : vector<2048xf32> to vector<1x1x2048xf32>
    tpu.vector_store %arg7[%swap3A_55, %swap3A_56, %swap3A_57], %swap3A_60 {strides = array<i32>} : memref<2x8x2048xf32, #tpu.memory_space<vmem>>, vector<1x1x2048xf32>,
    %swap3A_61 = arith.constant 1 : index
    %swap3A_62 = arith.constant 2 : index
    %swap3A_63 = arith.constant 0 : index
    %swap3A_64 = vector.load %arg7[%swap3A_61, %swap3A_62, %swap3A_63] : memref<2x8x2048xf32, #tpu.memory_space<vmem>>, vector<1x1x2048xf32>
    %swap3A_65 = vector.shape_cast %swap3A_64 : vector<1x1x2048xf32> to vector<2048xf32>
    %swap3A_66 = vector.shape_cast %broadcast_in_dim3A_30 : vector<2048xf32> to vector<1x1x2048xf32>
    tpu.vector_store %arg7[%swap3A_61, %swap3A_62, %swap3A_63], %swap3A_66 {strides = array<i32>} : memref<2x8x2048xf32, #tpu.memory_space<vmem>>, vector<1x1x2048xf32>,
    %swap3A_67 = arith.constant 0 : index
    %swap3A_68 = arith.constant 3 : index
    %swap3A_69 = arith.constant 0 : index
    %swap3A_70 = vector.load %arg7[%swap3A_67, %swap3A_68, %swap3A_69] : memref<2x8x2048xf32, #tpu.memory_space<vmem>>, vector<1x1x2048xf32>
    %swap3A_71 = vector.shape_cast %swap3A_70 : vector<1x1x2048xf32> to vector<2048xf32>
    %swap3A_72 = vector.shape_cast %broadcast_in_dim3A_30 : vector<2048xf32> to vector<1x1x2048xf32>
    tpu.vector_store %arg7[%swap3A_67, %swap3A_68, %swap3A_69], %swap3A_72 {strides = array<i32>} : memref<2x8x2048xf32, #tpu.memory_space<vmem>>, vector<1x1x2048xf32>,
    %swap3A_73 = arith.constant 1 : index
    %swap3A_74 = arith.constant 3 : index
    %swap3A_75 = arith.constant 0 : index
    %swap3A_76 = vector.load %arg7[%swap3A_73, %swap3A_74, %swap3A_75] : memref<2x8x2048xf32, #tpu.memory_space<vmem>>, vector<1x1x2048xf32>
    %swap3A_77 = vector.shape_cast %swap3A_76 : vector<1x1x2048xf32> to vector<2048xf32>
    %swap3A_78 = vector.shape_cast %broadcast_in_dim3A_30 : vector<2048xf32> to vector<1x1x2048xf32>
    tpu.vector_store %arg7[%swap3A_73, %swap3A_74, %swap3A_75], %swap3A_78 {strides = array<i32>} : memref<2x8x2048xf32, #tpu.memory_space<vmem>>, vector<1x1x2048xf32>,
    %swap3A_79 = arith.constant 0 : index
    %swap3A_80 = arith.constant 4 : index
    %swap3A_81 = arith.constant 0 : index
    %swap3A_82 = vector.load %arg7[%swap3A_79, %swap3A_80, %swap3A_81] : memref<2x8x2048xf32, #tpu.memory_space<vmem>>, vector<1x1x2048xf32>
    %swap3A_83 = vector.shape_cast %swap3A_82 : vector<1x1x2048xf32> to vector<2048xf32>
    %swap3A_84 = vector.shape_cast %broadcast_in_dim3A_30 : vector<2048xf32> to vector<1x1x2048xf32>
    tpu.vector_store %arg7[%swap3A_79, %swap3A_80, %swap3A_81], %swap3A_84 {strides = array<i32>} : memref<2x8x2048xf32, #tpu.memory_space<vmem>>, vector<1x1x2048xf32>,
    %swap3A_85 = arith.constant 1 : index
    %swap3A_86 = arith.constant 4 : index
    %swap3A_87 = arith.constant 0 : index
    %swap3A_88 = vector.load %arg7[%swap3A_85, %swap3A_86, %swap3A_87] : memref<2x8x2048xf32, #tpu.memory_space<vmem>>, vector<1x1x2048xf32>
    %swap3A_89 = vector.shape_cast %swap3A_88 : vector<1x1x2048xf32> to vector<2048xf32>
    %swap3A_90 = vector.shape_cast %broadcast_in_dim3A_30 : vector<2048xf32> to vector<1x1x2048xf32>
    tpu.vector_store %arg7[%swap3A_85, %swap3A_86, %swap3A_87], %swap3A_90 {strides = array<i32>} : memref<2x8x2048xf32, #tpu.memory_space<vmem>>, vector<1x1x2048xf32>,
    %swap3A_91 = arith.constant 0 : index
    %swap3A_92 = arith.constant 5 : index
    %swap3A_93 = arith.constant 0 : index
    %swap3A_94 = vector.load %arg7[%swap3A_91, %swap3A_92, %swap3A_93] : memref<2x8x2048xf32, #tpu.memory_space<vmem>>, vector<1x1x2048xf32>
    %swap3A_95 = vector.shape_cast %swap3A_94 : vector<1x1x2048xf32> to vector<2048xf32>
    %swap3A_96 = vector.shape_cast %broadcast_in_dim3A_30 : vector<2048xf32> to vector<1x1x2048xf32>
    tpu.vector_store %arg7[%swap3A_91, %swap3A_92, %swap3A_93], %swap3A_96 {strides = array<i32>} : memref<2x8x2048xf32, #tpu.memory_space<vmem>>, vector<1x1x2048xf32>,
    %swap3A_97 = arith.constant 1 : index
    %swap3A_98 = arith.constant 5 : index
    %swap3A_99 = arith.constant 0 : index
    %swap3A_100 = vector.load %arg7[%swap3A_97, %swap3A_98, %swap3A_99] : memref<2x8x2048xf32, #tpu.memory_space<vmem>>, vector<1x1x2048xf32>
    %swap3A_101 = vector.shape_cast %swap3A_100 : vector<1x1x2048xf32> to vector<2048xf32>
    %swap3A_102 = vector.shape_cast %broadcast_in_dim3A_30 : vector<2048xf32> to vector<1x1x2048xf32>
    tpu.vector_store %arg7[%swap3A_97, %swap3A_98, %swap3A_99], %swap3A_102 {strides = array<i32>} : memref<2x8x2048xf32, #tpu.memory_space<vmem>>, vector<1x1x2048xf32>,
    %swap3A_103 = arith.constant 0 : index
    %swap3A_104 = arith.constant 6 : index
    %swap3A_105 = arith.constant 0 : index
    %swap3A_106 = vector.load %arg7[%swap3A_103, %swap3A_104, %swap3A_105] : memref<2x8x2048xf32, #tpu.memory_space<vmem>>, vector<1x1x2048xf32>
    %swap3A_107 = vector.shape_cast %swap3A_106 : vector<1x1x2048xf32> to vector<2048xf32>
    %swap3A_108 = vector.shape_cast %broadcast_in_dim3A_30 : vector<2048xf32> to vector<1x1x2048xf32>
    tpu.vector_store %arg7[%swap3A_103, %swap3A_104, %swap3A_105], %swap3A_108 {strides = array<i32>} : memref<2x8x2048xf32, #tpu.memory_space<vmem>>, vector<1x1x2048xf32>,
    %swap3A_109 = arith.constant 1 : index
    %swap3A_110 = arith.constant 6 : index
    %swap3A_111 = arith.constant 0 : index
    %swap3A_112 = vector.load %arg7[%swap3A_109, %swap3A_110, %swap3A_111] : memref<2x8x2048xf32, #tpu.memory_space<vmem>>, vector<1x1x2048xf32>
    %swap3A_113 = vector.shape_cast %swap3A_112 : vector<1x1x2048xf32> to vector<2048xf32>
    %swap3A_114 = vector.shape_cast %broadcast_in_dim3A_30 : vector<2048xf32> to vector<1x1x2048xf32>
    tpu.vector_store %arg7[%swap3A_109, %swap3A_110, %swap3A_111], %swap3A_114 {strides = array<i32>} : memref<2x8x2048xf32, #tpu.memory_space<vmem>>, vector<1x1x2048xf32>,
    %swap3A_115 = arith.constant 0 : index
    %swap3A_116 = arith.constant 7 : index
    %swap3A_117 = arith.constant 0 : index
    %swap3A_118 = vector.load %arg7[%swap3A_115, %swap3A_116, %swap3A_117] : memref<2x8x2048xf32, #tpu.memory_space<vmem>>, vector<1x1x2048xf32>
    %swap3A_119 = vector.shape_cast %swap3A_118 : vector<1x1x2048xf32> to vector<2048xf32>
    %swap3A_120 = vector.shape_cast %broadcast_in_dim3A_30 : vector<2048xf32> to vector<1x1x2048xf32>
    tpu.vector_store %arg7[%swap3A_115, %swap3A_116, %swap3A_117], %swap3A_120 {strides = array<i32>} : memref<2x8x2048xf32, #tpu.memory_space<vmem>>, vector<1x1x2048xf32>,
    %swap3A_121 = arith.constant 1 : index
    %swap3A_122 = arith.constant 7 : index
    %swap3A_123 = arith.constant 0 : index
    %swap3A_124 = vector.load %arg7[%swap3A_121, %swap3A_122, %swap3A_123] : memref<2x8x2048xf32, #tpu.memory_space<vmem>>, vector<1x1x2048xf32>
    %swap3A_125 = vector.shape_cast %swap3A_124 : vector<1x1x2048xf32> to vector<2048xf32>
    %swap3A_126 = vector.shape_cast %broadcast_in_dim3A_30 : vector<2048xf32> to vector<1x1x2048xf32>
    tpu.vector_store %arg7[%swap3A_121, %swap3A_122, %swap3A_123], %swap3A_126 {strides = array<i32>} : memref<2x8x2048xf32, #tpu.memory_space<vmem>>, vector<1x1x2048xf32>,
    %get3A_127 = arith.constant 0 : index
    %get3A_128 = arith.constant 0 : index
    %get3A_129 = arith.constant 0 : index
    %get3A_130 = vector.load %arg1[%get3A_127, %get3A_128, %get3A_129] : memref<1x1x1024xi32, #tpu.memory_space<vmem>>, vector<1x1x1024xi32>
    %get3A_131 = vector.shape_cast %get3A_130 : vector<1x1x1024xi32> to vector<1024xi32>
    %get3A_132 = arith.constant 0 : index
    %get3A_133 = arith.constant 0 : index
    %get3A_134 = arith.constant 0 : index
    %get3A_135 = vector.load %arg2[%get3A_132, %get3A_133, %get3A_134] : memref<1x1x1024xi32, #tpu.memory_space<vmem>>, vector<1x1x1024xi32>
    %get3A_136 = vector.shape_cast %get3A_135 : vector<1x1x1024xi32> to vector<1024xi32>
    %eq3A = arith.constant 0 : i32
    %eq3A_137 = vector.broadcast %eq3A : i32 to vector<1024xi32>
    %eq3A_138 = arith.cmpi eq, %get3A_131, %eq3A_137 : vector<1024xi32>
    %sub3A = arith.constant 1 : i32
    %sub3A_139 = vector.broadcast %sub3A : i32 to vector<1024xi32>
    %sub3A_140 = arith.subi %get3A_131, %sub3A_139 : vector<1024xi32>
    %jit3A_141 = arith.constant 512 : i32
    %broadcast_in_dim3A_142 = vector.broadcast %jit3A_141 : i32 to vector<1024xi32>
    %select_n3A_143 = arith.select %eq3A_138, %broadcast_in_dim3A_142, %sub3A_140 : vector<1024xi1>, vector<1024xi32>
    %ge3A = arith.constant 512 : i32
    %ge3A_144 = vector.broadcast %ge3A : i32 to vector<1024xi32>
    %ge3A_145 = arith.cmpi sge, %get3A_131, %ge3A_144 : vector<1024xi32>
    %add3A_146 = arith.constant 1 : i32
    %add3A_147 = vector.broadcast %add3A_146 : i32 to vector<1024xi32>
    %add3A_148 = arith.addi %get3A_131, %add3A_147 : vector<1024xi32>
    %jit3A_149 = arith.constant 0 : i32
    %broadcast_in_dim3A_150 = vector.broadcast %jit3A_149 : i32 to vector<1024xi32>
    %select_n3A_151 = arith.select %ge3A_145, %broadcast_in_dim3A_150, %add3A_148 : vector<1024xi1>, vector<1024xi32>
    %ge3A_152 = arith.constant 512 : i32
    %ge3A_153 = vector.broadcast %ge3A_152 : i32 to vector<1024xi32>
    %ge3A_154 = arith.cmpi sge, %get3A_136, %ge3A_153 : vector<1024xi32>
    %add3A_155 = arith.constant 1 : i32
    %add3A_156 = vector.broadcast %add3A_155 : i32 to vector<1024xi32>
    %add3A_157 = arith.addi %get3A_136, %add3A_156 : vector<1024xi32>
    %jit3A_158 = arith.constant 0 : i32
    %broadcast_in_dim3A_159 = vector.broadcast %jit3A_158 : i32 to vector<1024xi32>
    %select_n3A_160 = arith.select %ge3A_154, %broadcast_in_dim3A_159, %add3A_157 : vector<1024xi1>, vector<1024xi32>
    %eq3A_161 = arith.constant 0 : i32
    %eq3A_162 = vector.broadcast %eq3A_161 : i32 to vector<1024xi32>
    %eq3A_163 = arith.cmpi eq, %get3A_136, %eq3A_162 : vector<1024xi32>
    %sub3A_164 = arith.constant 1 : i32
    %sub3A_165 = vector.broadcast %sub3A_164 : i32 to vector<1024xi32>
    %sub3A_166 = arith.subi %get3A_136, %sub3A_165 : vector<1024xi32>
    %jit3A_167 = arith.constant 512 : i32
    %broadcast_in_dim3A_168 = vector.broadcast %jit3A_167 : i32 to vector<1024xi32>
    %select_n3A_169 = arith.select %eq3A_163, %broadcast_in_dim3A_168, %sub3A_166 : vector<1024xi1>, vector<1024xi32>
    %convert_element_type3A = arith.sitofp %get3A_131 : vector<1024xi32> to vector<1024xf32>
    %convert_element_type3A_170 = arith.sitofp %select_n3A_143 : vector<1024xi32> to vector<1024xf32>
    %convert_element_type3A_171 = arith.sitofp %select_n3A_151 : vector<1024xi32> to vector<1024xf32>
    %convert_element_type3A_172 = arith.sitofp %get3A_136 : vector<1024xi32> to vector<1024xf32>
    %convert_element_type3A_173 = arith.sitofp %select_n3A_160 : vector<1024xi32> to vector<1024xf32>
    %convert_element_type3A_174 = arith.sitofp %select_n3A_169 : vector<1024xi32> to vector<1024xf32>
    %broadcast_in_dim3A_175 = arith.constant 1.000000e+00 : f32
    %broadcast_in_dim3A_176 = vector.broadcast %broadcast_in_dim3A_175 : f32 to vector<1024xf32>
    %broadcast_in_dim3A_177 = arith.constant 0.000000e+00 : f32
    %broadcast_in_dim3A_178 = vector.broadcast %broadcast_in_dim3A_177 : f32 to vector<1024xf32>
    %swap3A_179 = arith.constant 0 : index
    %swap3A_180 = arith.constant 0 : index
    %swap3A_181 = arith.constant 0 : index
    %swap3A_182 = vector.load %arg8[%swap3A_179, %swap3A_180, %swap3A_181] : memref<2x8x3072xf32, #tpu.memory_space<vmem>>, vector<1x1x1024xf32>
    %swap3A_183 = vector.shape_cast %swap3A_182 : vector<1x1x1024xf32> to vector<1024xf32>
    %swap3A_184 = vector.shape_cast %broadcast_in_dim3A_176 : vector<1024xf32> to vector<1x1x1024xf32>
    tpu.vector_store %arg8[%swap3A_179, %swap3A_180, %swap3A_181], %swap3A_184 {strides = array<i32>} : memref<2x8x3072xf32, #tpu.memory_space<vmem>>, vector<1x1x1024xf32>,
    %swap3A_185 = arith.constant 1 : index
    %swap3A_186 = arith.constant 0 : index
    %swap3A_187 = arith.constant 0 : index
    %swap3A_188 = vector.load %arg8[%swap3A_185, %swap3A_186, %swap3A_187] : memref<2x8x3072xf32, #tpu.memory_space<vmem>>, vector<1x1x1024xf32>
    %swap3A_189 = vector.shape_cast %swap3A_188 : vector<1x1x1024xf32> to vector<1024xf32>
    %swap3A_190 = vector.shape_cast %broadcast_in_dim3A_176 : vector<1024xf32> to vector<1x1x1024xf32>
    tpu.vector_store %arg8[%swap3A_185, %swap3A_186, %swap3A_187], %swap3A_190 {strides = array<i32>} : memref<2x8x3072xf32, #tpu.memory_space<vmem>>, vector<1x1x1024xf32>,
    %mul3A_191 = arith.constant -2.000000e+00 : f32
    %mul3A_192 = vector.broadcast %mul3A_191 : f32 to vector<1024xf32>
    %mul3A_193 = arith.mulf %mul3A_192, %convert_element_type3A : vector<1024xf32>
    %swap3A_194 = arith.constant 0 : index
    %swap3A_195 = arith.constant 1 : index
    %swap3A_196 = arith.constant 0 : index
    %swap3A_197 = vector.load %arg8[%swap3A_194, %swap3A_195, %swap3A_196] : memref<2x8x3072xf32, #tpu.memory_space<vmem>>, vector<1x1x1024xf32>
    %swap3A_198 = vector.shape_cast %swap3A_197 : vector<1x1x1024xf32> to vector<1024xf32>
    %swap3A_199 = vector.shape_cast %mul3A_193 : vector<1024xf32> to vector<1x1x1024xf32>
    tpu.vector_store %arg8[%swap3A_194, %swap3A_195, %swap3A_196], %swap3A_199 {strides = array<i32>} : memref<2x8x3072xf32, #tpu.memory_space<vmem>>, vector<1x1x1024xf32>,
    %mul3A_200 = arith.constant -2.000000e+00 : f32
    %mul3A_201 = vector.broadcast %mul3A_200 : f32 to vector<1024xf32>
    %mul3A_202 = arith.mulf %mul3A_201, %convert_element_type3A_172 : vector<1024xf32>
    %swap3A_203 = arith.constant 1 : index
    %swap3A_204 = arith.constant 1 : index
    %swap3A_205 = arith.constant 0 : index
    %swap3A_206 = vector.load %arg8[%swap3A_203, %swap3A_204, %swap3A_205] : memref<2x8x3072xf32, #tpu.memory_space<vmem>>, vector<1x1x1024xf32>
    %swap3A_207 = vector.shape_cast %swap3A_206 : vector<1x1x1024xf32> to vector<1024xf32>
    %swap3A_208 = vector.shape_cast %mul3A_202 : vector<1024xf32> to vector<1x1x1024xf32>
    tpu.vector_store %arg8[%swap3A_203, %swap3A_204, %swap3A_205], %swap3A_208 {strides = array<i32>} : memref<2x8x3072xf32, #tpu.memory_space<vmem>>, vector<1x1x1024xf32>,
    %swap3A_209 = arith.constant 0 : index
    %swap3A_210 = arith.constant 2 : index
    %swap3A_211 = arith.constant 0 : index
    %swap3A_212 = vector.load %arg8[%swap3A_209, %swap3A_210, %swap3A_211] : memref<2x8x3072xf32, #tpu.memory_space<vmem>>, vector<1x1x1024xf32>
    %swap3A_213 = vector.shape_cast %swap3A_212 : vector<1x1x1024xf32> to vector<1024xf32>
    %swap3A_214 = vector.shape_cast %broadcast_in_dim3A_178 : vector<1024xf32> to vector<1x1x1024xf32>
    tpu.vector_store %arg8[%swap3A_209, %swap3A_210, %swap3A_211], %swap3A_214 {strides = array<i32>} : memref<2x8x3072xf32, #tpu.memory_space<vmem>>, vector<1x1x1024xf32>,
    %swap3A_215 = arith.constant 1 : index
    %swap3A_216 = arith.constant 2 : index
    %swap3A_217 = arith.constant 0 : index
    %swap3A_218 = vector.load %arg8[%swap3A_215, %swap3A_216, %swap3A_217] : memref<2x8x3072xf32, #tpu.memory_space<vmem>>, vector<1x1x1024xf32>
    %swap3A_219 = vector.shape_cast %swap3A_218 : vector<1x1x1024xf32> to vector<1024xf32>
    %swap3A_220 = vector.shape_cast %broadcast_in_dim3A_178 : vector<1024xf32> to vector<1x1x1024xf32>
    tpu.vector_store %arg8[%swap3A_215, %swap3A_216, %swap3A_217], %swap3A_220 {strides = array<i32>} : memref<2x8x3072xf32, #tpu.memory_space<vmem>>, vector<1x1x1024xf32>,
    %swap3A_221 = arith.constant 0 : index
    %swap3A_222 = arith.constant 3 : index
    %swap3A_223 = arith.constant 0 : index
    %swap3A_224 = vector.load %arg8[%swap3A_221, %swap3A_222, %swap3A_223] : memref<2x8x3072xf32, #tpu.memory_space<vmem>>, vector<1x1x1024xf32>
    %swap3A_225 = vector.shape_cast %swap3A_224 : vector<1x1x1024xf32> to vector<1024xf32>
    %swap3A_226 = vector.shape_cast %broadcast_in_dim3A_178 : vector<1024xf32> to vector<1x1x1024xf32>
    tpu.vector_store %arg8[%swap3A_221, %swap3A_222, %swap3A_223], %swap3A_226 {strides = array<i32>} : memref<2x8x3072xf32, #tpu.memory_space<vmem>>, vector<1x1x1024xf32>,
    %swap3A_227 = arith.constant 1 : index
    %swap3A_228 = arith.constant 3 : index
    %swap3A_229 = arith.constant 0 : index
    %swap3A_230 = vector.load %arg8[%swap3A_227, %swap3A_228, %swap3A_229] : memref<2x8x3072xf32, #tpu.memory_space<vmem>>, vector<1x1x1024xf32>
    %swap3A_231 = vector.shape_cast %swap3A_230 : vector<1x1x1024xf32> to vector<1024xf32>
    %swap3A_232 = vector.shape_cast %broadcast_in_dim3A_178 : vector<1024xf32> to vector<1x1x1024xf32>
    tpu.vector_store %arg8[%swap3A_227, %swap3A_228, %swap3A_229], %swap3A_232 {strides = array<i32>} : memref<2x8x3072xf32, #tpu.memory_space<vmem>>, vector<1x1x1024xf32>,
    %swap3A_233 = arith.constant 0 : index
    %swap3A_234 = arith.constant 4 : index
    %swap3A_235 = arith.constant 0 : index
    %swap3A_236 = vector.load %arg8[%swap3A_233, %swap3A_234, %swap3A_235] : memref<2x8x3072xf32, #tpu.memory_space<vmem>>, vector<1x1x1024xf32>
    %swap3A_237 = vector.shape_cast %swap3A_236 : vector<1x1x1024xf32> to vector<1024xf32>
    %swap3A_238 = vector.shape_cast %broadcast_in_dim3A_178 : vector<1024xf32> to vector<1x1x1024xf32>
    tpu.vector_store %arg8[%swap3A_233, %swap3A_234, %swap3A_235], %swap3A_238 {strides = array<i32>} : memref<2x8x3072xf32, #tpu.memory_space<vmem>>, vector<1x1x1024xf32>,
    %swap3A_239 = arith.constant 1 : index
    %swap3A_240 = arith.constant 4 : index
    %swap3A_241 = arith.constant 0 : index
    %swap3A_242 = vector.load %arg8[%swap3A_239, %swap3A_240, %swap3A_241] : memref<2x8x3072xf32, #tpu.memory_space<vmem>>, vector<1x1x1024xf32>
    %swap3A_243 = vector.shape_cast %swap3A_242 : vector<1x1x1024xf32> to vector<1024xf32>
    %swap3A_244 = vector.shape_cast %broadcast_in_dim3A_178 : vector<1024xf32> to vector<1x1x1024xf32>
    tpu.vector_store %arg8[%swap3A_239, %swap3A_240, %swap3A_241], %swap3A_244 {strides = array<i32>} : memref<2x8x3072xf32, #tpu.memory_space<vmem>>, vector<1x1x1024xf32>,
    %swap3A_245 = arith.constant 0 : index
    %swap3A_246 = arith.constant 5 : index
    %swap3A_247 = arith.constant 0 : index
    %swap3A_248 = vector.load %arg8[%swap3A_245, %swap3A_246, %swap3A_247] : memref<2x8x3072xf32, #tpu.memory_space<vmem>>, vector<1x1x1024xf32>
    %swap3A_249 = vector.shape_cast %swap3A_248 : vector<1x1x1024xf32> to vector<1024xf32>
    %swap3A_250 = vector.shape_cast %broadcast_in_dim3A_178 : vector<1024xf32> to vector<1x1x1024xf32>
    tpu.vector_store %arg8[%swap3A_245, %swap3A_246, %swap3A_247], %swap3A_250 {strides = array<i32>} : memref<2x8x3072xf32, #tpu.memory_space<vmem>>, vector<1x1x1024xf32>,
    %swap3A_251 = arith.constant 1 : index
    %swap3A_252 = arith.constant 5 : index
    %swap3A_253 = arith.constant 0 : index
    %swap3A_254 = vector.load %arg8[%swap3A_251, %swap3A_252, %swap3A_253] : memref<2x8x3072xf32, #tpu.memory_space<vmem>>, vector<1x1x1024xf32>
    %swap3A_255 = vector.shape_cast %swap3A_254 : vector<1x1x1024xf32> to vector<1024xf32>
    %swap3A_256 = vector.shape_cast %broadcast_in_dim3A_178 : vector<1024xf32> to vector<1x1x1024xf32>
    tpu.vector_store %arg8[%swap3A_251, %swap3A_252, %swap3A_253], %swap3A_256 {strides = array<i32>} : memref<2x8x3072xf32, #tpu.memory_space<vmem>>, vector<1x1x1024xf32>,
    %swap3A_257 = arith.constant 0 : index
    %swap3A_258 = arith.constant 6 : index
    %swap3A_259 = arith.constant 0 : index
    %swap3A_260 = vector.load %arg8[%swap3A_257, %swap3A_258, %swap3A_259] : memref<2x8x3072xf32, #tpu.memory_space<vmem>>, vector<1x1x1024xf32>
    %swap3A_261 = vector.shape_cast %swap3A_260 : vector<1x1x1024xf32> to vector<1024xf32>
    %swap3A_262 = vector.shape_cast %broadcast_in_dim3A_178 : vector<1024xf32> to vector<1x1x1024xf32>
    tpu.vector_store %arg8[%swap3A_257, %swap3A_258, %swap3A_259], %swap3A_262 {strides = array<i32>} : memref<2x8x3072xf32, #tpu.memory_space<vmem>>, vector<1x1x1024xf32>,
    %swap3A_263 = arith.constant 1 : index
    %swap3A_264 = arith.constant 6 : index
    %swap3A_265 = arith.constant 0 : index
    %swap3A_266 = vector.load %arg8[%swap3A_263, %swap3A_264, %swap3A_265] : memref<2x8x3072xf32, #tpu.memory_space<vmem>>, vector<1x1x1024xf32>
    %swap3A_267 = vector.shape_cast %swap3A_266 : vector<1x1x1024xf32> to vector<1024xf32>
    %swap3A_268 = vector.shape_cast %broadcast_in_dim3A_178 : vector<1024xf32> to vector<1x1x1024xf32>
    tpu.vector_store %arg8[%swap3A_263, %swap3A_264, %swap3A_265], %swap3A_268 {strides = array<i32>} : memref<2x8x3072xf32, #tpu.memory_space<vmem>>, vector<1x1x1024xf32>,
    %swap3A_269 = arith.constant 0 : index
    %swap3A_270 = arith.constant 7 : index
    %swap3A_271 = arith.constant 0 : index
    %swap3A_272 = vector.load %arg8[%swap3A_269, %swap3A_270, %swap3A_271] : memref<2x8x3072xf32, #tpu.memory_space<vmem>>, vector<1x1x1024xf32>
    %swap3A_273 = vector.shape_cast %swap3A_272 : vector<1x1x1024xf32> to vector<1024xf32>
    %swap3A_274 = vector.shape_cast %broadcast_in_dim3A_178 : vector<1024xf32> to vector<1x1x1024xf32>
    tpu.vector_store %arg8[%swap3A_269, %swap3A_270, %swap3A_271], %swap3A_274 {strides = array<i32>} : memref<2x8x3072xf32, #tpu.memory_space<vmem>>, vector<1x1x1024xf32>,
    %swap3A_275 = arith.constant 1 : index
    %swap3A_276 = arith.constant 7 : index
    %swap3A_277 = arith.constant 0 : index
    %swap3A_278 = vector.load %arg8[%swap3A_275, %swap3A_276, %swap3A_277] : memref<2x8x3072xf32, #tpu.memory_space<vmem>>, vector<1x1x1024xf32>
    %swap3A_279 = vector.shape_cast %swap3A_278 : vector<1x1x1024xf32> to vector<1024xf32>
    %swap3A_280 = vector.shape_cast %broadcast_in_dim3A_178 : vector<1024xf32> to vector<1x1x1024xf32>
    tpu.vector_store %arg8[%swap3A_275, %swap3A_276, %swap3A_277], %swap3A_280 {strides = array<i32>} : memref<2x8x3072xf32, #tpu.memory_space<vmem>>, vector<1x1x1024xf32>,
    %swap3A_281 = arith.constant 0 : index
    %swap3A_282 = arith.constant 0 : index
    %swap3A_283 = arith.constant 1024 : index
    %swap3A_284 = vector.load %arg8[%swap3A_281, %swap3A_282, %swap3A_283] : memref<2x8x3072xf32, #tpu.memory_space<vmem>>, vector<1x1x1024xf32>
    %swap3A_285 = vector.shape_cast %swap3A_284 : vector<1x1x1024xf32> to vector<1024xf32>
    %swap3A_286 = vector.shape_cast %broadcast_in_dim3A_176 : vector<1024xf32> to vector<1x1x1024xf32>
    tpu.vector_store %arg8[%swap3A_281, %swap3A_282, %swap3A_283], %swap3A_286 {strides = array<i32>} : memref<2x8x3072xf32, #tpu.memory_space<vmem>>, vector<1x1x1024xf32>,
    %swap3A_287 = arith.constant 1 : index
    %swap3A_288 = arith.constant 0 : index
    %swap3A_289 = arith.constant 1024 : index
    %swap3A_290 = vector.load %arg8[%swap3A_287, %swap3A_288, %swap3A_289] : memref<2x8x3072xf32, #tpu.memory_space<vmem>>, vector<1x1x1024xf32>
    %swap3A_291 = vector.shape_cast %swap3A_290 : vector<1x1x1024xf32> to vector<1024xf32>
    %swap3A_292 = vector.shape_cast %broadcast_in_dim3A_176 : vector<1024xf32> to vector<1x1x1024xf32>
    tpu.vector_store %arg8[%swap3A_287, %swap3A_288, %swap3A_289], %swap3A_292 {strides = array<i32>} : memref<2x8x3072xf32, #tpu.memory_space<vmem>>, vector<1x1x1024xf32>,
    %mul3A_293 = arith.constant -2.000000e+00 : f32
    %mul3A_294 = vector.broadcast %mul3A_293 : f32 to vector<1024xf32>
    %mul3A_295 = arith.mulf %mul3A_294, %convert_element_type3A_170 : vector<1024xf32>
    %swap3A_296 = arith.constant 0 : index
    %swap3A_297 = arith.constant 1 : index
    %swap3A_298 = arith.constant 1024 : index
    %swap3A_299 = vector.load %arg8[%swap3A_296, %swap3A_297, %swap3A_298] : memref<2x8x3072xf32, #tpu.memory_space<vmem>>, vector<1x1x1024xf32>
    %swap3A_300 = vector.shape_cast %swap3A_299 : vector<1x1x1024xf32> to vector<1024xf32>
    %swap3A_301 = vector.shape_cast %mul3A_295 : vector<1024xf32> to vector<1x1x1024xf32>
    tpu.vector_store %arg8[%swap3A_296, %swap3A_297, %swap3A_298], %swap3A_301 {strides = array<i32>} : memref<2x8x3072xf32, #tpu.memory_space<vmem>>, vector<1x1x1024xf32>,
    %mul3A_302 = arith.constant -2.000000e+00 : f32
    %mul3A_303 = vector.broadcast %mul3A_302 : f32 to vector<1024xf32>
    %mul3A_304 = arith.mulf %mul3A_303, %convert_element_type3A_173 : vector<1024xf32>
    %swap3A_305 = arith.constant 1 : index
    %swap3A_306 = arith.constant 1 : index
    %swap3A_307 = arith.constant 1024 : index
    %swap3A_308 = vector.load %arg8[%swap3A_305, %swap3A_306, %swap3A_307] : memref<2x8x3072xf32, #tpu.memory_space<vmem>>, vector<1x1x1024xf32>
    %swap3A_309 = vector.shape_cast %swap3A_308 : vector<1x1x1024xf32> to vector<1024xf32>
    %swap3A_310 = vector.shape_cast %mul3A_304 : vector<1024xf32> to vector<1x1x1024xf32>
    tpu.vector_store %arg8[%swap3A_305, %swap3A_306, %swap3A_307], %swap3A_310 {strides = array<i32>} : memref<2x8x3072xf32, #tpu.memory_space<vmem>>, vector<1x1x1024xf32>,
    %swap3A_311 = arith.constant 0 : index
    %swap3A_312 = arith.constant 2 : index
    %swap3A_313 = arith.constant 1024 : index
    %swap3A_314 = vector.load %arg8[%swap3A_311, %swap3A_312, %swap3A_313] : memref<2x8x3072xf32, #tpu.memory_space<vmem>>, vector<1x1x1024xf32>
    %swap3A_315 = vector.shape_cast %swap3A_314 : vector<1x1x1024xf32> to vector<1024xf32>
    %swap3A_316 = vector.shape_cast %broadcast_in_dim3A_178 : vector<1024xf32> to vector<1x1x1024xf32>
    tpu.vector_store %arg8[%swap3A_311, %swap3A_312, %swap3A_313], %swap3A_316 {strides = array<i32>} : memref<2x8x3072xf32, #tpu.memory_space<vmem>>, vector<1x1x1024xf32>,
    %swap3A_317 = arith.constant 1 : index
    %swap3A_318 = arith.constant 2 : index
    %swap3A_319 = arith.constant 1024 : index
    %swap3A_320 = vector.load %arg8[%swap3A_317, %swap3A_318, %swap3A_319] : memref<2x8x3072xf32, #tpu.memory_space<vmem>>, vector<1x1x1024xf32>
    %swap3A_321 = vector.shape_cast %swap3A_320 : vector<1x1x1024xf32> to vector<1024xf32>
    %swap3A_322 = vector.shape_cast %broadcast_in_dim3A_178 : vector<1024xf32> to vector<1x1x1024xf32>
    tpu.vector_store %arg8[%swap3A_317, %swap3A_318, %swap3A_319], %swap3A_322 {strides = array<i32>} : memref<2x8x3072xf32, #tpu.memory_space<vmem>>, vector<1x1x1024xf32>,
    %swap3A_323 = arith.constant 0 : index
    %swap3A_324 = arith.constant 3 : index
    %swap3A_325 = arith.constant 1024 : index
    %swap3A_326 = vector.load %arg8[%swap3A_323, %swap3A_324, %swap3A_325] : memref<2x8x3072xf32, #tpu.memory_space<vmem>>, vector<1x1x1024xf32>
    %swap3A_327 = vector.shape_cast %swap3A_326 : vector<1x1x1024xf32> to vector<1024xf32>
    %swap3A_328 = vector.shape_cast %broadcast_in_dim3A_178 : vector<1024xf32> to vector<1x1x1024xf32>
    tpu.vector_store %arg8[%swap3A_323, %swap3A_324, %swap3A_325], %swap3A_328 {strides = array<i32>} : memref<2x8x3072xf32, #tpu.memory_space<vmem>>, vector<1x1x1024xf32>,
    %swap3A_329 = arith.constant 1 : index
    %swap3A_330 = arith.constant 3 : index
    %swap3A_331 = arith.constant 1024 : index
    %swap3A_332 = vector.load %arg8[%swap3A_329, %swap3A_330, %swap3A_331] : memref<2x8x3072xf32, #tpu.memory_space<vmem>>, vector<1x1x1024xf32>
    %swap3A_333 = vector.shape_cast %swap3A_332 : vector<1x1x1024xf32> to vector<1024xf32>
    %swap3A_334 = vector.shape_cast %broadcast_in_dim3A_178 : vector<1024xf32> to vector<1x1x1024xf32>
    tpu.vector_store %arg8[%swap3A_329, %swap3A_330, %swap3A_331], %swap3A_334 {strides = array<i32>} : memref<2x8x3072xf32, #tpu.memory_space<vmem>>, vector<1x1x1024xf32>,
    %swap3A_335 = arith.constant 0 : index
    %swap3A_336 = arith.constant 4 : index
    %swap3A_337 = arith.constant 1024 : index
    %swap3A_338 = vector.load %arg8[%swap3A_335, %swap3A_336, %swap3A_337] : memref<2x8x3072xf32, #tpu.memory_space<vmem>>, vector<1x1x1024xf32>
    %swap3A_339 = vector.shape_cast %swap3A_338 : vector<1x1x1024xf32> to vector<1024xf32>
    %swap3A_340 = vector.shape_cast %broadcast_in_dim3A_178 : vector<1024xf32> to vector<1x1x1024xf32>
    tpu.vector_store %arg8[%swap3A_335, %swap3A_336, %swap3A_337], %swap3A_340 {strides = array<i32>} : memref<2x8x3072xf32, #tpu.memory_space<vmem>>, vector<1x1x1024xf32>,
    %swap3A_341 = arith.constant 1 : index
    %swap3A_342 = arith.constant 4 : index
    %swap3A_343 = arith.constant 1024 : index
    %swap3A_344 = vector.load %arg8[%swap3A_341, %swap3A_342, %swap3A_343] : memref<2x8x3072xf32, #tpu.memory_space<vmem>>, vector<1x1x1024xf32>
    %swap3A_345 = vector.shape_cast %swap3A_344 : vector<1x1x1024xf32> to vector<1024xf32>
    %swap3A_346 = vector.shape_cast %broadcast_in_dim3A_178 : vector<1024xf32> to vector<1x1x1024xf32>
    tpu.vector_store %arg8[%swap3A_341, %swap3A_342, %swap3A_343], %swap3A_346 {strides = array<i32>} : memref<2x8x3072xf32, #tpu.memory_space<vmem>>, vector<1x1x1024xf32>,
    %swap3A_347 = arith.constant 0 : index
    %swap3A_348 = arith.constant 5 : index
    %swap3A_349 = arith.constant 1024 : index
    %swap3A_350 = vector.load %arg8[%swap3A_347, %swap3A_348, %swap3A_349] : memref<2x8x3072xf32, #tpu.memory_space<vmem>>, vector<1x1x1024xf32>
    %swap3A_351 = vector.shape_cast %swap3A_350 : vector<1x1x1024xf32> to vector<1024xf32>
    %swap3A_352 = vector.shape_cast %broadcast_in_dim3A_178 : vector<1024xf32> to vector<1x1x1024xf32>
    tpu.vector_store %arg8[%swap3A_347, %swap3A_348, %swap3A_349], %swap3A_352 {strides = array<i32>} : memref<2x8x3072xf32, #tpu.memory_space<vmem>>, vector<1x1x1024xf32>,
    %swap3A_353 = arith.constant 1 : index
    %swap3A_354 = arith.constant 5 : index
    %swap3A_355 = arith.constant 1024 : index
    %swap3A_356 = vector.load %arg8[%swap3A_353, %swap3A_354, %swap3A_355] : memref<2x8x3072xf32, #tpu.memory_space<vmem>>, vector<1x1x1024xf32>
    %swap3A_357 = vector.shape_cast %swap3A_356 : vector<1x1x1024xf32> to vector<1024xf32>
    %swap3A_358 = vector.shape_cast %broadcast_in_dim3A_178 : vector<1024xf32> to vector<1x1x1024xf32>
    tpu.vector_store %arg8[%swap3A_353, %swap3A_354, %swap3A_355], %swap3A_358 {strides = array<i32>} : memref<2x8x3072xf32, #tpu.memory_space<vmem>>, vector<1x1x1024xf32>,
    %swap3A_359 = arith.constant 0 : index
    %swap3A_360 = arith.constant 6 : index
    %swap3A_361 = arith.constant 1024 : index
    %swap3A_362 = vector.load %arg8[%swap3A_359, %swap3A_360, %swap3A_361] : memref<2x8x3072xf32, #tpu.memory_space<vmem>>, vector<1x1x1024xf32>
    %swap3A_363 = vector.shape_cast %swap3A_362 : vector<1x1x1024xf32> to vector<1024xf32>
    %swap3A_364 = vector.shape_cast %broadcast_in_dim3A_178 : vector<1024xf32> to vector<1x1x1024xf32>
    tpu.vector_store %arg8[%swap3A_359, %swap3A_360, %swap3A_361], %swap3A_364 {strides = array<i32>} : memref<2x8x3072xf32, #tpu.memory_space<vmem>>, vector<1x1x1024xf32>,
    %swap3A_365 = arith.constant 1 : index
    %swap3A_366 = arith.constant 6 : index
    %swap3A_367 = arith.constant 1024 : index
    %swap3A_368 = vector.load %arg8[%swap3A_365, %swap3A_366, %swap3A_367] : memref<2x8x3072xf32, #tpu.memory_space<vmem>>, vector<1x1x1024xf32>
    %swap3A_369 = vector.shape_cast %swap3A_368 : vector<1x1x1024xf32> to vector<1024xf32>
    %swap3A_370 = vector.shape_cast %broadcast_in_dim3A_178 : vector<1024xf32> to vector<1x1x1024xf32>
    tpu.vector_store %arg8[%swap3A_365, %swap3A_366, %swap3A_367], %swap3A_370 {strides = array<i32>} : memref<2x8x3072xf32, #tpu.memory_space<vmem>>, vector<1x1x1024xf32>,
    %swap3A_371 = arith.constant 0 : index
    %swap3A_372 = arith.constant 7 : index
    %swap3A_373 = arith.constant 1024 : index
    %swap3A_374 = vector.load %arg8[%swap3A_371, %swap3A_372, %swap3A_373] : memref<2x8x3072xf32, #tpu.memory_space<vmem>>, vector<1x1x1024xf32>
    %swap3A_375 = vector.shape_cast %swap3A_374 : vector<1x1x1024xf32> to vector<1024xf32>
    %swap3A_376 = vector.shape_cast %broadcast_in_dim3A_178 : vector<1024xf32> to vector<1x1x1024xf32>
    tpu.vector_store %arg8[%swap3A_371, %swap3A_372, %swap3A_373], %swap3A_376 {strides = array<i32>} : memref<2x8x3072xf32, #tpu.memory_space<vmem>>, vector<1x1x1024xf32>,
    %swap3A_377 = arith.constant 1 : index
    %swap3A_378 = arith.constant 7 : index
    %swap3A_379 = arith.constant 1024 : index
    %swap3A_380 = vector.load %arg8[%swap3A_377, %swap3A_378, %swap3A_379] : memref<2x8x3072xf32, #tpu.memory_space<vmem>>, vector<1x1x1024xf32>
    %swap3A_381 = vector.shape_cast %swap3A_380 : vector<1x1x1024xf32> to vector<1024xf32>
    %swap3A_382 = vector.shape_cast %broadcast_in_dim3A_178 : vector<1024xf32> to vector<1x1x1024xf32>
    tpu.vector_store %arg8[%swap3A_377, %swap3A_378, %swap3A_379], %swap3A_382 {strides = array<i32>} : memref<2x8x3072xf32, #tpu.memory_space<vmem>>, vector<1x1x1024xf32>,
    %swap3A_383 = arith.constant 0 : index
    %swap3A_384 = arith.constant 0 : index
    %swap3A_385 = arith.constant 2048 : index
    %swap3A_386 = vector.load %arg8[%swap3A_383, %swap3A_384, %swap3A_385] : memref<2x8x3072xf32, #tpu.memory_space<vmem>>, vector<1x1x1024xf32>
    %swap3A_387 = vector.shape_cast %swap3A_386 : vector<1x1x1024xf32> to vector<1024xf32>
    %swap3A_388 = vector.shape_cast %broadcast_in_dim3A_176 : vector<1024xf32> to vector<1x1x1024xf32>
    tpu.vector_store %arg8[%swap3A_383, %swap3A_384, %swap3A_385], %swap3A_388 {strides = array<i32>} : memref<2x8x3072xf32, #tpu.memory_space<vmem>>, vector<1x1x1024xf32>,
    %swap3A_389 = arith.constant 1 : index
    %swap3A_390 = arith.constant 0 : index
    %swap3A_391 = arith.constant 2048 : index
    %swap3A_392 = vector.load %arg8[%swap3A_389, %swap3A_390, %swap3A_391] : memref<2x8x3072xf32, #tpu.memory_space<vmem>>, vector<1x1x1024xf32>
    %swap3A_393 = vector.shape_cast %swap3A_392 : vector<1x1x1024xf32> to vector<1024xf32>
    %swap3A_394 = vector.shape_cast %broadcast_in_dim3A_176 : vector<1024xf32> to vector<1x1x1024xf32>
    tpu.vector_store %arg8[%swap3A_389, %swap3A_390, %swap3A_391], %swap3A_394 {strides = array<i32>} : memref<2x8x3072xf32, #tpu.memory_space<vmem>>, vector<1x1x1024xf32>,
    %mul3A_395 = arith.constant -2.000000e+00 : f32
    %mul3A_396 = vector.broadcast %mul3A_395 : f32 to vector<1024xf32>
    %mul3A_397 = arith.mulf %mul3A_396, %convert_element_type3A_171 : vector<1024xf32>
    %swap3A_398 = arith.constant 0 : index
    %swap3A_399 = arith.constant 1 : index
    %swap3A_400 = arith.constant 2048 : index
    %swap3A_401 = vector.load %arg8[%swap3A_398, %swap3A_399, %swap3A_400] : memref<2x8x3072xf32, #tpu.memory_space<vmem>>, vector<1x1x1024xf32>
    %swap3A_402 = vector.shape_cast %swap3A_401 : vector<1x1x1024xf32> to vector<1024xf32>
    %swap3A_403 = vector.shape_cast %mul3A_397 : vector<1024xf32> to vector<1x1x1024xf32>
    tpu.vector_store %arg8[%swap3A_398, %swap3A_399, %swap3A_400], %swap3A_403 {strides = array<i32>} : memref<2x8x3072xf32, #tpu.memory_space<vmem>>, vector<1x1x1024xf32>,
    %mul3A_404 = arith.constant -2.000000e+00 : f32
    %mul3A_405 = vector.broadcast %mul3A_404 : f32 to vector<1024xf32>
    %mul3A_406 = arith.mulf %mul3A_405, %convert_element_type3A_174 : vector<1024xf32>
    %swap3A_407 = arith.constant 1 : index
    %swap3A_408 = arith.constant 1 : index
    %swap3A_409 = arith.constant 2048 : index
    %swap3A_410 = vector.load %arg8[%swap3A_407, %swap3A_408, %swap3A_409] : memref<2x8x3072xf32, #tpu.memory_space<vmem>>, vector<1x1x1024xf32>
    %swap3A_411 = vector.shape_cast %swap3A_410 : vector<1x1x1024xf32> to vector<1024xf32>
    %swap3A_412 = vector.shape_cast %mul3A_406 : vector<1024xf32> to vector<1x1x1024xf32>
    tpu.vector_store %arg8[%swap3A_407, %swap3A_408, %swap3A_409], %swap3A_412 {strides = array<i32>} : memref<2x8x3072xf32, #tpu.memory_space<vmem>>, vector<1x1x1024xf32>,
    %swap3A_413 = arith.constant 0 : index
    %swap3A_414 = arith.constant 2 : index
    %swap3A_415 = arith.constant 2048 : index
    %swap3A_416 = vector.load %arg8[%swap3A_413, %swap3A_414, %swap3A_415] : memref<2x8x3072xf32, #tpu.memory_space<vmem>>, vector<1x1x1024xf32>
    %swap3A_417 = vector.shape_cast %swap3A_416 : vector<1x1x1024xf32> to vector<1024xf32>
    %swap3A_418 = vector.shape_cast %broadcast_in_dim3A_178 : vector<1024xf32> to vector<1x1x1024xf32>
    tpu.vector_store %arg8[%swap3A_413, %swap3A_414, %swap3A_415], %swap3A_418 {strides = array<i32>} : memref<2x8x3072xf32, #tpu.memory_space<vmem>>, vector<1x1x1024xf32>,
    %swap3A_419 = arith.constant 1 : index
    %swap3A_420 = arith.constant 2 : index
    %swap3A_421 = arith.constant 2048 : index
    %swap3A_422 = vector.load %arg8[%swap3A_419, %swap3A_420, %swap3A_421] : memref<2x8x3072xf32, #tpu.memory_space<vmem>>, vector<1x1x1024xf32>
    %swap3A_423 = vector.shape_cast %swap3A_422 : vector<1x1x1024xf32> to vector<1024xf32>
    %swap3A_424 = vector.shape_cast %broadcast_in_dim3A_178 : vector<1024xf32> to vector<1x1x1024xf32>
    tpu.vector_store %arg8[%swap3A_419, %swap3A_420, %swap3A_421], %swap3A_424 {strides = array<i32>} : memref<2x8x3072xf32, #tpu.memory_space<vmem>>, vector<1x1x1024xf32>,
    %swap3A_425 = arith.constant 0 : index
    %swap3A_426 = arith.constant 3 : index
    %swap3A_427 = arith.constant 2048 : index
    %swap3A_428 = vector.load %arg8[%swap3A_425, %swap3A_426, %swap3A_427] : memref<2x8x3072xf32, #tpu.memory_space<vmem>>, vector<1x1x1024xf32>
    %swap3A_429 = vector.shape_cast %swap3A_428 : vector<1x1x1024xf32> to vector<1024xf32>
    %swap3A_430 = vector.shape_cast %broadcast_in_dim3A_178 : vector<1024xf32> to vector<1x1x1024xf32>
    tpu.vector_store %arg8[%swap3A_425, %swap3A_426, %swap3A_427], %swap3A_430 {strides = array<i32>} : memref<2x8x3072xf32, #tpu.memory_space<vmem>>, vector<1x1x1024xf32>,
    %swap3A_431 = arith.constant 1 : index
    %swap3A_432 = arith.constant 3 : index
    %swap3A_433 = arith.constant 2048 : index
    %swap3A_434 = vector.load %arg8[%swap3A_431, %swap3A_432, %swap3A_433] : memref<2x8x3072xf32, #tpu.memory_space<vmem>>, vector<1x1x1024xf32>
    %swap3A_435 = vector.shape_cast %swap3A_434 : vector<1x1x1024xf32> to vector<1024xf32>
    %swap3A_436 = vector.shape_cast %broadcast_in_dim3A_178 : vector<1024xf32> to vector<1x1x1024xf32>
    tpu.vector_store %arg8[%swap3A_431, %swap3A_432, %swap3A_433], %swap3A_436 {strides = array<i32>} : memref<2x8x3072xf32, #tpu.memory_space<vmem>>, vector<1x1x1024xf32>,
    %swap3A_437 = arith.constant 0 : index
    %swap3A_438 = arith.constant 4 : index
    %swap3A_439 = arith.constant 2048 : index
    %swap3A_440 = vector.load %arg8[%swap3A_437, %swap3A_438, %swap3A_439] : memref<2x8x3072xf32, #tpu.memory_space<vmem>>, vector<1x1x1024xf32>
    %swap3A_441 = vector.shape_cast %swap3A_440 : vector<1x1x1024xf32> to vector<1024xf32>
    %swap3A_442 = vector.shape_cast %broadcast_in_dim3A_178 : vector<1024xf32> to vector<1x1x1024xf32>
    tpu.vector_store %arg8[%swap3A_437, %swap3A_438, %swap3A_439], %swap3A_442 {strides = array<i32>} : memref<2x8x3072xf32, #tpu.memory_space<vmem>>, vector<1x1x1024xf32>,
    %swap3A_443 = arith.constant 1 : index
    %swap3A_444 = arith.constant 4 : index
    %swap3A_445 = arith.constant 2048 : index
    %swap3A_446 = vector.load %arg8[%swap3A_443, %swap3A_444, %swap3A_445] : memref<2x8x3072xf32, #tpu.memory_space<vmem>>, vector<1x1x1024xf32>
    %swap3A_447 = vector.shape_cast %swap3A_446 : vector<1x1x1024xf32> to vector<1024xf32>
    %swap3A_448 = vector.shape_cast %broadcast_in_dim3A_178 : vector<1024xf32> to vector<1x1x1024xf32>
    tpu.vector_store %arg8[%swap3A_443, %swap3A_444, %swap3A_445], %swap3A_448 {strides = array<i32>} : memref<2x8x3072xf32, #tpu.memory_space<vmem>>, vector<1x1x1024xf32>,
    %swap3A_449 = arith.constant 0 : index
    %swap3A_450 = arith.constant 5 : index
    %swap3A_451 = arith.constant 2048 : index
    %swap3A_452 = vector.load %arg8[%swap3A_449, %swap3A_450, %swap3A_451] : memref<2x8x3072xf32, #tpu.memory_space<vmem>>, vector<1x1x1024xf32>
    %swap3A_453 = vector.shape_cast %swap3A_452 : vector<1x1x1024xf32> to vector<1024xf32>
    %swap3A_454 = vector.shape_cast %broadcast_in_dim3A_178 : vector<1024xf32> to vector<1x1x1024xf32>
    tpu.vector_store %arg8[%swap3A_449, %swap3A_450, %swap3A_451], %swap3A_454 {strides = array<i32>} : memref<2x8x3072xf32, #tpu.memory_space<vmem>>, vector<1x1x1024xf32>,
    %swap3A_455 = arith.constant 1 : index
    %swap3A_456 = arith.constant 5 : index
    %swap3A_457 = arith.constant 2048 : index
    %swap3A_458 = vector.load %arg8[%swap3A_455, %swap3A_456, %swap3A_457] : memref<2x8x3072xf32, #tpu.memory_space<vmem>>, vector<1x1x1024xf32>
    %swap3A_459 = vector.shape_cast %swap3A_458 : vector<1x1x1024xf32> to vector<1024xf32>
    %swap3A_460 = vector.shape_cast %broadcast_in_dim3A_178 : vector<1024xf32> to vector<1x1x1024xf32>
    tpu.vector_store %arg8[%swap3A_455, %swap3A_456, %swap3A_457], %swap3A_460 {strides = array<i32>} : memref<2x8x3072xf32, #tpu.memory_space<vmem>>, vector<1x1x1024xf32>,
    %swap3A_461 = arith.constant 0 : index
    %swap3A_462 = arith.constant 6 : index
    %swap3A_463 = arith.constant 2048 : index
    %swap3A_464 = vector.load %arg8[%swap3A_461, %swap3A_462, %swap3A_463] : memref<2x8x3072xf32, #tpu.memory_space<vmem>>, vector<1x1x1024xf32>
    %swap3A_465 = vector.shape_cast %swap3A_464 : vector<1x1x1024xf32> to vector<1024xf32>
    %swap3A_466 = vector.shape_cast %broadcast_in_dim3A_178 : vector<1024xf32> to vector<1x1x1024xf32>
    tpu.vector_store %arg8[%swap3A_461, %swap3A_462, %swap3A_463], %swap3A_466 {strides = array<i32>} : memref<2x8x3072xf32, #tpu.memory_space<vmem>>, vector<1x1x1024xf32>,
    %swap3A_467 = arith.constant 1 : index
    %swap3A_468 = arith.constant 6 : index
    %swap3A_469 = arith.constant 2048 : index
    %swap3A_470 = vector.load %arg8[%swap3A_467, %swap3A_468, %swap3A_469] : memref<2x8x3072xf32, #tpu.memory_space<vmem>>, vector<1x1x1024xf32>
    %swap3A_471 = vector.shape_cast %swap3A_470 : vector<1x1x1024xf32> to vector<1024xf32>
    %swap3A_472 = vector.shape_cast %broadcast_in_dim3A_178 : vector<1024xf32> to vector<1x1x1024xf32>
    tpu.vector_store %arg8[%swap3A_467, %swap3A_468, %swap3A_469], %swap3A_472 {strides = array<i32>} : memref<2x8x3072xf32, #tpu.memory_space<vmem>>, vector<1x1x1024xf32>,
    %swap3A_473 = arith.constant 0 : index
    %swap3A_474 = arith.constant 7 : index
    %swap3A_475 = arith.constant 2048 : index
    %swap3A_476 = vector.load %arg8[%swap3A_473, %swap3A_474, %swap3A_475] : memref<2x8x3072xf32, #tpu.memory_space<vmem>>, vector<1x1x1024xf32>
    %swap3A_477 = vector.shape_cast %swap3A_476 : vector<1x1x1024xf32> to vector<1024xf32>
    %swap3A_478 = vector.shape_cast %broadcast_in_dim3A_178 : vector<1024xf32> to vector<1x1x1024xf32>
    tpu.vector_store %arg8[%swap3A_473, %swap3A_474, %swap3A_475], %swap3A_478 {strides = array<i32>} : memref<2x8x3072xf32, #tpu.memory_space<vmem>>, vector<1x1x1024xf32>,
    %swap3A_479 = arith.constant 1 : index
    %swap3A_480 = arith.constant 7 : index
    %swap3A_481 = arith.constant 2048 : index
    %swap3A_482 = vector.load %arg8[%swap3A_479, %swap3A_480, %swap3A_481] : memref<2x8x3072xf32, #tpu.memory_space<vmem>>, vector<1x1x1024xf32>
    %swap3A_483 = vector.shape_cast %swap3A_482 : vector<1x1x1024xf32> to vector<1024xf32>
    %swap3A_484 = vector.shape_cast %broadcast_in_dim3A_178 : vector<1024xf32> to vector<1x1x1024xf32>
    tpu.vector_store %arg8[%swap3A_479, %swap3A_480, %swap3A_481], %swap3A_484 {strides = array<i32>} : memref<2x8x3072xf32, #tpu.memory_space<vmem>>, vector<1x1x1024xf32>,
    %broadcast_in_dim3A_485 = arith.constant 3.000000e+38 : f32
    %broadcast_in_dim3A_486 = vector.broadcast %broadcast_in_dim3A_485 : f32 to vector<1024xf32>
    %broadcast_in_dim3A_487 = arith.constant 3.000000e+38 : f32
    %broadcast_in_dim3A_488 = vector.broadcast %broadcast_in_dim3A_487 : f32 to vector<1024xf32>
    %broadcast_in_dim3A_489 = arith.constant 3.000000e+38 : f32
    %broadcast_in_dim3A_490 = vector.broadcast %broadcast_in_dim3A_489 : f32 to vector<1024xf32>
    %broadcast_in_dim3A_491 = arith.constant 3.000000e+38 : f32
    %broadcast_in_dim3A_492 = vector.broadcast %broadcast_in_dim3A_491 : f32 to vector<1024xf32>
    %broadcast_in_dim3A_493 = arith.constant 3.000000e+38 : f32
    %broadcast_in_dim3A_494 = vector.broadcast %broadcast_in_dim3A_493 : f32 to vector<1024xf32>
    %broadcast_in_dim3A_495 = arith.constant 3.000000e+38 : f32
    %broadcast_in_dim3A_496 = vector.broadcast %broadcast_in_dim3A_495 : f32 to vector<1024xf32>
    %broadcast_in_dim3A_497 = arith.constant 3.000000e+38 : f32
    %broadcast_in_dim3A_498 = vector.broadcast %broadcast_in_dim3A_497 : f32 to vector<1024xf32>
    %broadcast_in_dim3A_499 = arith.constant 3.000000e+38 : f32
    %broadcast_in_dim3A_500 = vector.broadcast %broadcast_in_dim3A_499 : f32 to vector<1024xf32>
    %broadcast_in_dim3A_501 = arith.constant 3.000000e+38 : f32
    %broadcast_in_dim3A_502 = vector.broadcast %broadcast_in_dim3A_501 : f32 to vector<1024xf32>
    %get3A_503 = arith.constant 0 : index
    %get3A_504 = arith.constant 0 : index
    %get3A_505 = arith.constant 0 : index
    %get3A_506 = vector.load %arg7[%get3A_503, %get3A_504, %get3A_505] : memref<2x8x2048xf32, #tpu.memory_space<vmem>>, vector<1x8x256xf32>
    %get3A_507 = vector.shape_cast %get3A_506 : vector<1x8x256xf32> to vector<8x256xf32>
    %get3A_508 = arith.constant 0 : index
    %get3A_509 = arith.constant 0 : index
    %get3A_510 = arith.constant 0 : index
    %get3A_511 = vector.load %arg8[%get3A_508, %get3A_509, %get3A_510] : memref<2x8x3072xf32, #tpu.memory_space<vmem>>, vector<1x8x3072xf32>
    %get3A_512 = vector.shape_cast %get3A_511 : vector<1x8x3072xf32> to vector<8x3072xf32>
    %dot_general3A = arith.constant dense<0.000000e+00> : vector<256x3072xf32>
    %dot_general3A_513 = tpu.matmul %get3A_507, %get3A_512, %dot_general3A {dimension_numbers = #tpu.dot_dimension_numbers<[0], [0], [1], [1], [0, 1, 1, 1], [], []>, transpose_lhs_hint = false} : vector<8x256xf32>, vector<8x3072xf32>, vector<256x3072xf32> -> vector<256x3072xf32>
    %get3A_514 = arith.constant 1 : index
    %get3A_515 = arith.constant 0 : index
    %get3A_516 = arith.constant 0 : index
    %get3A_517 = vector.load %arg7[%get3A_514, %get3A_515, %get3A_516] : memref<2x8x2048xf32, #tpu.memory_space<vmem>>, vector<1x8x256xf32>
    %get3A_518 = vector.shape_cast %get3A_517 : vector<1x8x256xf32> to vector<8x256xf32>
    %get3A_519 = arith.constant 1 : index
    %get3A_520 = arith.constant 0 : index
    %get3A_521 = arith.constant 0 : index
    %get3A_522 = vector.load %arg8[%get3A_519, %get3A_520, %get3A_521] : memref<2x8x3072xf32, #tpu.memory_space<vmem>>, vector<1x8x3072xf32>
    %get3A_523 = vector.shape_cast %get3A_522 : vector<1x8x3072xf32> to vector<8x3072xf32>
    %dot_general3A_524 = arith.constant dense<0.000000e+00> : vector<256x3072xf32>
    %dot_general3A_525 = tpu.matmul %get3A_518, %get3A_523, %dot_general3A_524 {dimension_numbers = #tpu.dot_dimension_numbers<[0], [0], [1], [1], [0, 1, 1, 1], [], []>, transpose_lhs_hint = false} : vector<8x256xf32>, vector<8x3072xf32>, vector<256x3072xf32> -> vector<256x3072xf32>
    %slice3A = vector.extract_strided_slice %dot_general3A_513 {offsets = [0, 0], sizes = [256, 1024], strides = [1, 1]} : vector<256x3072xf32> to vector<256x1024xf32>
    %slice3A_526 = vector.extract_strided_slice %dot_general3A_525 {offsets = [0, 0], sizes = [256, 1024], strides = [1, 1]} : vector<256x3072xf32> to vector<256x1024xf32>
    %add3A_527 = arith.addf %slice3A, %slice3A_526 : vector<256x1024xf32>
    %reduce_min3A = arith.constant dense<0x7F800000> : vector<1024xf32>
    %reduce_min3A_528 = vector.multi_reduction <minimumf>, %add3A_527, %reduce_min3A [0] : vector<256x1024xf32> to vector<1024xf32>
    %min3A = arith.minimumf %broadcast_in_dim3A_486, %reduce_min3A_528 : vector<1024xf32>
    %slice3A_529 = vector.extract_strided_slice %dot_general3A_513 {offsets = [0, 1024], sizes = [256, 1024], strides = [1, 1]} : vector<256x3072xf32> to vector<256x1024xf32>
    %slice3A_530 = vector.extract_strided_slice %dot_general3A_525 {offsets = [0, 0], sizes = [256, 1024], strides = [1, 1]} : vector<256x3072xf32> to vector<256x1024xf32>
    %add3A_531 = arith.addf %slice3A_529, %slice3A_530 : vector<256x1024xf32>
    %reduce_min3A_532 = arith.constant dense<0x7F800000> : vector<1024xf32>
    %reduce_min3A_533 = vector.multi_reduction <minimumf>, %add3A_531, %reduce_min3A_532 [0] : vector<256x1024xf32> to vector<1024xf32>
    %min3A_534 = arith.minimumf %broadcast_in_dim3A_488, %reduce_min3A_533 : vector<1024xf32>
    %slice3A_535 = vector.extract_strided_slice %dot_general3A_513 {offsets = [0, 2048], sizes = [256, 1024], strides = [1, 1]} : vector<256x3072xf32> to vector<256x1024xf32>
    %slice3A_536 = vector.extract_strided_slice %dot_general3A_525 {offsets = [0, 0], sizes = [256, 1024], strides = [1, 1]} : vector<256x3072xf32> to vector<256x1024xf32>
    %add3A_537 = arith.addf %slice3A_535, %slice3A_536 : vector<256x1024xf32>
    %reduce_min3A_538 = arith.constant dense<0x7F800000> : vector<1024xf32>
    %reduce_min3A_539 = vector.multi_reduction <minimumf>, %add3A_537, %reduce_min3A_538 [0] : vector<256x1024xf32> to vector<1024xf32>
    %min3A_540 = arith.minimumf %broadcast_in_dim3A_490, %reduce_min3A_539 : vector<1024xf32>
    %slice3A_541 = vector.extract_strided_slice %dot_general3A_513 {offsets = [0, 0], sizes = [256, 1024], strides = [1, 1]} : vector<256x3072xf32> to vector<256x1024xf32>
    %slice3A_542 = vector.extract_strided_slice %dot_general3A_525 {offsets = [0, 1024], sizes = [256, 1024], strides = [1, 1]} : vector<256x3072xf32> to vector<256x1024xf32>
    %add3A_543 = arith.addf %slice3A_541, %slice3A_542 : vector<256x1024xf32>
    %reduce_min3A_544 = arith.constant dense<0x7F800000> : vector<1024xf32>
    %reduce_min3A_545 = vector.multi_reduction <minimumf>, %add3A_543, %reduce_min3A_544 [0] : vector<256x1024xf32> to vector<1024xf32>
    %min3A_546 = arith.minimumf %broadcast_in_dim3A_492, %reduce_min3A_545 : vector<1024xf32>
    %slice3A_547 = vector.extract_strided_slice %dot_general3A_513 {offsets = [0, 1024], sizes = [256, 1024], strides = [1, 1]} : vector<256x3072xf32> to vector<256x1024xf32>
    %slice3A_548 = vector.extract_strided_slice %dot_general3A_525 {offsets = [0, 1024], sizes = [256, 1024], strides = [1, 1]} : vector<256x3072xf32> to vector<256x1024xf32>
    %add3A_549 = arith.addf %slice3A_547, %slice3A_548 : vector<256x1024xf32>
    %reduce_min3A_550 = arith.constant dense<0x7F800000> : vector<1024xf32>
    %reduce_min3A_551 = vector.multi_reduction <minimumf>, %add3A_549, %reduce_min3A_550 [0] : vector<256x1024xf32> to vector<1024xf32>
    %min3A_552 = arith.minimumf %broadcast_in_dim3A_494, %reduce_min3A_551 : vector<1024xf32>
    %slice3A_553 = vector.extract_strided_slice %dot_general3A_513 {offsets = [0, 2048], sizes = [256, 1024], strides = [1, 1]} : vector<256x3072xf32> to vector<256x1024xf32>
    %slice3A_554 = vector.extract_strided_slice %dot_general3A_525 {offsets = [0, 1024], sizes = [256, 1024], strides = [1, 1]} : vector<256x3072xf32> to vector<256x1024xf32>
    %add3A_555 = arith.addf %slice3A_553, %slice3A_554 : vector<256x1024xf32>
    %reduce_min3A_556 = arith.constant dense<0x7F800000> : vector<1024xf32>
    %reduce_min3A_557 = vector.multi_reduction <minimumf>, %add3A_555, %reduce_min3A_556 [0] : vector<256x1024xf32> to vector<1024xf32>
    %min3A_558 = arith.minimumf %broadcast_in_dim3A_496, %reduce_min3A_557 : vector<1024xf32>
    %slice3A_559 = vector.extract_strided_slice %dot_general3A_513 {offsets = [0, 0], sizes = [256, 1024], strides = [1, 1]} : vector<256x3072xf32> to vector<256x1024xf32>
    %slice3A_560 = vector.extract_strided_slice %dot_general3A_525 {offsets = [0, 2048], sizes = [256, 1024], strides = [1, 1]} : vector<256x3072xf32> to vector<256x1024xf32>
    %add3A_561 = arith.addf %slice3A_559, %slice3A_560 : vector<256x1024xf32>
    %reduce_min3A_562 = arith.constant dense<0x7F800000> : vector<1024xf32>
    %reduce_min3A_563 = vector.multi_reduction <minimumf>, %add3A_561, %reduce_min3A_562 [0] : vector<256x1024xf32> to vector<1024xf32>
    %min3A_564 = arith.minimumf %broadcast_in_dim3A_498, %reduce_min3A_563 : vector<1024xf32>
    %slice3A_565 = vector.extract_strided_slice %dot_general3A_513 {offsets = [0, 1024], sizes = [256, 1024], strides = [1, 1]} : vector<256x3072xf32> to vector<256x1024xf32>
    %slice3A_566 = vector.extract_strided_slice %dot_general3A_525 {offsets = [0, 2048], sizes = [256, 1024], strides = [1, 1]} : vector<256x3072xf32> to vector<256x1024xf32>
    %add3A_567 = arith.addf %slice3A_565, %slice3A_566 : vector<256x1024xf32>
    %reduce_min3A_568 = arith.constant dense<0x7F800000> : vector<1024xf32>
    %reduce_min3A_569 = vector.multi_reduction <minimumf>, %add3A_567, %reduce_min3A_568 [0] : vector<256x1024xf32> to vector<1024xf32>
    %min3A_570 = arith.minimumf %broadcast_in_dim3A_500, %reduce_min3A_569 : vector<1024xf32>
    %slice3A_571 = vector.extract_strided_slice %dot_general3A_513 {offsets = [0, 2048], sizes = [256, 1024], strides = [1, 1]} : vector<256x3072xf32> to vector<256x1024xf32>
    %slice3A_572 = vector.extract_strided_slice %dot_general3A_525 {offsets = [0, 2048], sizes = [256, 1024], strides = [1, 1]} : vector<256x3072xf32> to vector<256x1024xf32>
    %add3A_573 = arith.addf %slice3A_571, %slice3A_572 : vector<256x1024xf32>
    %reduce_min3A_574 = arith.constant dense<0x7F800000> : vector<1024xf32>
    %reduce_min3A_575 = vector.multi_reduction <minimumf>, %add3A_573, %reduce_min3A_574 [0] : vector<256x1024xf32> to vector<1024xf32>
    %min3A_576 = arith.minimumf %broadcast_in_dim3A_502, %reduce_min3A_575 : vector<1024xf32>
    %get3A_577 = arith.constant 0 : index
    %get3A_578 = arith.constant 0 : index
    %get3A_579 = arith.constant 256 : index
    %get3A_580 = vector.load %arg7[%get3A_577, %get3A_578, %get3A_579] : memref<2x8x2048xf32, #tpu.memory_space<vmem>>, vector<1x8x256xf32>
    %get3A_581 = vector.shape_cast %get3A_580 : vector<1x8x256xf32> to vector<8x256xf32>
    %get3A_582 = arith.constant 0 : index
    %get3A_583 = arith.constant 0 : index
    %get3A_584 = arith.constant 0 : index
    %get3A_585 = vector.load %arg8[%get3A_582, %get3A_583, %get3A_584] : memref<2x8x3072xf32, #tpu.memory_space<vmem>>, vector<1x8x3072xf32>
    %get3A_586 = vector.shape_cast %get3A_585 : vector<1x8x3072xf32> to vector<8x3072xf32>
    %dot_general3A_587 = arith.constant dense<0.000000e+00> : vector<256x3072xf32>
    %dot_general3A_588 = tpu.matmul %get3A_581, %get3A_586, %dot_general3A_587 {dimension_numbers = #tpu.dot_dimension_numbers<[0], [0], [1], [1], [0, 1, 1, 1], [], []>, transpose_lhs_hint = false} : vector<8x256xf32>, vector<8x3072xf32>, vector<256x3072xf32> -> vector<256x3072xf32>
    %get3A_589 = arith.constant 1 : index
    %get3A_590 = arith.constant 0 : index
    %get3A_591 = arith.constant 256 : index
    %get3A_592 = vector.load %arg7[%get3A_589, %get3A_590, %get3A_591] : memref<2x8x2048xf32, #tpu.memory_space<vmem>>, vector<1x8x256xf32>
    %get3A_593 = vector.shape_cast %get3A_592 : vector<1x8x256xf32> to vector<8x256xf32>
    %get3A_594 = arith.constant 1 : index
    %get3A_595 = arith.constant 0 : index
    %get3A_596 = arith.constant 0 : index
    %get3A_597 = vector.load %arg8[%get3A_594, %get3A_595, %get3A_596] : memref<2x8x3072xf32, #tpu.memory_space<vmem>>, vector<1x8x3072xf32>
    %get3A_598 = vector.shape_cast %get3A_597 : vector<1x8x3072xf32> to vector<8x3072xf32>
    %dot_general3A_599 = arith.constant dense<0.000000e+00> : vector<256x3072xf32>
    %dot_general3A_600 = tpu.matmul %get3A_593, %get3A_598, %dot_general3A_599 {dimension_numbers = #tpu.dot_dimension_numbers<[0], [0], [1], [1], [0, 1, 1, 1], [], []>, transpose_lhs_hint = false} : vector<8x256xf32>, vector<8x3072xf32>, vector<256x3072xf32> -> vector<256x3072xf32>
    %slice3A_601 = vector.extract_strided_slice %dot_general3A_588 {offsets = [0, 0], sizes = [256, 1024], strides = [1, 1]} : vector<256x3072xf32> to vector<256x1024xf32>
    %slice3A_602 = vector.extract_strided_slice %dot_general3A_600 {offsets = [0, 0], sizes = [256, 1024], strides = [1, 1]} : vector<256x3072xf32> to vector<256x1024xf32>
    %add3A_603 = arith.addf %slice3A_601, %slice3A_602 : vector<256x1024xf32>
    %reduce_min3A_604 = arith.constant dense<0x7F800000> : vector<1024xf32>
    %reduce_min3A_605 = vector.multi_reduction <minimumf>, %add3A_603, %reduce_min3A_604 [0] : vector<256x1024xf32> to vector<1024xf32>
    %min3A_606 = arith.minimumf %min3A, %reduce_min3A_605 : vector<1024xf32>
    %slice3A_607 = vector.extract_strided_slice %dot_general3A_588 {offsets = [0, 1024], sizes = [256, 1024], strides = [1, 1]} : vector<256x3072xf32> to vector<256x1024xf32>
    %slice3A_608 = vector.extract_strided_slice %dot_general3A_600 {offsets = [0, 0], sizes = [256, 1024], strides = [1, 1]} : vector<256x3072xf32> to vector<256x1024xf32>
    %add3A_609 = arith.addf %slice3A_607, %slice3A_608 : vector<256x1024xf32>
    %reduce_min3A_610 = arith.constant dense<0x7F800000> : vector<1024xf32>
    %reduce_min3A_611 = vector.multi_reduction <minimumf>, %add3A_609, %reduce_min3A_610 [0] : vector<256x1024xf32> to vector<1024xf32>
    %min3A_612 = arith.minimumf %min3A_534, %reduce_min3A_611 : vector<1024xf32>
    %slice3A_613 = vector.extract_strided_slice %dot_general3A_588 {offsets = [0, 2048], sizes = [256, 1024], strides = [1, 1]} : vector<256x3072xf32> to vector<256x1024xf32>
    %slice3A_614 = vector.extract_strided_slice %dot_general3A_600 {offsets = [0, 0], sizes = [256, 1024], strides = [1, 1]} : vector<256x3072xf32> to vector<256x1024xf32>
    %add3A_615 = arith.addf %slice3A_613, %slice3A_614 : vector<256x1024xf32>
    %reduce_min3A_616 = arith.constant dense<0x7F800000> : vector<1024xf32>
    %reduce_min3A_617 = vector.multi_reduction <minimumf>, %add3A_615, %reduce_min3A_616 [0] : vector<256x1024xf32> to vector<1024xf32>
    %min3A_618 = arith.minimumf %min3A_540, %reduce_min3A_617 : vector<1024xf32>
    %slice3A_619 = vector.extract_strided_slice %dot_general3A_588 {offsets = [0, 0], sizes = [256, 1024], strides = [1, 1]} : vector<256x3072xf32> to vector<256x1024xf32>
    %slice3A_620 = vector.extract_strided_slice %dot_general3A_600 {offsets = [0, 1024], sizes = [256, 1024], strides = [1, 1]} : vector<256x3072xf32> to vector<256x1024xf32>
    %add3A_621 = arith.addf %slice3A_619, %slice3A_620 : vector<256x1024xf32>
    %reduce_min3A_622 = arith.constant dense<0x7F800000> : vector<1024xf32>
    %reduce_min3A_623 = vector.multi_reduction <minimumf>, %add3A_621, %reduce_min3A_622 [0] : vector<256x1024xf32> to vector<1024xf32>
    %min3A_624 = arith.minimumf %min3A_546, %reduce_min3A_623 : vector<1024xf32>
    %slice3A_625 = vector.extract_strided_slice %dot_general3A_588 {offsets = [0, 1024], sizes = [256, 1024], strides = [1, 1]} : vector<256x3072xf32> to vector<256x1024xf32>
    %slice3A_626 = vector.extract_strided_slice %dot_general3A_600 {offsets = [0, 1024], sizes = [256, 1024], strides = [1, 1]} : vector<256x3072xf32> to vector<256x1024xf32>
    %add3A_627 = arith.addf %slice3A_625, %slice3A_626 : vector<256x1024xf32>
    %reduce_min3A_628 = arith.constant dense<0x7F800000> : vector<1024xf32>
    %reduce_min3A_629 = vector.multi_reduction <minimumf>, %add3A_627, %reduce_min3A_628 [0] : vector<256x1024xf32> to vector<1024xf32>
    %min3A_630 = arith.minimumf %min3A_552, %reduce_min3A_629 : vector<1024xf32>
    %slice3A_631 = vector.extract_strided_slice %dot_general3A_588 {offsets = [0, 2048], sizes = [256, 1024], strides = [1, 1]} : vector<256x3072xf32> to vector<256x1024xf32>
    %slice3A_632 = vector.extract_strided_slice %dot_general3A_600 {offsets = [0, 1024], sizes = [256, 1024], strides = [1, 1]} : vector<256x3072xf32> to vector<256x1024xf32>
    %add3A_633 = arith.addf %slice3A_631, %slice3A_632 : vector<256x1024xf32>
    %reduce_min3A_634 = arith.constant dense<0x7F800000> : vector<1024xf32>
    %reduce_min3A_635 = vector.multi_reduction <minimumf>, %add3A_633, %reduce_min3A_634 [0] : vector<256x1024xf32> to vector<1024xf32>
    %min3A_636 = arith.minimumf %min3A_558, %reduce_min3A_635 : vector<1024xf32>
    %slice3A_637 = vector.extract_strided_slice %dot_general3A_588 {offsets = [0, 0], sizes = [256, 1024], strides = [1, 1]} : vector<256x3072xf32> to vector<256x1024xf32>
    %slice3A_638 = vector.extract_strided_slice %dot_general3A_600 {offsets = [0, 2048], sizes = [256, 1024], strides = [1, 1]} : vector<256x3072xf32> to vector<256x1024xf32>
    %add3A_639 = arith.addf %slice3A_637, %slice3A_638 : vector<256x1024xf32>
    %reduce_min3A_640 = arith.constant dense<0x7F800000> : vector<1024xf32>
    %reduce_min3A_641 = vector.multi_reduction <minimumf>, %add3A_639, %reduce_min3A_640 [0] : vector<256x1024xf32> to vector<1024xf32>
    %min3A_642 = arith.minimumf %min3A_564, %reduce_min3A_641 : vector<1024xf32>
    %slice3A_643 = vector.extract_strided_slice %dot_general3A_588 {offsets = [0, 1024], sizes = [256, 1024], strides = [1, 1]} : vector<256x3072xf32> to vector<256x1024xf32>
    %slice3A_644 = vector.extract_strided_slice %dot_general3A_600 {offsets = [0, 2048], sizes = [256, 1024], strides = [1, 1]} : vector<256x3072xf32> to vector<256x1024xf32>
    %add3A_645 = arith.addf %slice3A_643, %slice3A_644 : vector<256x1024xf32>
    %reduce_min3A_646 = arith.constant dense<0x7F800000> : vector<1024xf32>
    %reduce_min3A_647 = vector.multi_reduction <minimumf>, %add3A_645, %reduce_min3A_646 [0] : vector<256x1024xf32> to vector<1024xf32>
    %min3A_648 = arith.minimumf %min3A_570, %reduce_min3A_647 : vector<1024xf32>
    %slice3A_649 = vector.extract_strided_slice %dot_general3A_588 {offsets = [0, 2048], sizes = [256, 1024], strides = [1, 1]} : vector<256x3072xf32> to vector<256x1024xf32>
    %slice3A_650 = vector.extract_strided_slice %dot_general3A_600 {offsets = [0, 2048], sizes = [256, 1024], strides = [1, 1]} : vector<256x3072xf32> to vector<256x1024xf32>
    %add3A_651 = arith.addf %slice3A_649, %slice3A_650 : vector<256x1024xf32>
    %reduce_min3A_652 = arith.constant dense<0x7F800000> : vector<1024xf32>
    %reduce_min3A_653 = vector.multi_reduction <minimumf>, %add3A_651, %reduce_min3A_652 [0] : vector<256x1024xf32> to vector<1024xf32>
    %min3A_654 = arith.minimumf %min3A_576, %reduce_min3A_653 : vector<1024xf32>
    %get3A_655 = arith.constant 0 : index
    %get3A_656 = arith.constant 0 : index
    %get3A_657 = arith.constant 512 : index
    %get3A_658 = vector.load %arg7[%get3A_655, %get3A_656, %get3A_657] : memref<2x8x2048xf32, #tpu.memory_space<vmem>>, vector<1x8x256xf32>
    %get3A_659 = vector.shape_cast %get3A_658 : vector<1x8x256xf32> to vector<8x256xf32>
    %get3A_660 = arith.constant 0 : index
    %get3A_661 = arith.constant 0 : index
    %get3A_662 = arith.constant 0 : index
    %get3A_663 = vector.load %arg8[%get3A_660, %get3A_661, %get3A_662] : memref<2x8x3072xf32, #tpu.memory_space<vmem>>, vector<1x8x3072xf32>
    %get3A_664 = vector.shape_cast %get3A_663 : vector<1x8x3072xf32> to vector<8x3072xf32>
    %dot_general3A_665 = arith.constant dense<0.000000e+00> : vector<256x3072xf32>
    %dot_general3A_666 = tpu.matmul %get3A_659, %get3A_664, %dot_general3A_665 {dimension_numbers = #tpu.dot_dimension_numbers<[0], [0], [1], [1], [0, 1, 1, 1], [], []>, transpose_lhs_hint = false} : vector<8x256xf32>, vector<8x3072xf32>, vector<256x3072xf32> -> vector<256x3072xf32>
    %get3A_667 = arith.constant 1 : index
    %get3A_668 = arith.constant 0 : index
    %get3A_669 = arith.constant 512 : index
    %get3A_670 = vector.load %arg7[%get3A_667, %get3A_668, %get3A_669] : memref<2x8x2048xf32, #tpu.memory_space<vmem>>, vector<1x8x256xf32>
    %get3A_671 = vector.shape_cast %get3A_670 : vector<1x8x256xf32> to vector<8x256xf32>
    %get3A_672 = arith.constant 1 : index
    %get3A_673 = arith.constant 0 : index
    %get3A_674 = arith.constant 0 : index
    %get3A_675 = vector.load %arg8[%get3A_672, %get3A_673, %get3A_674] : memref<2x8x3072xf32, #tpu.memory_space<vmem>>, vector<1x8x3072xf32>
    %get3A_676 = vector.shape_cast %get3A_675 : vector<1x8x3072xf32> to vector<8x3072xf32>
    %dot_general3A_677 = arith.constant dense<0.000000e+00> : vector<256x3072xf32>
    %dot_general3A_678 = tpu.matmul %get3A_671, %get3A_676, %dot_general3A_677 {dimension_numbers = #tpu.dot_dimension_numbers<[0], [0], [1], [1], [0, 1, 1, 1], [], []>, transpose_lhs_hint = false} : vector<8x256xf32>, vector<8x3072xf32>, vector<256x3072xf32> -> vector<256x3072xf32>
    %slice3A_679 = vector.extract_strided_slice %dot_general3A_666 {offsets = [0, 0], sizes = [256, 1024], strides = [1, 1]} : vector<256x3072xf32> to vector<256x1024xf32>
    %slice3A_680 = vector.extract_strided_slice %dot_general3A_678 {offsets = [0, 0], sizes = [256, 1024], strides = [1, 1]} : vector<256x3072xf32> to vector<256x1024xf32>
    %add3A_681 = arith.addf %slice3A_679, %slice3A_680 : vector<256x1024xf32>
    %reduce_min3A_682 = arith.constant dense<0x7F800000> : vector<1024xf32>
    %reduce_min3A_683 = vector.multi_reduction <minimumf>, %add3A_681, %reduce_min3A_682 [0] : vector<256x1024xf32> to vector<1024xf32>
    %min3A_684 = arith.minimumf %min3A_606, %reduce_min3A_683 : vector<1024xf32>
    %slice3A_685 = vector.extract_strided_slice %dot_general3A_666 {offsets = [0, 1024], sizes = [256, 1024], strides = [1, 1]} : vector<256x3072xf32> to vector<256x1024xf32>
    %slice3A_686 = vector.extract_strided_slice %dot_general3A_678 {offsets = [0, 0], sizes = [256, 1024], strides = [1, 1]} : vector<256x3072xf32> to vector<256x1024xf32>
    %add3A_687 = arith.addf %slice3A_685, %slice3A_686 : vector<256x1024xf32>
    %reduce_min3A_688 = arith.constant dense<0x7F800000> : vector<1024xf32>
    %reduce_min3A_689 = vector.multi_reduction <minimumf>, %add3A_687, %reduce_min3A_688 [0] : vector<256x1024xf32> to vector<1024xf32>
    %min3A_690 = arith.minimumf %min3A_612, %reduce_min3A_689 : vector<1024xf32>
    %slice3A_691 = vector.extract_strided_slice %dot_general3A_666 {offsets = [0, 2048], sizes = [256, 1024], strides = [1, 1]} : vector<256x3072xf32> to vector<256x1024xf32>
    %slice3A_692 = vector.extract_strided_slice %dot_general3A_678 {offsets = [0, 0], sizes = [256, 1024], strides = [1, 1]} : vector<256x3072xf32> to vector<256x1024xf32>
    %add3A_693 = arith.addf %slice3A_691, %slice3A_692 : vector<256x1024xf32>
    %reduce_min3A_694 = arith.constant dense<0x7F800000> : vector<1024xf32>
    %reduce_min3A_695 = vector.multi_reduction <minimumf>, %add3A_693, %reduce_min3A_694 [0] : vector<256x1024xf32> to vector<1024xf32>
    %min3A_696 = arith.minimumf %min3A_618, %reduce_min3A_695 : vector<1024xf32>
    %slice3A_697 = vector.extract_strided_slice %dot_general3A_666 {offsets = [0, 0], sizes = [256, 1024], strides = [1, 1]} : vector<256x3072xf32> to vector<256x1024xf32>
    %slice3A_698 = vector.extract_strided_slice %dot_general3A_678 {offsets = [0, 1024], sizes = [256, 1024], strides = [1, 1]} : vector<256x3072xf32> to vector<256x1024xf32>
    %add3A_699 = arith.addf %slice3A_697, %slice3A_698 : vector<256x1024xf32>
    %reduce_min3A_700 = arith.constant dense<0x7F800000> : vector<1024xf32>
    %reduce_min3A_701 = vector.multi_reduction <minimumf>, %add3A_699, %reduce_min3A_700 [0] : vector<256x1024xf32> to vector<1024xf32>
    %min3A_702 = arith.minimumf %min3A_624, %reduce_min3A_701 : vector<1024xf32>
    %slice3A_703 = vector.extract_strided_slice %dot_general3A_666 {offsets = [0, 1024], sizes = [256, 1024], strides = [1, 1]} : vector<256x3072xf32> to vector<256x1024xf32>
    %slice3A_704 = vector.extract_strided_slice %dot_general3A_678 {offsets = [0, 1024], sizes = [256, 1024], strides = [1, 1]} : vector<256x3072xf32> to vector<256x1024xf32>
    %add3A_705 = arith.addf %slice3A_703, %slice3A_704 : vector<256x1024xf32>
    %reduce_min3A_706 = arith.constant dense<0x7F800000> : vector<1024xf32>
    %reduce_min3A_707 = vector.multi_reduction <minimumf>, %add3A_705, %reduce_min3A_706 [0] : vector<256x1024xf32> to vector<1024xf32>
    %min3A_708 = arith.minimumf %min3A_630, %reduce_min3A_707 : vector<1024xf32>
    %slice3A_709 = vector.extract_strided_slice %dot_general3A_666 {offsets = [0, 2048], sizes = [256, 1024], strides = [1, 1]} : vector<256x3072xf32> to vector<256x1024xf32>
    %slice3A_710 = vector.extract_strided_slice %dot_general3A_678 {offsets = [0, 1024], sizes = [256, 1024], strides = [1, 1]} : vector<256x3072xf32> to vector<256x1024xf32>
    %add3A_711 = arith.addf %slice3A_709, %slice3A_710 : vector<256x1024xf32>
    %reduce_min3A_712 = arith.constant dense<0x7F800000> : vector<1024xf32>
    %reduce_min3A_713 = vector.multi_reduction <minimumf>, %add3A_711, %reduce_min3A_712 [0] : vector<256x1024xf32> to vector<1024xf32>
    %min3A_714 = arith.minimumf %min3A_636, %reduce_min3A_713 : vector<1024xf32>
    %slice3A_715 = vector.extract_strided_slice %dot_general3A_666 {offsets = [0, 0], sizes = [256, 1024], strides = [1, 1]} : vector<256x3072xf32> to vector<256x1024xf32>
    %slice3A_716 = vector.extract_strided_slice %dot_general3A_678 {offsets = [0, 2048], sizes = [256, 1024], strides = [1, 1]} : vector<256x3072xf32> to vector<256x1024xf32>
    %add3A_717 = arith.addf %slice3A_715, %slice3A_716 : vector<256x1024xf32>
    %reduce_min3A_718 = arith.constant dense<0x7F800000> : vector<1024xf32>
    %reduce_min3A_719 = vector.multi_reduction <minimumf>, %add3A_717, %reduce_min3A_718 [0] : vector<256x1024xf32> to vector<1024xf32>
    %min3A_720 = arith.minimumf %min3A_642, %reduce_min3A_719 : vector<1024xf32>
    %slice3A_721 = vector.extract_strided_slice %dot_general3A_666 {offsets = [0, 1024], sizes = [256, 1024], strides = [1, 1]} : vector<256x3072xf32> to vector<256x1024xf32>
    %slice3A_722 = vector.extract_strided_slice %dot_general3A_678 {offsets = [0, 2048], sizes = [256, 1024], strides = [1, 1]} : vector<256x3072xf32> to vector<256x1024xf32>
    %add3A_723 = arith.addf %slice3A_721, %slice3A_722 : vector<256x1024xf32>
    %reduce_min3A_724 = arith.constant dense<0x7F800000> : vector<1024xf32>
    %reduce_min3A_725 = vector.multi_reduction <minimumf>, %add3A_723, %reduce_min3A_724 [0] : vector<256x1024xf32> to vector<1024xf32>
    %min3A_726 = arith.minimumf %min3A_648, %reduce_min3A_725 : vector<1024xf32>
    %slice3A_727 = vector.extract_strided_slice %dot_general3A_666 {offsets = [0, 2048], sizes = [256, 1024], strides = [1, 1]} : vector<256x3072xf32> to vector<256x1024xf32>
    %slice3A_728 = vector.extract_strided_slice %dot_general3A_678 {offsets = [0, 2048], sizes = [256, 1024], strides = [1, 1]} : vector<256x3072xf32> to vector<256x1024xf32>
    %add3A_729 = arith.addf %slice3A_727, %slice3A_728 : vector<256x1024xf32>
    %reduce_min3A_730 = arith.constant dense<0x7F800000> : vector<1024xf32>
    %reduce_min3A_731 = vector.multi_reduction <minimumf>, %add3A_729, %reduce_min3A_730 [0] : vector<256x1024xf32> to vector<1024xf32>
    %min3A_732 = arith.minimumf %min3A_654, %reduce_min3A_731 : vector<1024xf32>
    %get3A_733 = arith.constant 0 : index
    %get3A_734 = arith.constant 0 : index
    %get3A_735 = arith.constant 768 : index
    %get3A_736 = vector.load %arg7[%get3A_733, %get3A_734, %get3A_735] : memref<2x8x2048xf32, #tpu.memory_space<vmem>>, vector<1x8x256xf32>
    %get3A_737 = vector.shape_cast %get3A_736 : vector<1x8x256xf32> to vector<8x256xf32>
    %get3A_738 = arith.constant 0 : index
    %get3A_739 = arith.constant 0 : index
    %get3A_740 = arith.constant 0 : index
    %get3A_741 = vector.load %arg8[%get3A_738, %get3A_739, %get3A_740] : memref<2x8x3072xf32, #tpu.memory_space<vmem>>, vector<1x8x3072xf32>
    %get3A_742 = vector.shape_cast %get3A_741 : vector<1x8x3072xf32> to vector<8x3072xf32>
    %dot_general3A_743 = arith.constant dense<0.000000e+00> : vector<256x3072xf32>
    %dot_general3A_744 = tpu.matmul %get3A_737, %get3A_742, %dot_general3A_743 {dimension_numbers = #tpu.dot_dimension_numbers<[0], [0], [1], [1], [0, 1, 1, 1], [], []>, transpose_lhs_hint = false} : vector<8x256xf32>, vector<8x3072xf32>, vector<256x3072xf32> -> vector<256x3072xf32>
    %get3A_745 = arith.constant 1 : index
    %get3A_746 = arith.constant 0 : index
    %get3A_747 = arith.constant 768 : index
    %get3A_748 = vector.load %arg7[%get3A_745, %get3A_746, %get3A_747] : memref<2x8x2048xf32, #tpu.memory_space<vmem>>, vector<1x8x256xf32>
    %get3A_749 = vector.shape_cast %get3A_748 : vector<1x8x256xf32> to vector<8x256xf32>
    %get3A_750 = arith.constant 1 : index
    %get3A_751 = arith.constant 0 : index
    %get3A_752 = arith.constant 0 : index
    %get3A_753 = vector.load %arg8[%get3A_750, %get3A_751, %get3A_752] : memref<2x8x3072xf32, #tpu.memory_space<vmem>>, vector<1x8x3072xf32>
    %get3A_754 = vector.shape_cast %get3A_753 : vector<1x8x3072xf32> to vector<8x3072xf32>
    %dot_general3A_755 = arith.constant dense<0.000000e+00> : vector<256x3072xf32>
    %dot_general3A_756 = tpu.matmul %get3A_749, %get3A_754, %dot_general3A_755 {dimension_numbers = #tpu.dot_dimension_numbers<[0], [0], [1], [1], [0, 1, 1, 1], [], []>, transpose_lhs_hint = false} : vector<8x256xf32>, vector<8x3072xf32>, vector<256x3072xf32> -> vector<256x3072xf32>
    %slice3A_757 = vector.extract_strided_slice %dot_general3A_744 {offsets = [0, 0], sizes = [256, 1024], strides = [1, 1]} : vector<256x3072xf32> to vector<256x1024xf32>
    %slice3A_758 = vector.extract_strided_slice %dot_general3A_756 {offsets = [0, 0], sizes = [256, 1024], strides = [1, 1]} : vector<256x3072xf32> to vector<256x1024xf32>
    %add3A_759 = arith.addf %slice3A_757, %slice3A_758 : vector<256x1024xf32>
    %reduce_min3A_760 = arith.constant dense<0x7F800000> : vector<1024xf32>
    %reduce_min3A_761 = vector.multi_reduction <minimumf>, %add3A_759, %reduce_min3A_760 [0] : vector<256x1024xf32> to vector<1024xf32>
    %min3A_762 = arith.minimumf %min3A_684, %reduce_min3A_761 : vector<1024xf32>
    %slice3A_763 = vector.extract_strided_slice %dot_general3A_744 {offsets = [0, 1024], sizes = [256, 1024], strides = [1, 1]} : vector<256x3072xf32> to vector<256x1024xf32>
    %slice3A_764 = vector.extract_strided_slice %dot_general3A_756 {offsets = [0, 0], sizes = [256, 1024], strides = [1, 1]} : vector<256x3072xf32> to vector<256x1024xf32>
    %add3A_765 = arith.addf %slice3A_763, %slice3A_764 : vector<256x1024xf32>
    %reduce_min3A_766 = arith.constant dense<0x7F800000> : vector<1024xf32>
    %reduce_min3A_767 = vector.multi_reduction <minimumf>, %add3A_765, %reduce_min3A_766 [0] : vector<256x1024xf32> to vector<1024xf32>
    %min3A_768 = arith.minimumf %min3A_690, %reduce_min3A_767 : vector<1024xf32>
    %slice3A_769 = vector.extract_strided_slice %dot_general3A_744 {offsets = [0, 2048], sizes = [256, 1024], strides = [1, 1]} : vector<256x3072xf32> to vector<256x1024xf32>
    %slice3A_770 = vector.extract_strided_slice %dot_general3A_756 {offsets = [0, 0], sizes = [256, 1024], strides = [1, 1]} : vector<256x3072xf32> to vector<256x1024xf32>
    %add3A_771 = arith.addf %slice3A_769, %slice3A_770 : vector<256x1024xf32>
    %reduce_min3A_772 = arith.constant dense<0x7F800000> : vector<1024xf32>
    %reduce_min3A_773 = vector.multi_reduction <minimumf>, %add3A_771, %reduce_min3A_772 [0] : vector<256x1024xf32> to vector<1024xf32>
    %min3A_774 = arith.minimumf %min3A_696, %reduce_min3A_773 : vector<1024xf32>
    %slice3A_775 = vector.extract_strided_slice %dot_general3A_744 {offsets = [0, 0], sizes = [256, 1024], strides = [1, 1]} : vector<256x3072xf32> to vector<256x1024xf32>
    %slice3A_776 = vector.extract_strided_slice %dot_general3A_756 {offsets = [0, 1024], sizes = [256, 1024], strides = [1, 1]} : vector<256x3072xf32> to vector<256x1024xf32>
    %add3A_777 = arith.addf %slice3A_775, %slice3A_776 : vector<256x1024xf32>
    %reduce_min3A_778 = arith.constant dense<0x7F800000> : vector<1024xf32>
    %reduce_min3A_779 = vector.multi_reduction <minimumf>, %add3A_777, %reduce_min3A_778 [0] : vector<256x1024xf32> to vector<1024xf32>
    %min3A_780 = arith.minimumf %min3A_702, %reduce_min3A_779 : vector<1024xf32>
    %slice3A_781 = vector.extract_strided_slice %dot_general3A_744 {offsets = [0, 1024], sizes = [256, 1024], strides = [1, 1]} : vector<256x3072xf32> to vector<256x1024xf32>
    %slice3A_782 = vector.extract_strided_slice %dot_general3A_756 {offsets = [0, 1024], sizes = [256, 1024], strides = [1, 1]} : vector<256x3072xf32> to vector<256x1024xf32>
    %add3A_783 = arith.addf %slice3A_781, %slice3A_782 : vector<256x1024xf32>
    %reduce_min3A_784 = arith.constant dense<0x7F800000> : vector<1024xf32>
    %reduce_min3A_785 = vector.multi_reduction <minimumf>, %add3A_783, %reduce_min3A_784 [0] : vector<256x1024xf32> to vector<1024xf32>
    %min3A_786 = arith.minimumf %min3A_708, %reduce_min3A_785 : vector<1024xf32>
    %slice3A_787 = vector.extract_strided_slice %dot_general3A_744 {offsets = [0, 2048], sizes = [256, 1024], strides = [1, 1]} : vector<256x3072xf32> to vector<256x1024xf32>
    %slice3A_788 = vector.extract_strided_slice %dot_general3A_756 {offsets = [0, 1024], sizes = [256, 1024], strides = [1, 1]} : vector<256x3072xf32> to vector<256x1024xf32>
    %add3A_789 = arith.addf %slice3A_787, %slice3A_788 : vector<256x1024xf32>
    %reduce_min3A_790 = arith.constant dense<0x7F800000> : vector<1024xf32>
    %reduce_min3A_791 = vector.multi_reduction <minimumf>, %add3A_789, %reduce_min3A_790 [0] : vector<256x1024xf32> to vector<1024xf32>
    %min3A_792 = arith.minimumf %min3A_714, %reduce_min3A_791 : vector<1024xf32>
    %slice3A_793 = vector.extract_strided_slice %dot_general3A_744 {offsets = [0, 0], sizes = [256, 1024], strides = [1, 1]} : vector<256x3072xf32> to vector<256x1024xf32>
    %slice3A_794 = vector.extract_strided_slice %dot_general3A_756 {offsets = [0, 2048], sizes = [256, 1024], strides = [1, 1]} : vector<256x3072xf32> to vector<256x1024xf32>
    %add3A_795 = arith.addf %slice3A_793, %slice3A_794 : vector<256x1024xf32>
    %reduce_min3A_796 = arith.constant dense<0x7F800000> : vector<1024xf32>
    %reduce_min3A_797 = vector.multi_reduction <minimumf>, %add3A_795, %reduce_min3A_796 [0] : vector<256x1024xf32> to vector<1024xf32>
    %min3A_798 = arith.minimumf %min3A_720, %reduce_min3A_797 : vector<1024xf32>
    %slice3A_799 = vector.extract_strided_slice %dot_general3A_744 {offsets = [0, 1024], sizes = [256, 1024], strides = [1, 1]} : vector<256x3072xf32> to vector<256x1024xf32>
    %slice3A_800 = vector.extract_strided_slice %dot_general3A_756 {offsets = [0, 2048], sizes = [256, 1024], strides = [1, 1]} : vector<256x3072xf32> to vector<256x1024xf32>
    %add3A_801 = arith.addf %slice3A_799, %slice3A_800 : vector<256x1024xf32>
    %reduce_min3A_802 = arith.constant dense<0x7F800000> : vector<1024xf32>
    %reduce_min3A_803 = vector.multi_reduction <minimumf>, %add3A_801, %reduce_min3A_802 [0] : vector<256x1024xf32> to vector<1024xf32>
    %min3A_804 = arith.minimumf %min3A_726, %reduce_min3A_803 : vector<1024xf32>
    %slice3A_805 = vector.extract_strided_slice %dot_general3A_744 {offsets = [0, 2048], sizes = [256, 1024], strides = [1, 1]} : vector<256x3072xf32> to vector<256x1024xf32>
    %slice3A_806 = vector.extract_strided_slice %dot_general3A_756 {offsets = [0, 2048], sizes = [256, 1024], strides = [1, 1]} : vector<256x3072xf32> to vector<256x1024xf32>
    %add3A_807 = arith.addf %slice3A_805, %slice3A_806 : vector<256x1024xf32>
    %reduce_min3A_808 = arith.constant dense<0x7F800000> : vector<1024xf32>
    %reduce_min3A_809 = vector.multi_reduction <minimumf>, %add3A_807, %reduce_min3A_808 [0] : vector<256x1024xf32> to vector<1024xf32>
    %min3A_810 = arith.minimumf %min3A_732, %reduce_min3A_809 : vector<1024xf32>
    %get3A_811 = arith.constant 0 : index
    %get3A_812 = arith.constant 0 : index
    %get3A_813 = arith.constant 1024 : index
    %get3A_814 = vector.load %arg7[%get3A_811, %get3A_812, %get3A_813] : memref<2x8x2048xf32, #tpu.memory_space<vmem>>, vector<1x8x256xf32>
    %get3A_815 = vector.shape_cast %get3A_814 : vector<1x8x256xf32> to vector<8x256xf32>
    %get3A_816 = arith.constant 0 : index
    %get3A_817 = arith.constant 0 : index
    %get3A_818 = arith.constant 0 : index
    %get3A_819 = vector.load %arg8[%get3A_816, %get3A_817, %get3A_818] : memref<2x8x3072xf32, #tpu.memory_space<vmem>>, vector<1x8x3072xf32>
    %get3A_820 = vector.shape_cast %get3A_819 : vector<1x8x3072xf32> to vector<8x3072xf32>
    %dot_general3A_821 = arith.constant dense<0.000000e+00> : vector<256x3072xf32>
    %dot_general3A_822 = tpu.matmul %get3A_815, %get3A_820, %dot_general3A_821 {dimension_numbers = #tpu.dot_dimension_numbers<[0], [0], [1], [1], [0, 1, 1, 1], [], []>, transpose_lhs_hint = false} : vector<8x256xf32>, vector<8x3072xf32>, vector<256x3072xf32> -> vector<256x3072xf32>
    %get3A_823 = arith.constant 1 : index
    %get3A_824 = arith.constant 0 : index
    %get3A_825 = arith.constant 1024 : index
    %get3A_826 = vector.load %arg7[%get3A_823, %get3A_824, %get3A_825] : memref<2x8x2048xf32, #tpu.memory_space<vmem>>, vector<1x8x256xf32>
    %get3A_827 = vector.shape_cast %get3A_826 : vector<1x8x256xf32> to vector<8x256xf32>
    %get3A_828 = arith.constant 1 : index
    %get3A_829 = arith.constant 0 : index
    %get3A_830 = arith.constant 0 : index
    %get3A_831 = vector.load %arg8[%get3A_828, %get3A_829, %get3A_830] : memref<2x8x3072xf32, #tpu.memory_space<vmem>>, vector<1x8x3072xf32>
    %get3A_832 = vector.shape_cast %get3A_831 : vector<1x8x3072xf32> to vector<8x3072xf32>
    %dot_general3A_833 = arith.constant dense<0.000000e+00> : vector<256x3072xf32>
    %dot_general3A_834 = tpu.matmul %get3A_827, %get3A_832, %dot_general3A_833 {dimension_numbers = #tpu.dot_dimension_numbers<[0], [0], [1], [1], [0, 1, 1, 1], [], []>, transpose_lhs_hint = false} : vector<8x256xf32>, vector<8x3072xf32>, vector<256x3072xf32> -> vector<256x3072xf32>
    %slice3A_835 = vector.extract_strided_slice %dot_general3A_822 {offsets = [0, 0], sizes = [256, 1024], strides = [1, 1]} : vector<256x3072xf32> to vector<256x1024xf32>
    %slice3A_836 = vector.extract_strided_slice %dot_general3A_834 {offsets = [0, 0], sizes = [256, 1024], strides = [1, 1]} : vector<256x3072xf32> to vector<256x1024xf32>
    %add3A_837 = arith.addf %slice3A_835, %slice3A_836 : vector<256x1024xf32>
    %reduce_min3A_838 = arith.constant dense<0x7F800000> : vector<1024xf32>
    %reduce_min3A_839 = vector.multi_reduction <minimumf>, %add3A_837, %reduce_min3A_838 [0] : vector<256x1024xf32> to vector<1024xf32>
    %min3A_840 = arith.minimumf %min3A_762, %reduce_min3A_839 : vector<1024xf32>
    %slice3A_841 = vector.extract_strided_slice %dot_general3A_822 {offsets = [0, 1024], sizes = [256, 1024], strides = [1, 1]} : vector<256x3072xf32> to vector<256x1024xf32>
    %slice3A_842 = vector.extract_strided_slice %dot_general3A_834 {offsets = [0, 0], sizes = [256, 1024], strides = [1, 1]} : vector<256x3072xf32> to vector<256x1024xf32>
    %add3A_843 = arith.addf %slice3A_841, %slice3A_842 : vector<256x1024xf32>
    %reduce_min3A_844 = arith.constant dense<0x7F800000> : vector<1024xf32>
    %reduce_min3A_845 = vector.multi_reduction <minimumf>, %add3A_843, %reduce_min3A_844 [0] : vector<256x1024xf32> to vector<1024xf32>
    %min3A_846 = arith.minimumf %min3A_768, %reduce_min3A_845 : vector<1024xf32>
    %slice3A_847 = vector.extract_strided_slice %dot_general3A_822 {offsets = [0, 2048], sizes = [256, 1024], strides = [1, 1]} : vector<256x3072xf32> to vector<256x1024xf32>
    %slice3A_848 = vector.extract_strided_slice %dot_general3A_834 {offsets = [0, 0], sizes = [256, 1024], strides = [1, 1]} : vector<256x3072xf32> to vector<256x1024xf32>
    %add3A_849 = arith.addf %slice3A_847, %slice3A_848 : vector<256x1024xf32>
    %reduce_min3A_850 = arith.constant dense<0x7F800000> : vector<1024xf32>
    %reduce_min3A_851 = vector.multi_reduction <minimumf>, %add3A_849, %reduce_min3A_850 [0] : vector<256x1024xf32> to vector<1024xf32>
    %min3A_852 = arith.minimumf %min3A_774, %reduce_min3A_851 : vector<1024xf32>
    %slice3A_853 = vector.extract_strided_slice %dot_general3A_822 {offsets = [0, 0], sizes = [256, 1024], strides = [1, 1]} : vector<256x3072xf32> to vector<256x1024xf32>
    %slice3A_854 = vector.extract_strided_slice %dot_general3A_834 {offsets = [0, 1024], sizes = [256, 1024], strides = [1, 1]} : vector<256x3072xf32> to vector<256x1024xf32>
    %add3A_855 = arith.addf %slice3A_853, %slice3A_854 : vector<256x1024xf32>
    %reduce_min3A_856 = arith.constant dense<0x7F800000> : vector<1024xf32>
    %reduce_min3A_857 = vector.multi_reduction <minimumf>, %add3A_855, %reduce_min3A_856 [0] : vector<256x1024xf32> to vector<1024xf32>
    %min3A_858 = arith.minimumf %min3A_780, %reduce_min3A_857 : vector<1024xf32>
    %slice3A_859 = vector.extract_strided_slice %dot_general3A_822 {offsets = [0, 1024], sizes = [256, 1024], strides = [1, 1]} : vector<256x3072xf32> to vector<256x1024xf32>
    %slice3A_860 = vector.extract_strided_slice %dot_general3A_834 {offsets = [0, 1024], sizes = [256, 1024], strides = [1, 1]} : vector<256x3072xf32> to vector<256x1024xf32>
    %add3A_861 = arith.addf %slice3A_859, %slice3A_860 : vector<256x1024xf32>
    %reduce_min3A_862 = arith.constant dense<0x7F800000> : vector<1024xf32>
    %reduce_min3A_863 = vector.multi_reduction <minimumf>, %add3A_861, %reduce_min3A_862 [0] : vector<256x1024xf32> to vector<1024xf32>
    %min3A_864 = arith.minimumf %min3A_786, %reduce_min3A_863 : vector<1024xf32>
    %slice3A_865 = vector.extract_strided_slice %dot_general3A_822 {offsets = [0, 2048], sizes = [256, 1024], strides = [1, 1]} : vector<256x3072xf32> to vector<256x1024xf32>
    %slice3A_866 = vector.extract_strided_slice %dot_general3A_834 {offsets = [0, 1024], sizes = [256, 1024], strides = [1, 1]} : vector<256x3072xf32> to vector<256x1024xf32>
    %add3A_867 = arith.addf %slice3A_865, %slice3A_866 : vector<256x1024xf32>
    %reduce_min3A_868 = arith.constant dense<0x7F800000> : vector<1024xf32>
    %reduce_min3A_869 = vector.multi_reduction <minimumf>, %add3A_867, %reduce_min3A_868 [0] : vector<256x1024xf32> to vector<1024xf32>
    %min3A_870 = arith.minimumf %min3A_792, %reduce_min3A_869 : vector<1024xf32>
    %slice3A_871 = vector.extract_strided_slice %dot_general3A_822 {offsets = [0, 0], sizes = [256, 1024], strides = [1, 1]} : vector<256x3072xf32> to vector<256x1024xf32>
    %slice3A_872 = vector.extract_strided_slice %dot_general3A_834 {offsets = [0, 2048], sizes = [256, 1024], strides = [1, 1]} : vector<256x3072xf32> to vector<256x1024xf32>
    %add3A_873 = arith.addf %slice3A_871, %slice3A_872 : vector<256x1024xf32>
    %reduce_min3A_874 = arith.constant dense<0x7F800000> : vector<1024xf32>
    %reduce_min3A_875 = vector.multi_reduction <minimumf>, %add3A_873, %reduce_min3A_874 [0] : vector<256x1024xf32> to vector<1024xf32>
    %min3A_876 = arith.minimumf %min3A_798, %reduce_min3A_875 : vector<1024xf32>
    %slice3A_877 = vector.extract_strided_slice %dot_general3A_822 {offsets = [0, 1024], sizes = [256, 1024], strides = [1, 1]} : vector<256x3072xf32> to vector<256x1024xf32>
    %slice3A_878 = vector.extract_strided_slice %dot_general3A_834 {offsets = [0, 2048], sizes = [256, 1024], strides = [1, 1]} : vector<256x3072xf32> to vector<256x1024xf32>
    %add3A_879 = arith.addf %slice3A_877, %slice3A_878 : vector<256x1024xf32>
    %reduce_min3A_880 = arith.constant dense<0x7F800000> : vector<1024xf32>
    %reduce_min3A_881 = vector.multi_reduction <minimumf>, %add3A_879, %reduce_min3A_880 [0] : vector<256x1024xf32> to vector<1024xf32>
    %min3A_882 = arith.minimumf %min3A_804, %reduce_min3A_881 : vector<1024xf32>
    %slice3A_883 = vector.extract_strided_slice %dot_general3A_822 {offsets = [0, 2048], sizes = [256, 1024], strides = [1, 1]} : vector<256x3072xf32> to vector<256x1024xf32>
    %slice3A_884 = vector.extract_strided_slice %dot_general3A_834 {offsets = [0, 2048], sizes = [256, 1024], strides = [1, 1]} : vector<256x3072xf32> to vector<256x1024xf32>
    %add3A_885 = arith.addf %slice3A_883, %slice3A_884 : vector<256x1024xf32>
    %reduce_min3A_886 = arith.constant dense<0x7F800000> : vector<1024xf32>
    %reduce_min3A_887 = vector.multi_reduction <minimumf>, %add3A_885, %reduce_min3A_886 [0] : vector<256x1024xf32> to vector<1024xf32>
    %min3A_888 = arith.minimumf %min3A_810, %reduce_min3A_887 : vector<1024xf32>
    %get3A_889 = arith.constant 0 : index
    %get3A_890 = arith.constant 0 : index
    %get3A_891 = arith.constant 1280 : index
    %get3A_892 = vector.load %arg7[%get3A_889, %get3A_890, %get3A_891] : memref<2x8x2048xf32, #tpu.memory_space<vmem>>, vector<1x8x256xf32>
    %get3A_893 = vector.shape_cast %get3A_892 : vector<1x8x256xf32> to vector<8x256xf32>
    %get3A_894 = arith.constant 0 : index
    %get3A_895 = arith.constant 0 : index
    %get3A_896 = arith.constant 0 : index
    %get3A_897 = vector.load %arg8[%get3A_894, %get3A_895, %get3A_896] : memref<2x8x3072xf32, #tpu.memory_space<vmem>>, vector<1x8x3072xf32>
    %get3A_898 = vector.shape_cast %get3A_897 : vector<1x8x3072xf32> to vector<8x3072xf32>
    %dot_general3A_899 = arith.constant dense<0.000000e+00> : vector<256x3072xf32>
    %dot_general3A_900 = tpu.matmul %get3A_893, %get3A_898, %dot_general3A_899 {dimension_numbers = #tpu.dot_dimension_numbers<[0], [0], [1], [1], [0, 1, 1, 1], [], []>, transpose_lhs_hint = false} : vector<8x256xf32>, vector<8x3072xf32>, vector<256x3072xf32> -> vector<256x3072xf32>
    %get3A_901 = arith.constant 1 : index
    %get3A_902 = arith.constant 0 : index
    %get3A_903 = arith.constant 1280 : index
    %get3A_904 = vector.load %arg7[%get3A_901, %get3A_902, %get3A_903] : memref<2x8x2048xf32, #tpu.memory_space<vmem>>, vector<1x8x256xf32>
    %get3A_905 = vector.shape_cast %get3A_904 : vector<1x8x256xf32> to vector<8x256xf32>
    %get3A_906 = arith.constant 1 : index
    %get3A_907 = arith.constant 0 : index
    %get3A_908 = arith.constant 0 : index
    %get3A_909 = vector.load %arg8[%get3A_906, %get3A_907, %get3A_908] : memref<2x8x3072xf32, #tpu.memory_space<vmem>>, vector<1x8x3072xf32>
    %get3A_910 = vector.shape_cast %get3A_909 : vector<1x8x3072xf32> to vector<8x3072xf32>
    %dot_general3A_911 = arith.constant dense<0.000000e+00> : vector<256x3072xf32>
    %dot_general3A_912 = tpu.matmul %get3A_905, %get3A_910, %dot_general3A_911 {dimension_numbers = #tpu.dot_dimension_numbers<[0], [0], [1], [1], [0, 1, 1, 1], [], []>, transpose_lhs_hint = false} : vector<8x256xf32>, vector<8x3072xf32>, vector<256x3072xf32> -> vector<256x3072xf32>
    %slice3A_913 = vector.extract_strided_slice %dot_general3A_900 {offsets = [0, 0], sizes = [256, 1024], strides = [1, 1]} : vector<256x3072xf32> to vector<256x1024xf32>
    %slice3A_914 = vector.extract_strided_slice %dot_general3A_912 {offsets = [0, 0], sizes = [256, 1024], strides = [1, 1]} : vector<256x3072xf32> to vector<256x1024xf32>
    %add3A_915 = arith.addf %slice3A_913, %slice3A_914 : vector<256x1024xf32>
    %reduce_min3A_916 = arith.constant dense<0x7F800000> : vector<1024xf32>
    %reduce_min3A_917 = vector.multi_reduction <minimumf>, %add3A_915, %reduce_min3A_916 [0] : vector<256x1024xf32> to vector<1024xf32>
    %min3A_918 = arith.minimumf %min3A_840, %reduce_min3A_917 : vector<1024xf32>
    %slice3A_919 = vector.extract_strided_slice %dot_general3A_900 {offsets = [0, 1024], sizes = [256, 1024], strides = [1, 1]} : vector<256x3072xf32> to vector<256x1024xf32>
    %slice3A_920 = vector.extract_strided_slice %dot_general3A_912 {offsets = [0, 0], sizes = [256, 1024], strides = [1, 1]} : vector<256x3072xf32> to vector<256x1024xf32>
    %add3A_921 = arith.addf %slice3A_919, %slice3A_920 : vector<256x1024xf32>
    %reduce_min3A_922 = arith.constant dense<0x7F800000> : vector<1024xf32>
    %reduce_min3A_923 = vector.multi_reduction <minimumf>, %add3A_921, %reduce_min3A_922 [0] : vector<256x1024xf32> to vector<1024xf32>
    %min3A_924 = arith.minimumf %min3A_846, %reduce_min3A_923 : vector<1024xf32>
    %slice3A_925 = vector.extract_strided_slice %dot_general3A_900 {offsets = [0, 2048], sizes = [256, 1024], strides = [1, 1]} : vector<256x3072xf32> to vector<256x1024xf32>
    %slice3A_926 = vector.extract_strided_slice %dot_general3A_912 {offsets = [0, 0], sizes = [256, 1024], strides = [1, 1]} : vector<256x3072xf32> to vector<256x1024xf32>
    %add3A_927 = arith.addf %slice3A_925, %slice3A_926 : vector<256x1024xf32>
    %reduce_min3A_928 = arith.constant dense<0x7F800000> : vector<1024xf32>
    %reduce_min3A_929 = vector.multi_reduction <minimumf>, %add3A_927, %reduce_min3A_928 [0] : vector<256x1024xf32> to vector<1024xf32>
    %min3A_930 = arith.minimumf %min3A_852, %reduce_min3A_929 : vector<1024xf32>
    %slice3A_931 = vector.extract_strided_slice %dot_general3A_900 {offsets = [0, 0], sizes = [256, 1024], strides = [1, 1]} : vector<256x3072xf32> to vector<256x1024xf32>
    %slice3A_932 = vector.extract_strided_slice %dot_general3A_912 {offsets = [0, 1024], sizes = [256, 1024], strides = [1, 1]} : vector<256x3072xf32> to vector<256x1024xf32>
    %add3A_933 = arith.addf %slice3A_931, %slice3A_932 : vector<256x1024xf32>
    %reduce_min3A_934 = arith.constant dense<0x7F800000> : vector<1024xf32>
    %reduce_min3A_935 = vector.multi_reduction <minimumf>, %add3A_933, %reduce_min3A_934 [0] : vector<256x1024xf32> to vector<1024xf32>
    %min3A_936 = arith.minimumf %min3A_858, %reduce_min3A_935 : vector<1024xf32>
    %slice3A_937 = vector.extract_strided_slice %dot_general3A_900 {offsets = [0, 1024], sizes = [256, 1024], strides = [1, 1]} : vector<256x3072xf32> to vector<256x1024xf32>
    %slice3A_938 = vector.extract_strided_slice %dot_general3A_912 {offsets = [0, 1024], sizes = [256, 1024], strides = [1, 1]} : vector<256x3072xf32> to vector<256x1024xf32>
    %add3A_939 = arith.addf %slice3A_937, %slice3A_938 : vector<256x1024xf32>
    %reduce_min3A_940 = arith.constant dense<0x7F800000> : vector<1024xf32>
    %reduce_min3A_941 = vector.multi_reduction <minimumf>, %add3A_939, %reduce_min3A_940 [0] : vector<256x1024xf32> to vector<1024xf32>
    %min3A_942 = arith.minimumf %min3A_864, %reduce_min3A_941 : vector<1024xf32>
    %slice3A_943 = vector.extract_strided_slice %dot_general3A_900 {offsets = [0, 2048], sizes = [256, 1024], strides = [1, 1]} : vector<256x3072xf32> to vector<256x1024xf32>
    %slice3A_944 = vector.extract_strided_slice %dot_general3A_912 {offsets = [0, 1024], sizes = [256, 1024], strides = [1, 1]} : vector<256x3072xf32> to vector<256x1024xf32>
    %add3A_945 = arith.addf %slice3A_943, %slice3A_944 : vector<256x1024xf32>
    %reduce_min3A_946 = arith.constant dense<0x7F800000> : vector<1024xf32>
    %reduce_min3A_947 = vector.multi_reduction <minimumf>, %add3A_945, %reduce_min3A_946 [0] : vector<256x1024xf32> to vector<1024xf32>
    %min3A_948 = arith.minimumf %min3A_870, %reduce_min3A_947 : vector<1024xf32>
    %slice3A_949 = vector.extract_strided_slice %dot_general3A_900 {offsets = [0, 0], sizes = [256, 1024], strides = [1, 1]} : vector<256x3072xf32> to vector<256x1024xf32>
    %slice3A_950 = vector.extract_strided_slice %dot_general3A_912 {offsets = [0, 2048], sizes = [256, 1024], strides = [1, 1]} : vector<256x3072xf32> to vector<256x1024xf32>
    %add3A_951 = arith.addf %slice3A_949, %slice3A_950 : vector<256x1024xf32>
    %reduce_min3A_952 = arith.constant dense<0x7F800000> : vector<1024xf32>
    %reduce_min3A_953 = vector.multi_reduction <minimumf>, %add3A_951, %reduce_min3A_952 [0] : vector<256x1024xf32> to vector<1024xf32>
    %min3A_954 = arith.minimumf %min3A_876, %reduce_min3A_953 : vector<1024xf32>
    %slice3A_955 = vector.extract_strided_slice %dot_general3A_900 {offsets = [0, 1024], sizes = [256, 1024], strides = [1, 1]} : vector<256x3072xf32> to vector<256x1024xf32>
    %slice3A_956 = vector.extract_strided_slice %dot_general3A_912 {offsets = [0, 2048], sizes = [256, 1024], strides = [1, 1]} : vector<256x3072xf32> to vector<256x1024xf32>
    %add3A_957 = arith.addf %slice3A_955, %slice3A_956 : vector<256x1024xf32>
    %reduce_min3A_958 = arith.constant dense<0x7F800000> : vector<1024xf32>
    %reduce_min3A_959 = vector.multi_reduction <minimumf>, %add3A_957, %reduce_min3A_958 [0] : vector<256x1024xf32> to vector<1024xf32>
    %min3A_960 = arith.minimumf %min3A_882, %reduce_min3A_959 : vector<1024xf32>
    %slice3A_961 = vector.extract_strided_slice %dot_general3A_900 {offsets = [0, 2048], sizes = [256, 1024], strides = [1, 1]} : vector<256x3072xf32> to vector<256x1024xf32>
    %slice3A_962 = vector.extract_strided_slice %dot_general3A_912 {offsets = [0, 2048], sizes = [256, 1024], strides = [1, 1]} : vector<256x3072xf32> to vector<256x1024xf32>
    %add3A_963 = arith.addf %slice3A_961, %slice3A_962 : vector<256x1024xf32>
    %reduce_min3A_964 = arith.constant dense<0x7F800000> : vector<1024xf32>
    %reduce_min3A_965 = vector.multi_reduction <minimumf>, %add3A_963, %reduce_min3A_964 [0] : vector<256x1024xf32> to vector<1024xf32>
    %min3A_966 = arith.minimumf %min3A_888, %reduce_min3A_965 : vector<1024xf32>
    %get3A_967 = arith.constant 0 : index
    %get3A_968 = arith.constant 0 : index
    %get3A_969 = arith.constant 1536 : index
    %get3A_970 = vector.load %arg7[%get3A_967, %get3A_968, %get3A_969] : memref<2x8x2048xf32, #tpu.memory_space<vmem>>, vector<1x8x256xf32>
    %get3A_971 = vector.shape_cast %get3A_970 : vector<1x8x256xf32> to vector<8x256xf32>
    %get3A_972 = arith.constant 0 : index
    %get3A_973 = arith.constant 0 : index
    %get3A_974 = arith.constant 0 : index
    %get3A_975 = vector.load %arg8[%get3A_972, %get3A_973, %get3A_974] : memref<2x8x3072xf32, #tpu.memory_space<vmem>>, vector<1x8x3072xf32>
    %get3A_976 = vector.shape_cast %get3A_975 : vector<1x8x3072xf32> to vector<8x3072xf32>
    %dot_general3A_977 = arith.constant dense<0.000000e+00> : vector<256x3072xf32>
    %dot_general3A_978 = tpu.matmul %get3A_971, %get3A_976, %dot_general3A_977 {dimension_numbers = #tpu.dot_dimension_numbers<[0], [0], [1], [1], [0, 1, 1, 1], [], []>, transpose_lhs_hint = false} : vector<8x256xf32>, vector<8x3072xf32>, vector<256x3072xf32> -> vector<256x3072xf32>
    %get3A_979 = arith.constant 1 : index
    %get3A_980 = arith.constant 0 : index
    %get3A_981 = arith.constant 1536 : index
    %get3A_982 = vector.load %arg7[%get3A_979, %get3A_980, %get3A_981] : memref<2x8x2048xf32, #tpu.memory_space<vmem>>, vector<1x8x256xf32>
    %get3A_983 = vector.shape_cast %get3A_982 : vector<1x8x256xf32> to vector<8x256xf32>
    %get3A_984 = arith.constant 1 : index
    %get3A_985 = arith.constant 0 : index
    %get3A_986 = arith.constant 0 : index
    %get3A_987 = vector.load %arg8[%get3A_984, %get3A_985, %get3A_986] : memref<2x8x3072xf32, #tpu.memory_space<vmem>>, vector<1x8x3072xf32>
    %get3A_988 = vector.shape_cast %get3A_987 : vector<1x8x3072xf32> to vector<8x3072xf32>
    %dot_general3A_989 = arith.constant dense<0.000000e+00> : vector<256x3072xf32>
    %dot_general3A_990 = tpu.matmul %get3A_983, %get3A_988, %dot_general3A_989 {dimension_numbers = #tpu.dot_dimension_numbers<[0], [0], [1], [1], [0, 1, 1, 1], [], []>, transpose_lhs_hint = false} : vector<8x256xf32>, vector<8x3072xf32>, vector<256x3072xf32> -> vector<256x3072xf32>
    %slice3A_991 = vector.extract_strided_slice %dot_general3A_978 {offsets = [0, 0], sizes = [256, 1024], strides = [1, 1]} : vector<256x3072xf32> to vector<256x1024xf32>
    %slice3A_992 = vector.extract_strided_slice %dot_general3A_990 {offsets = [0, 0], sizes = [256, 1024], strides = [1, 1]} : vector<256x3072xf32> to vector<256x1024xf32>
    %add3A_993 = arith.addf %slice3A_991, %slice3A_992 : vector<256x1024xf32>
    %reduce_min3A_994 = arith.constant dense<0x7F800000> : vector<1024xf32>
    %reduce_min3A_995 = vector.multi_reduction <minimumf>, %add3A_993, %reduce_min3A_994 [0] : vector<256x1024xf32> to vector<1024xf32>
    %min3A_996 = arith.minimumf %min3A_918, %reduce_min3A_995 : vector<1024xf32>
    %slice3A_997 = vector.extract_strided_slice %dot_general3A_978 {offsets = [0, 1024], sizes = [256, 1024], strides = [1, 1]} : vector<256x3072xf32> to vector<256x1024xf32>
    %slice3A_998 = vector.extract_strided_slice %dot_general3A_990 {offsets = [0, 0], sizes = [256, 1024], strides = [1, 1]} : vector<256x3072xf32> to vector<256x1024xf32>
    %add3A_999 = arith.addf %slice3A_997, %slice3A_998 : vector<256x1024xf32>
    %reduce_min3A_1000 = arith.constant dense<0x7F800000> : vector<1024xf32>
    %reduce_min3A_1001 = vector.multi_reduction <minimumf>, %add3A_999, %reduce_min3A_1000 [0] : vector<256x1024xf32> to vector<1024xf32>
    %min3A_1002 = arith.minimumf %min3A_924, %reduce_min3A_1001 : vector<1024xf32>
    %slice3A_1003 = vector.extract_strided_slice %dot_general3A_978 {offsets = [0, 2048], sizes = [256, 1024], strides = [1, 1]} : vector<256x3072xf32> to vector<256x1024xf32>
    %slice3A_1004 = vector.extract_strided_slice %dot_general3A_990 {offsets = [0, 0], sizes = [256, 1024], strides = [1, 1]} : vector<256x3072xf32> to vector<256x1024xf32>
    %add3A_1005 = arith.addf %slice3A_1003, %slice3A_1004 : vector<256x1024xf32>
    %reduce_min3A_1006 = arith.constant dense<0x7F800000> : vector<1024xf32>
    %reduce_min3A_1007 = vector.multi_reduction <minimumf>, %add3A_1005, %reduce_min3A_1006 [0] : vector<256x1024xf32> to vector<1024xf32>
    %min3A_1008 = arith.minimumf %min3A_930, %reduce_min3A_1007 : vector<1024xf32>
    %slice3A_1009 = vector.extract_strided_slice %dot_general3A_978 {offsets = [0, 0], sizes = [256, 1024], strides = [1, 1]} : vector<256x3072xf32> to vector<256x1024xf32>
    %slice3A_1010 = vector.extract_strided_slice %dot_general3A_990 {offsets = [0, 1024], sizes = [256, 1024], strides = [1, 1]} : vector<256x3072xf32> to vector<256x1024xf32>
    %add3A_1011 = arith.addf %slice3A_1009, %slice3A_1010 : vector<256x1024xf32>
    %reduce_min3A_1012 = arith.constant dense<0x7F800000> : vector<1024xf32>
    %reduce_min3A_1013 = vector.multi_reduction <minimumf>, %add3A_1011, %reduce_min3A_1012 [0] : vector<256x1024xf32> to vector<1024xf32>
    %min3A_1014 = arith.minimumf %min3A_936, %reduce_min3A_1013 : vector<1024xf32>
    %slice3A_1015 = vector.extract_strided_slice %dot_general3A_978 {offsets = [0, 1024], sizes = [256, 1024], strides = [1, 1]} : vector<256x3072xf32> to vector<256x1024xf32>
    %slice3A_1016 = vector.extract_strided_slice %dot_general3A_990 {offsets = [0, 1024], sizes = [256, 1024], strides = [1, 1]} : vector<256x3072xf32> to vector<256x1024xf32>
    %add3A_1017 = arith.addf %slice3A_1015, %slice3A_1016 : vector<256x1024xf32>
    %reduce_min3A_1018 = arith.constant dense<0x7F800000> : vector<1024xf32>
    %reduce_min3A_1019 = vector.multi_reduction <minimumf>, %add3A_1017, %reduce_min3A_1018 [0] : vector<256x1024xf32> to vector<1024xf32>
    %min3A_1020 = arith.minimumf %min3A_942, %reduce_min3A_1019 : vector<1024xf32>
    %slice3A_1021 = vector.extract_strided_slice %dot_general3A_978 {offsets = [0, 2048], sizes = [256, 1024], strides = [1, 1]} : vector<256x3072xf32> to vector<256x1024xf32>
    %slice3A_1022 = vector.extract_strided_slice %dot_general3A_990 {offsets = [0, 1024], sizes = [256, 1024], strides = [1, 1]} : vector<256x3072xf32> to vector<256x1024xf32>
    %add3A_1023 = arith.addf %slice3A_1021, %slice3A_1022 : vector<256x1024xf32>
    %reduce_min3A_1024 = arith.constant dense<0x7F800000> : vector<1024xf32>
    %reduce_min3A_1025 = vector.multi_reduction <minimumf>, %add3A_1023, %reduce_min3A_1024 [0] : vector<256x1024xf32> to vector<1024xf32>
    %min3A_1026 = arith.minimumf %min3A_948, %reduce_min3A_1025 : vector<1024xf32>
    %slice3A_1027 = vector.extract_strided_slice %dot_general3A_978 {offsets = [0, 0], sizes = [256, 1024], strides = [1, 1]} : vector<256x3072xf32> to vector<256x1024xf32>
    %slice3A_1028 = vector.extract_strided_slice %dot_general3A_990 {offsets = [0, 2048], sizes = [256, 1024], strides = [1, 1]} : vector<256x3072xf32> to vector<256x1024xf32>
    %add3A_1029 = arith.addf %slice3A_1027, %slice3A_1028 : vector<256x1024xf32>
    %reduce_min3A_1030 = arith.constant dense<0x7F800000> : vector<1024xf32>
    %reduce_min3A_1031 = vector.multi_reduction <minimumf>, %add3A_1029, %reduce_min3A_1030 [0] : vector<256x1024xf32> to vector<1024xf32>
    %min3A_1032 = arith.minimumf %min3A_954, %reduce_min3A_1031 : vector<1024xf32>
    %slice3A_1033 = vector.extract_strided_slice %dot_general3A_978 {offsets = [0, 1024], sizes = [256, 1024], strides = [1, 1]} : vector<256x3072xf32> to vector<256x1024xf32>
    %slice3A_1034 = vector.extract_strided_slice %dot_general3A_990 {offsets = [0, 2048], sizes = [256, 1024], strides = [1, 1]} : vector<256x3072xf32> to vector<256x1024xf32>
    %add3A_1035 = arith.addf %slice3A_1033, %slice3A_1034 : vector<256x1024xf32>
    %reduce_min3A_1036 = arith.constant dense<0x7F800000> : vector<1024xf32>
    %reduce_min3A_1037 = vector.multi_reduction <minimumf>, %add3A_1035, %reduce_min3A_1036 [0] : vector<256x1024xf32> to vector<1024xf32>
    %min3A_1038 = arith.minimumf %min3A_960, %reduce_min3A_1037 : vector<1024xf32>
    %slice3A_1039 = vector.extract_strided_slice %dot_general3A_978 {offsets = [0, 2048], sizes = [256, 1024], strides = [1, 1]} : vector<256x3072xf32> to vector<256x1024xf32>
    %slice3A_1040 = vector.extract_strided_slice %dot_general3A_990 {offsets = [0, 2048], sizes = [256, 1024], strides = [1, 1]} : vector<256x3072xf32> to vector<256x1024xf32>
    %add3A_1041 = arith.addf %slice3A_1039, %slice3A_1040 : vector<256x1024xf32>
    %reduce_min3A_1042 = arith.constant dense<0x7F800000> : vector<1024xf32>
    %reduce_min3A_1043 = vector.multi_reduction <minimumf>, %add3A_1041, %reduce_min3A_1042 [0] : vector<256x1024xf32> to vector<1024xf32>
    %min3A_1044 = arith.minimumf %min3A_966, %reduce_min3A_1043 : vector<1024xf32>
    %get3A_1045 = arith.constant 0 : index
    %get3A_1046 = arith.constant 0 : index
    %get3A_1047 = arith.constant 1792 : index
    %get3A_1048 = vector.load %arg7[%get3A_1045, %get3A_1046, %get3A_1047] : memref<2x8x2048xf32, #tpu.memory_space<vmem>>, vector<1x8x256xf32>
    %get3A_1049 = vector.shape_cast %get3A_1048 : vector<1x8x256xf32> to vector<8x256xf32>
    %get3A_1050 = arith.constant 0 : index
    %get3A_1051 = arith.constant 0 : index
    %get3A_1052 = arith.constant 0 : index
    %get3A_1053 = vector.load %arg8[%get3A_1050, %get3A_1051, %get3A_1052] : memref<2x8x3072xf32, #tpu.memory_space<vmem>>, vector<1x8x3072xf32>
    %get3A_1054 = vector.shape_cast %get3A_1053 : vector<1x8x3072xf32> to vector<8x3072xf32>
    %dot_general3A_1055 = arith.constant dense<0.000000e+00> : vector<256x3072xf32>
    %dot_general3A_1056 = tpu.matmul %get3A_1049, %get3A_1054, %dot_general3A_1055 {dimension_numbers = #tpu.dot_dimension_numbers<[0], [0], [1], [1], [0, 1, 1, 1], [], []>, transpose_lhs_hint = false} : vector<8x256xf32>, vector<8x3072xf32>, vector<256x3072xf32> -> vector<256x3072xf32>
    %get3A_1057 = arith.constant 1 : index
    %get3A_1058 = arith.constant 0 : index
    %get3A_1059 = arith.constant 1792 : index
    %get3A_1060 = vector.load %arg7[%get3A_1057, %get3A_1058, %get3A_1059] : memref<2x8x2048xf32, #tpu.memory_space<vmem>>, vector<1x8x256xf32>
    %get3A_1061 = vector.shape_cast %get3A_1060 : vector<1x8x256xf32> to vector<8x256xf32>
    %get3A_1062 = arith.constant 1 : index
    %get3A_1063 = arith.constant 0 : index
    %get3A_1064 = arith.constant 0 : index
    %get3A_1065 = vector.load %arg8[%get3A_1062, %get3A_1063, %get3A_1064] : memref<2x8x3072xf32, #tpu.memory_space<vmem>>, vector<1x8x3072xf32>
    %get3A_1066 = vector.shape_cast %get3A_1065 : vector<1x8x3072xf32> to vector<8x3072xf32>
    %dot_general3A_1067 = arith.constant dense<0.000000e+00> : vector<256x3072xf32>
    %dot_general3A_1068 = tpu.matmul %get3A_1061, %get3A_1066, %dot_general3A_1067 {dimension_numbers = #tpu.dot_dimension_numbers<[0], [0], [1], [1], [0, 1, 1, 1], [], []>, transpose_lhs_hint = false} : vector<8x256xf32>, vector<8x3072xf32>, vector<256x3072xf32> -> vector<256x3072xf32>
    %slice3A_1069 = vector.extract_strided_slice %dot_general3A_1056 {offsets = [0, 0], sizes = [256, 1024], strides = [1, 1]} : vector<256x3072xf32> to vector<256x1024xf32>
    %slice3A_1070 = vector.extract_strided_slice %dot_general3A_1068 {offsets = [0, 0], sizes = [256, 1024], strides = [1, 1]} : vector<256x3072xf32> to vector<256x1024xf32>
    %add3A_1071 = arith.addf %slice3A_1069, %slice3A_1070 : vector<256x1024xf32>
    %reduce_min3A_1072 = arith.constant dense<0x7F800000> : vector<1024xf32>
    %reduce_min3A_1073 = vector.multi_reduction <minimumf>, %add3A_1071, %reduce_min3A_1072 [0] : vector<256x1024xf32> to vector<1024xf32>
    %min3A_1074 = arith.minimumf %min3A_996, %reduce_min3A_1073 : vector<1024xf32>
    %slice3A_1075 = vector.extract_strided_slice %dot_general3A_1056 {offsets = [0, 1024], sizes = [256, 1024], strides = [1, 1]} : vector<256x3072xf32> to vector<256x1024xf32>
    %slice3A_1076 = vector.extract_strided_slice %dot_general3A_1068 {offsets = [0, 0], sizes = [256, 1024], strides = [1, 1]} : vector<256x3072xf32> to vector<256x1024xf32>
    %add3A_1077 = arith.addf %slice3A_1075, %slice3A_1076 : vector<256x1024xf32>
    %reduce_min3A_1078 = arith.constant dense<0x7F800000> : vector<1024xf32>
    %reduce_min3A_1079 = vector.multi_reduction <minimumf>, %add3A_1077, %reduce_min3A_1078 [0] : vector<256x1024xf32> to vector<1024xf32>
    %min3A_1080 = arith.minimumf %min3A_1002, %reduce_min3A_1079 : vector<1024xf32>
    %slice3A_1081 = vector.extract_strided_slice %dot_general3A_1056 {offsets = [0, 2048], sizes = [256, 1024], strides = [1, 1]} : vector<256x3072xf32> to vector<256x1024xf32>
    %slice3A_1082 = vector.extract_strided_slice %dot_general3A_1068 {offsets = [0, 0], sizes = [256, 1024], strides = [1, 1]} : vector<256x3072xf32> to vector<256x1024xf32>
    %add3A_1083 = arith.addf %slice3A_1081, %slice3A_1082 : vector<256x1024xf32>
    %reduce_min3A_1084 = arith.constant dense<0x7F800000> : vector<1024xf32>
    %reduce_min3A_1085 = vector.multi_reduction <minimumf>, %add3A_1083, %reduce_min3A_1084 [0] : vector<256x1024xf32> to vector<1024xf32>
    %min3A_1086 = arith.minimumf %min3A_1008, %reduce_min3A_1085 : vector<1024xf32>
    %slice3A_1087 = vector.extract_strided_slice %dot_general3A_1056 {offsets = [0, 0], sizes = [256, 1024], strides = [1, 1]} : vector<256x3072xf32> to vector<256x1024xf32>
    %slice3A_1088 = vector.extract_strided_slice %dot_general3A_1068 {offsets = [0, 1024], sizes = [256, 1024], strides = [1, 1]} : vector<256x3072xf32> to vector<256x1024xf32>
    %add3A_1089 = arith.addf %slice3A_1087, %slice3A_1088 : vector<256x1024xf32>
    %reduce_min3A_1090 = arith.constant dense<0x7F800000> : vector<1024xf32>
    %reduce_min3A_1091 = vector.multi_reduction <minimumf>, %add3A_1089, %reduce_min3A_1090 [0] : vector<256x1024xf32> to vector<1024xf32>
    %min3A_1092 = arith.minimumf %min3A_1014, %reduce_min3A_1091 : vector<1024xf32>
    %slice3A_1093 = vector.extract_strided_slice %dot_general3A_1056 {offsets = [0, 1024], sizes = [256, 1024], strides = [1, 1]} : vector<256x3072xf32> to vector<256x1024xf32>
    %slice3A_1094 = vector.extract_strided_slice %dot_general3A_1068 {offsets = [0, 1024], sizes = [256, 1024], strides = [1, 1]} : vector<256x3072xf32> to vector<256x1024xf32>
    %add3A_1095 = arith.addf %slice3A_1093, %slice3A_1094 : vector<256x1024xf32>
    %reduce_min3A_1096 = arith.constant dense<0x7F800000> : vector<1024xf32>
    %reduce_min3A_1097 = vector.multi_reduction <minimumf>, %add3A_1095, %reduce_min3A_1096 [0] : vector<256x1024xf32> to vector<1024xf32>
    %min3A_1098 = arith.minimumf %min3A_1020, %reduce_min3A_1097 : vector<1024xf32>
    %slice3A_1099 = vector.extract_strided_slice %dot_general3A_1056 {offsets = [0, 2048], sizes = [256, 1024], strides = [1, 1]} : vector<256x3072xf32> to vector<256x1024xf32>
    %slice3A_1100 = vector.extract_strided_slice %dot_general3A_1068 {offsets = [0, 1024], sizes = [256, 1024], strides = [1, 1]} : vector<256x3072xf32> to vector<256x1024xf32>
    %add3A_1101 = arith.addf %slice3A_1099, %slice3A_1100 : vector<256x1024xf32>
    %reduce_min3A_1102 = arith.constant dense<0x7F800000> : vector<1024xf32>
    %reduce_min3A_1103 = vector.multi_reduction <minimumf>, %add3A_1101, %reduce_min3A_1102 [0] : vector<256x1024xf32> to vector<1024xf32>
    %min3A_1104 = arith.minimumf %min3A_1026, %reduce_min3A_1103 : vector<1024xf32>
    %slice3A_1105 = vector.extract_strided_slice %dot_general3A_1056 {offsets = [0, 0], sizes = [256, 1024], strides = [1, 1]} : vector<256x3072xf32> to vector<256x1024xf32>
    %slice3A_1106 = vector.extract_strided_slice %dot_general3A_1068 {offsets = [0, 2048], sizes = [256, 1024], strides = [1, 1]} : vector<256x3072xf32> to vector<256x1024xf32>
    %add3A_1107 = arith.addf %slice3A_1105, %slice3A_1106 : vector<256x1024xf32>
    %reduce_min3A_1108 = arith.constant dense<0x7F800000> : vector<1024xf32>
    %reduce_min3A_1109 = vector.multi_reduction <minimumf>, %add3A_1107, %reduce_min3A_1108 [0] : vector<256x1024xf32> to vector<1024xf32>
    %min3A_1110 = arith.minimumf %min3A_1032, %reduce_min3A_1109 : vector<1024xf32>
    %slice3A_1111 = vector.extract_strided_slice %dot_general3A_1056 {offsets = [0, 1024], sizes = [256, 1024], strides = [1, 1]} : vector<256x3072xf32> to vector<256x1024xf32>
    %slice3A_1112 = vector.extract_strided_slice %dot_general3A_1068 {offsets = [0, 2048], sizes = [256, 1024], strides = [1, 1]} : vector<256x3072xf32> to vector<256x1024xf32>
    %add3A_1113 = arith.addf %slice3A_1111, %slice3A_1112 : vector<256x1024xf32>
    %reduce_min3A_1114 = arith.constant dense<0x7F800000> : vector<1024xf32>
    %reduce_min3A_1115 = vector.multi_reduction <minimumf>, %add3A_1113, %reduce_min3A_1114 [0] : vector<256x1024xf32> to vector<1024xf32>
    %min3A_1116 = arith.minimumf %min3A_1038, %reduce_min3A_1115 : vector<1024xf32>
    %slice3A_1117 = vector.extract_strided_slice %dot_general3A_1056 {offsets = [0, 2048], sizes = [256, 1024], strides = [1, 1]} : vector<256x3072xf32> to vector<256x1024xf32>
    %slice3A_1118 = vector.extract_strided_slice %dot_general3A_1068 {offsets = [0, 2048], sizes = [256, 1024], strides = [1, 1]} : vector<256x3072xf32> to vector<256x1024xf32>
    %add3A_1119 = arith.addf %slice3A_1117, %slice3A_1118 : vector<256x1024xf32>
    %reduce_min3A_1120 = arith.constant dense<0x7F800000> : vector<1024xf32>
    %reduce_min3A_1121 = vector.multi_reduction <minimumf>, %add3A_1119, %reduce_min3A_1120 [0] : vector<256x1024xf32> to vector<1024xf32>
    %min3A_1122 = arith.minimumf %min3A_1044, %reduce_min3A_1121 : vector<1024xf32>
    %mul3A_1123 = arith.mulf %convert_element_type3A, %convert_element_type3A : vector<1024xf32>
    %mul3A_1124 = arith.mulf %convert_element_type3A_172, %convert_element_type3A_172 : vector<1024xf32>
    %add3A_1125 = arith.addf %mul3A_1123, %mul3A_1124 : vector<1024xf32>
    %add3A_1126 = arith.addf %min3A_1074, %add3A_1125 : vector<1024xf32>
    %sqrt3A = math.sqrt %add3A_1126 : vector<1024xf32>
    %mul3A_1127 = vector.broadcast %select_n3A_28 : f32 to vector<1024xf32>
    %mul3A_1128 = arith.mulf %sqrt3A, %mul3A_1127 : vector<1024xf32>
    %swap3A_1129 = arith.constant 0 : index
    %swap3A_1130 = arith.constant 0 : index
    %swap3A_1131 = arith.constant 0 : index
    %swap3A_1132 = arith.constant 0 : index
    %swap3A_1133 = vector.load %arg6[%swap3A_1129, %swap3A_1130, %swap3A_1131, %swap3A_1132] : memref<1x9x1x1024xf32, #tpu.memory_space<vmem>>, vector<1x1x1x1024xf32>
    %swap3A_1134 = vector.shape_cast %swap3A_1133 : vector<1x1x1x1024xf32> to vector<1024xf32>
    %swap3A_1135 = vector.shape_cast %mul3A_1128 : vector<1024xf32> to vector<1x1x1x1024xf32>
    tpu.vector_store %arg6[%swap3A_1129, %swap3A_1130, %swap3A_1131, %swap3A_1132], %swap3A_1135 {strides = array<i32>} : memref<1x9x1x1024xf32, #tpu.memory_space<vmem>>, vector<1x1x1x1024xf32>,
    %mul3A_1136 = arith.mulf %convert_element_type3A_170, %convert_element_type3A_170 : vector<1024xf32>
    %mul3A_1137 = arith.mulf %convert_element_type3A_172, %convert_element_type3A_172 : vector<1024xf32>
    %add3A_1138 = arith.addf %mul3A_1136, %mul3A_1137 : vector<1024xf32>
    %add3A_1139 = arith.addf %min3A_1080, %add3A_1138 : vector<1024xf32>
    %sqrt3A_1140 = math.sqrt %add3A_1139 : vector<1024xf32>
    %mul3A_1141 = vector.broadcast %select_n3A_28 : f32 to vector<1024xf32>
    %mul3A_1142 = arith.mulf %sqrt3A_1140, %mul3A_1141 : vector<1024xf32>
    %swap3A_1143 = arith.constant 0 : index
    %swap3A_1144 = arith.constant 1 : index
    %swap3A_1145 = arith.constant 0 : index
    %swap3A_1146 = arith.constant 0 : index
    %swap3A_1147 = vector.load %arg6[%swap3A_1143, %swap3A_1144, %swap3A_1145, %swap3A_1146] : memref<1x9x1x1024xf32, #tpu.memory_space<vmem>>, vector<1x1x1x1024xf32>
    %swap3A_1148 = vector.shape_cast %swap3A_1147 : vector<1x1x1x1024xf32> to vector<1024xf32>
    %swap3A_1149 = vector.shape_cast %mul3A_1142 : vector<1024xf32> to vector<1x1x1x1024xf32>
    tpu.vector_store %arg6[%swap3A_1143, %swap3A_1144, %swap3A_1145, %swap3A_1146], %swap3A_1149 {strides = array<i32>} : memref<1x9x1x1024xf32, #tpu.memory_space<vmem>>, vector<1x1x1x1024xf32>,
    %mul3A_1150 = arith.mulf %convert_element_type3A_171, %convert_element_type3A_171 : vector<1024xf32>
    %mul3A_1151 = arith.mulf %convert_element_type3A_172, %convert_element_type3A_172 : vector<1024xf32>
    %add3A_1152 = arith.addf %mul3A_1150, %mul3A_1151 : vector<1024xf32>
    %add3A_1153 = arith.addf %min3A_1086, %add3A_1152 : vector<1024xf32>
    %sqrt3A_1154 = math.sqrt %add3A_1153 : vector<1024xf32>
    %mul3A_1155 = vector.broadcast %select_n3A_28 : f32 to vector<1024xf32>
    %mul3A_1156 = arith.mulf %sqrt3A_1154, %mul3A_1155 : vector<1024xf32>
    %swap3A_1157 = arith.constant 0 : index
    %swap3A_1158 = arith.constant 2 : index
    %swap3A_1159 = arith.constant 0 : index
    %swap3A_1160 = arith.constant 0 : index
    %swap3A_1161 = vector.load %arg6[%swap3A_1157, %swap3A_1158, %swap3A_1159, %swap3A_1160] : memref<1x9x1x1024xf32, #tpu.memory_space<vmem>>, vector<1x1x1x1024xf32>
    %swap3A_1162 = vector.shape_cast %swap3A_1161 : vector<1x1x1x1024xf32> to vector<1024xf32>
    %swap3A_1163 = vector.shape_cast %mul3A_1156 : vector<1024xf32> to vector<1x1x1x1024xf32>
    tpu.vector_store %arg6[%swap3A_1157, %swap3A_1158, %swap3A_1159, %swap3A_1160], %swap3A_1163 {strides = array<i32>} : memref<1x9x1x1024xf32, #tpu.memory_space<vmem>>, vector<1x1x1x1024xf32>,
    %mul3A_1164 = arith.mulf %convert_element_type3A, %convert_element_type3A : vector<1024xf32>
    %mul3A_1165 = arith.mulf %convert_element_type3A_173, %convert_element_type3A_173 : vector<1024xf32>
    %add3A_1166 = arith.addf %mul3A_1164, %mul3A_1165 : vector<1024xf32>
    %add3A_1167 = arith.addf %min3A_1092, %add3A_1166 : vector<1024xf32>
    %sqrt3A_1168 = math.sqrt %add3A_1167 : vector<1024xf32>
    %mul3A_1169 = vector.broadcast %select_n3A_28 : f32 to vector<1024xf32>
    %mul3A_1170 = arith.mulf %sqrt3A_1168, %mul3A_1169 : vector<1024xf32>
    %swap3A_1171 = arith.constant 0 : index
    %swap3A_1172 = arith.constant 3 : index
    %swap3A_1173 = arith.constant 0 : index
    %swap3A_1174 = arith.constant 0 : index
    %swap3A_1175 = vector.load %arg6[%swap3A_1171, %swap3A_1172, %swap3A_1173, %swap3A_1174] : memref<1x9x1x1024xf32, #tpu.memory_space<vmem>>, vector<1x1x1x1024xf32>
    %swap3A_1176 = vector.shape_cast %swap3A_1175 : vector<1x1x1x1024xf32> to vector<1024xf32>
    %swap3A_1177 = vector.shape_cast %mul3A_1170 : vector<1024xf32> to vector<1x1x1x1024xf32>
    tpu.vector_store %arg6[%swap3A_1171, %swap3A_1172, %swap3A_1173, %swap3A_1174], %swap3A_1177 {strides = array<i32>} : memref<1x9x1x1024xf32, #tpu.memory_space<vmem>>, vector<1x1x1x1024xf32>,
    %mul3A_1178 = arith.mulf %convert_element_type3A_170, %convert_element_type3A_170 : vector<1024xf32>
    %mul3A_1179 = arith.mulf %convert_element_type3A_173, %convert_element_type3A_173 : vector<1024xf32>
    %add3A_1180 = arith.addf %mul3A_1178, %mul3A_1179 : vector<1024xf32>
    %add3A_1181 = arith.addf %min3A_1098, %add3A_1180 : vector<1024xf32>
    %sqrt3A_1182 = math.sqrt %add3A_1181 : vector<1024xf32>
    %mul3A_1183 = vector.broadcast %select_n3A_28 : f32 to vector<1024xf32>
    %mul3A_1184 = arith.mulf %sqrt3A_1182, %mul3A_1183 : vector<1024xf32>
    %swap3A_1185 = arith.constant 0 : index
    %swap3A_1186 = arith.constant 4 : index
    %swap3A_1187 = arith.constant 0 : index
    %swap3A_1188 = arith.constant 0 : index
    %swap3A_1189 = vector.load %arg6[%swap3A_1185, %swap3A_1186, %swap3A_1187, %swap3A_1188] : memref<1x9x1x1024xf32, #tpu.memory_space<vmem>>, vector<1x1x1x1024xf32>
    %swap3A_1190 = vector.shape_cast %swap3A_1189 : vector<1x1x1x1024xf32> to vector<1024xf32>
    %swap3A_1191 = vector.shape_cast %mul3A_1184 : vector<1024xf32> to vector<1x1x1x1024xf32>
    tpu.vector_store %arg6[%swap3A_1185, %swap3A_1186, %swap3A_1187, %swap3A_1188], %swap3A_1191 {strides = array<i32>} : memref<1x9x1x1024xf32, #tpu.memory_space<vmem>>, vector<1x1x1x1024xf32>,
    %mul3A_1192 = arith.mulf %convert_element_type3A_171, %convert_element_type3A_171 : vector<1024xf32>
    %mul3A_1193 = arith.mulf %convert_element_type3A_173, %convert_element_type3A_173 : vector<1024xf32>
    %add3A_1194 = arith.addf %mul3A_1192, %mul3A_1193 : vector<1024xf32>
    %add3A_1195 = arith.addf %min3A_1104, %add3A_1194 : vector<1024xf32>
    %sqrt3A_1196 = math.sqrt %add3A_1195 : vector<1024xf32>
    %mul3A_1197 = vector.broadcast %select_n3A_28 : f32 to vector<1024xf32>
    %mul3A_1198 = arith.mulf %sqrt3A_1196, %mul3A_1197 : vector<1024xf32>
    %swap3A_1199 = arith.constant 0 : index
    %swap3A_1200 = arith.constant 5 : index
    %swap3A_1201 = arith.constant 0 : index
    %swap3A_1202 = arith.constant 0 : index
    %swap3A_1203 = vector.load %arg6[%swap3A_1199, %swap3A_1200, %swap3A_1201, %swap3A_1202] : memref<1x9x1x1024xf32, #tpu.memory_space<vmem>>, vector<1x1x1x1024xf32>
    %swap3A_1204 = vector.shape_cast %swap3A_1203 : vector<1x1x1x1024xf32> to vector<1024xf32>
    %swap3A_1205 = vector.shape_cast %mul3A_1198 : vector<1024xf32> to vector<1x1x1x1024xf32>
    tpu.vector_store %arg6[%swap3A_1199, %swap3A_1200, %swap3A_1201, %swap3A_1202], %swap3A_1205 {strides = array<i32>} : memref<1x9x1x1024xf32, #tpu.memory_space<vmem>>, vector<1x1x1x1024xf32>,
    %mul3A_1206 = arith.mulf %convert_element_type3A, %convert_element_type3A : vector<1024xf32>
    %mul3A_1207 = arith.mulf %convert_element_type3A_174, %convert_element_type3A_174 : vector<1024xf32>
    %add3A_1208 = arith.addf %mul3A_1206, %mul3A_1207 : vector<1024xf32>
    %add3A_1209 = arith.addf %min3A_1110, %add3A_1208 : vector<1024xf32>
    %sqrt3A_1210 = math.sqrt %add3A_1209 : vector<1024xf32>
    %mul3A_1211 = vector.broadcast %select_n3A_28 : f32 to vector<1024xf32>
    %mul3A_1212 = arith.mulf %sqrt3A_1210, %mul3A_1211 : vector<1024xf32>
    %swap3A_1213 = arith.constant 0 : index
    %swap3A_1214 = arith.constant 6 : index
    %swap3A_1215 = arith.constant 0 : index
    %swap3A_1216 = arith.constant 0 : index
    %swap3A_1217 = vector.load %arg6[%swap3A_1213, %swap3A_1214, %swap3A_1215, %swap3A_1216] : memref<1x9x1x1024xf32, #tpu.memory_space<vmem>>, vector<1x1x1x1024xf32>
    %swap3A_1218 = vector.shape_cast %swap3A_1217 : vector<1x1x1x1024xf32> to vector<1024xf32>
    %swap3A_1219 = vector.shape_cast %mul3A_1212 : vector<1024xf32> to vector<1x1x1x1024xf32>
    tpu.vector_store %arg6[%swap3A_1213, %swap3A_1214, %swap3A_1215, %swap3A_1216], %swap3A_1219 {strides = array<i32>} : memref<1x9x1x1024xf32, #tpu.memory_space<vmem>>, vector<1x1x1x1024xf32>,
    %mul3A_1220 = arith.mulf %convert_element_type3A_170, %convert_element_type3A_170 : vector<1024xf32>
    %mul3A_1221 = arith.mulf %convert_element_type3A_174, %convert_element_type3A_174 : vector<1024xf32>
    %add3A_1222 = arith.addf %mul3A_1220, %mul3A_1221 : vector<1024xf32>
    %add3A_1223 = arith.addf %min3A_1116, %add3A_1222 : vector<1024xf32>
    %sqrt3A_1224 = math.sqrt %add3A_1223 : vector<1024xf32>
    %mul3A_1225 = vector.broadcast %select_n3A_28 : f32 to vector<1024xf32>
    %mul3A_1226 = arith.mulf %sqrt3A_1224, %mul3A_1225 : vector<1024xf32>
    %swap3A_1227 = arith.constant 0 : index
    %swap3A_1228 = arith.constant 7 : index
    %swap3A_1229 = arith.constant 0 : index
    %swap3A_1230 = arith.constant 0 : index
    %swap3A_1231 = vector.load %arg6[%swap3A_1227, %swap3A_1228, %swap3A_1229, %swap3A_1230] : memref<1x9x1x1024xf32, #tpu.memory_space<vmem>>, vector<1x1x1x1024xf32>
    %swap3A_1232 = vector.shape_cast %swap3A_1231 : vector<1x1x1x1024xf32> to vector<1024xf32>
    %swap3A_1233 = vector.shape_cast %mul3A_1226 : vector<1024xf32> to vector<1x1x1x1024xf32>
    tpu.vector_store %arg6[%swap3A_1227, %swap3A_1228, %swap3A_1229, %swap3A_1230], %swap3A_1233 {strides = array<i32>} : memref<1x9x1x1024xf32, #tpu.memory_space<vmem>>, vector<1x1x1x1024xf32>,
    %mul3A_1234 = arith.mulf %convert_element_type3A_171, %convert_element_type3A_171 : vector<1024xf32>
    %mul3A_1235 = arith.mulf %convert_element_type3A_174, %convert_element_type3A_174 : vector<1024xf32>
    %add3A_1236 = arith.addf %mul3A_1234, %mul3A_1235 : vector<1024xf32>
    %add3A_1237 = arith.addf %min3A_1122, %add3A_1236 : vector<1024xf32>
    %sqrt3A_1238 = math.sqrt %add3A_1237 : vector<1024xf32>
    %mul3A_1239 = vector.broadcast %select_n3A_28 : f32 to vector<1024xf32>
    %mul3A_1240 = arith.mulf %sqrt3A_1238, %mul3A_1239 : vector<1024xf32>
    %swap3A_1241 = arith.constant 0 : index
    %swap3A_1242 = arith.constant 8 : index
    %swap3A_1243 = arith.constant 0 : index
    %swap3A_1244 = arith.constant 0 : index
    %swap3A_1245 = vector.load %arg6[%swap3A_1241, %swap3A_1242, %swap3A_1243, %swap3A_1244] : memref<1x9x1x1024xf32, #tpu.memory_space<vmem>>, vector<1x1x1x1024xf32>
    %swap3A_1246 = vector.shape_cast %swap3A_1245 : vector<1x1x1x1024xf32> to vector<1024xf32>
    %swap3A_1247 = vector.shape_cast %mul3A_1240 : vector<1024xf32> to vector<1x1x1x1024xf32>
    tpu.vector_store %arg6[%swap3A_1241, %swap3A_1242, %swap3A_1243, %swap3A_1244], %swap3A_1247 {strides = array<i32>} : memref<1x9x1x1024xf32, #tpu.memory_space<vmem>>, vector<1x1x1x1024xf32>,
    return
  }
  func.func @transform_0(%arg0: i32) -> (i32, i32, i32) {
    %c0_i32 = arith.constant 0 : i32
    %c0_i32_0 = arith.constant 0 : i32
    %c0_i32_1 = arith.constant 0 : i32
    return %arg0, %c0_i32, %c0_i32_0 : i32, i32, i32
  }
  func.func @transform_1(%arg0: i32) -> (i32, i32, i32) {
    %c0_i32 = arith.constant 0 : i32
    %c0_i32_0 = arith.constant 0 : i32
    %c0_i32_1 = arith.constant 0 : i32
    return %arg0, %c0_i32, %c0_i32_0 : i32, i32, i32
  }
  func.func @transform_2(%arg0: i32) -> (i32, i32) {
    %c0_i32 = arith.constant 0 : i32
    %c0_i32_0 = arith.constant 0 : i32
    %c0_i32_1 = arith.constant 0 : i32
    return %c0_i32, %c0_i32_0 : i32, i32
  }
  func.func @transform_3(%arg0: i32) -> (i32, i32) {
    %c0_i32 = arith.constant 0 : i32
    %c0_i32_0 = arith.constant 0 : i32
    %c0_i32_1 = arith.constant 0 : i32
    return %c0_i32, %c0_i32_0 : i32, i32
  }
  func.func @transform_4(%arg0: i32) -> (i32, i32) {
    %c0_i32 = arith.constant 0 : i32
    %c0_i32_0 = arith.constant 0 : i32
    %c0_i32_1 = arith.constant 0 : i32
    return %c0_i32, %c0_i32_0 : i32, i32
  }
  func.func @transform_5(%arg0: i32) -> (i32, i32, i32, i32) {
    %c0_i32 = arith.constant 0 : i32
    %c0_i32_0 = arith.constant 0 : i32
    %c0_i32_1 = arith.constant 0 : i32
    %c0_i32_2 = arith.constant 0 : i32
    return %arg0, %c0_i32, %c0_i32_0, %c0_i32_1 : i32, i32, i32, i32
  }
}

</mosaic_0001>

<sc_bundles>
// kernel: kernel.4.cloned.1.call-start
scs
__scs_entry_jumppad:
0x0: {  	(pc) =	sbr.rel $0x88, $3  }
0x1: {  	(tag) =	ssettag $0x0;
	lr =	simm.s32 $0x1  }
0x2: {  	[smem:$0x3F9D] =	sst lr;
	_ =	strace $0xD0000000  }
0x3: {  	_ = 	snop  }
0x4: {  	_ = 	snop  }
0x5: {  	_ = 	snop  }
0x6: {  	_ = 	snop  }
0x7: {  	_ = 	snop  }
__scs_overlays_trampoline_lowered:
0x8: {  	[smem:$0x3FAC] =	sst s0  }
0x9: {  	[smem:$0x3FAD] =	sst s1  }
0xa: {  	[smem:$0x3FAE] =	sst s2  }
0xb: {  	[smem:$0x3FAF] =	sst s3  }
0xc: {  	[smem:$0x3FB0] =	sst s4  }
0xd: {  	[smem:$0x3FB1] =	sst s5  }
0xe: {  	[smem:$0x3FB2] =	sst s6  }
0xf: {  	[smem:$0x3FB3] =	sst s7  }
0x10: {  	[smem:$0x3FB4] =	sst s8  }
0x11: {  	[smem:$0x3FB5] =	sst s9;
	s0 =	simm.s32 @!p0 $0x0  }
0x12: {  	s1 =	sld [smem:$0x3F9B];
	s0 =	simm.s32 @p0 $0x1  }
0x13: {  	[smem:$0x3FB6] =	sst s0;
	s0 =	simm.s32 @!p1 $0x0  }
0x14: {  	s2 =	sld [smem:$0x3F9A];
	s0 =	simm.s32 @p1 $0x1  }
0x15: {  	[smem:$0x3FB7] =	sst s0;
	s0 =	simm.s32 @!p2 $0x0  }
0x16: {  	s3 =	sld [smem:$0x3FDB];
	s0 =	simm.s32 @p2 $0x1  }
0x17: {  	s4 =	simm.s32 $0x1BF5;
	[smem:$0x3FB9] =	sst s0  }
0x18: {  	s0 =	sld [smem:$0x3F9C];
	_ =	swait.ge [sflag:s4], $0x0  }
0x19: {  	s7 =	sld [smem:$0x3F9D]  }
0x1a: {  	s8 =	sadd.s32 $0xFFFFE003, lr  }
0x1b: {  	s9 =	sadd.s32 $0xFFFFFEF7, lr;
	s5 =	simm.s32 $0xFFFFFFFF;
	p2 =	slt.u32 s8, $0xFFFFF086  }
0x1c: {  	p1 =	slt.u32 s9, $0xF7A;
	s5 =	simm.s32 @!p2 $0x0  }
0x1d: {  	s5 =	simm.s32 @p1 $0x1;
	p0 =	seq.s32 s7, s2  }
0x1e: {  	s7 =	smul.u32 @!p0 $0xF7A, s2;
	p2 =	seq.s32 @!p0 s5, $0x0  }
0x1f: {  	s9 =	smul.u32 $0xF7A, s1;
	s8 =	simm.s32 @!p0 $0x1BF5;
	p2 =	por !p2, p0  }
0x20: {  	[sflag:s8] =	ssyncset.s32 @!p0 $0xFFFFF086;
	s6 =	sadd.s32 @!p0 s3, s7;
	s7 =	simm.s32 @!p0 $0x108  }
0x21: {  	s3 =	sadd.s32 s3, s9;
	s6 =	sadd.s32 @!p0 $0x88, s6;
	s7 =	simm.s32 @p2 $0x1082  }
0x22: {  	[simem:s7], [sflag:s8] =	dma.local @!p0 [hbm:s6], $0xF7A  }
0x23: {  	s9 =	sor.u32 $0xD0000000, s2;
	s6 =	simm.s32 $0x108;
	_ =	swait.ge @!p0 [sflag:s8], $0x0  }
0x24: {  	s3 =	sadd.s32 $0x88, s3;
	s6 =	simm.s32 @!p1 $0x1082;
	[sflag:s4] =	ssyncset.s32 $0xFFFFF086  }
0x25: {  	[simem:s6], [sflag:s4] =	dma.local [hbm:s3], $0xF7A  }
0x26: {  	[smem:$0x3F9D] =	sst s1;
	(tag) =	ssettag s2;
	_ =	strace s9  }
0x27: {  	s1 =	sld [smem:$0x3FAD]  }
0x28: {  	s2 =	sld [smem:$0x3FAE]  }
0x29: {  	s4 =	sld [smem:$0x3FB0]  }
0x2a: {  	p0 =	seq.s32 s5, $0x0;
	s5 =	sld [smem:$0x3FB1]  }
0x2b: {  	s6 =	sld [smem:$0x3FB2]  }
0x2c: {  	s7 =	sld [smem:$0x3FB3]  }
0x2d: {  	s3 =	simm.s32 $0x108;
	s8 =	sld [smem:$0x3FB4]  }
0x2e: {  	s3 =	simm.s32 @!p0 $0x1082;
	s9 =	sld [smem:$0x3FB5]  }
0x2f: {  	lr =	sadd.s32 s0, s3;
	s0 =	sld [smem:$0x3FAC]  }
0x30: {  	s3 =	sld [smem:$0x3FAF]  }
0x31: {  	[smem:$0x3FB8] =	sst s10  }
0x32: {  	s10 =	sld [smem:$0x3FB6];
	_ =	sdelay $0x3  }
0x33: {  	p0 =	seq.s32 s10, $0x1;
	s10 =	sld [smem:$0x3FB8];
	_ =	sdelay $0x3  }
0x34: {  	[smem:$0x3FB8] =	sst s10  }
0x35: {  	s10 =	sld [smem:$0x3FB7];
	_ =	sdelay $0x3  }
0x36: {  	p1 =	seq.s32 s10, $0x1;
	s10 =	sld [smem:$0x3FB8];
	_ =	sdelay $0x3  }
0x37: {  	[smem:$0x3FB8] =	sst s10  }
0x38: {  	s10 =	sld [smem:$0x3FB9]  }
0x39: {  	_ = 	snop;
	(pc) =	sbr.ind lr, $3  }
0x3a: {  	_ = 	snop  }
0x3b: {  	_ = 	snop  }
0x3c: {  	p2 =	seq.s32 s10, $0x1;
	s10 =	sld [smem:$0x3FB8]  }
0x3d: {  	_ =	shalt  }
0x3e: {  	_ =	shalt  }
0x3f: {  	_ =	shalt  }
0x40: {  	_ =	shalt  }
0x41: {  	_ =	shalt  }
0x42: {  	_ =	shalt  }
0x43: {  	_ =	shalt  }
0x44: {  	_ =	shalt  }
0x45: {  	_ =	shalt  }
0x46: {  	_ =	shalt  }
0x47: {  	_ =	shalt  }
0x48: {  	_ =	shalt  }
0x49: {  	_ =	shalt  }
0x4a: {  	_ =	shalt  }
0x4b: {  	_ =	shalt  }
0x4c: {  	_ =	shalt  }
0x4d: {  	_ =	shalt  }
0x4e: {  	_ =	shalt  }
0x4f: {  	_ =	shalt  }
0x50: {  	_ =	shalt  }
0x51: {  	_ =	shalt  }
0x52: {  	_ =	shalt  }
0x53: {  	_ =	shalt  }
0x54: {  	_ =	shalt  }
0x55: {  	_ =	shalt  }
0x56: {  	_ =	shalt  }
0x57: {  	_ =	shalt  }
0x58: {  	_ =	shalt  }
0x59: {  	_ =	shalt  }
0x5a: {  	_ =	shalt  }
0x5b: {  	_ =	shalt  }
0x5c: {  	_ =	shalt  }
0x5d: {  	_ =	shalt  }
0x5e: {  	_ =	shalt  }
0x5f: {  	_ =	shalt  }
0x60: {  	_ =	shalt  }
0x61: {  	_ =	shalt  }
0x62: {  	_ =	shalt  }
0x63: {  	_ =	shalt  }
0x64: {  	_ =	shalt  }
0x65: {  	_ =	shalt  }
0x66: {  	_ =	shalt  }
0x67: {  	_ =	shalt  }
0x68: {  	_ =	shalt  }
0x69: {  	_ =	shalt  }
0x6a: {  	_ =	shalt  }
0x6b: {  	_ =	shalt  }
0x6c: {  	_ =	shalt  }
0x6d: {  	_ =	shalt  }
0x6e: {  	_ =	shalt  }
0x6f: {  	_ =	shalt  }
0x70: {  	_ =	shalt  }
0x71: {  	_ =	shalt  }
0x72: {  	_ =	shalt  }
0x73: {  	_ =	shalt  }
0x74: {  	_ =	shalt  }
0x75: {  	_ =	shalt  }
0x76: {  	_ =	shalt  }
0x77: {  	_ =	shalt  }
0x78: {  	_ =	shalt  }
0x79: {  	_ =	shalt  }
0x7a: {  	_ =	shalt  }
0x7b: {  	_ =	shalt  }
0x7c: {  	_ =	shalt  }
0x7d: {  	_ =	shalt  }
0x7e: {  	_ =	shalt  }
0x7f: {  	_ =	shalt  }
0x80: {  	_ =	shalt  }
0x81: {  	_ =	shalt  }
0x82: {  	_ =	shalt  }
0x83: {  	_ =	shalt  }
0x84: {  	_ =	shalt  }
0x85: {  	_ =	shalt  }
0x86: {  	_ =	shalt  }
0x87: {  	_ =	shalt  }
.Lfunc_end0:
.L_simem_size_0:
called_computation_lowered:
.L_overlay_start_0:
0x88: {  	s2 =	sld [smem:$0x3FD9]  }
0x89: {  	s3 =	sld [smem:$0x3FFE];
	_ =	sdelay $0x1  }
0x8a: {  	s1 =	srdreg.scid  }
0x8b: {  	s0 =	sand.u32 $0x1, s1  }
0x8c: {  	s14 =	sshll.u32 s0, $0xA;
	s2 =	sadd.s32 s3, s2  }
0x8d: {  	s2 =	sadd.s32 s2, s14  }
0x8e: {  	[smem:$0x3FC4] =	sst s2  }
0x8f: {  	_ = 	snop  }
0x90: {  	s2 =	sld [smem:$0x3FD0];
	_ =	sdelay $0x2  }
0x91: {  	s15 =	simm.s32 $0xA;
	s4 =	simm.s32 $0x10  }
0x92: {  	[smem:s4], [sflag:s15] =	dma.local [hbm:s2], $0x1  }
0x93: {  	_ =	swait.eq [sflag:s15], $0x1  }
0x94: {  	[sflag:s15] =	ssyncset.done $0x0  }
0x95: {  	[sflag:s15] =	ssyncadd.s32 $0xFFFFFFFF  }
0x96: {  	s16 =	sld [smem:$0x11];
	(tm) =	ssettm $0x1  }
0x97: {  	s17 =	sld [smem:$0x3FFB];
	_ =	sdelay $0x3  }
0x98: {  	_ =	strace s17  }
0x99: {  	s3 =	sld [smem:$0x3FFC];
	_ =	sdelay $0x3  }
0x9a: {  	_ =	strace s3  }
0x9b: {  	s3 =	sld [smem:$0x3FFD];
	_ =	sdelay $0x3  }
0x9c: {  	_ =	strace s3  }
0x9d: {  	_ =	strace $0x8FFFFFFF  }
0x9e: {  	s18 =	sld [smem:$0x3FDB];
	_ =	sdelay $0x1  }
0x9f: {  	s19 =	simm.s32 $_scs_section_size  }
0xa0: {  	s5 =	simm.s32 $_size__tile_overlayer_lowered;
	s6 =	simm.s32 $_tile_overlayer_lowered  }
0xa1: {  	s22 =	simm.s32 $0x1BFF;
	s21 =	sshll.u32 s6, $0x1;
	s3 =	sadd.s32 s19, s18  }
0xa2: {  	s7 =	simm.s32 $0x0;
	s20 =	sshll.u32 s5, $0x1;
	s5 =	sadd.s32 s21, s3  }
0xa3: {  	[timem:s7], [sflag:s22] =	dma.local [hbm:s5], s20  }
0xa4: {  	_ =	swait.ge [sflag:s22], s20  }
0xa5: {  	s4 =	ssub.s32 $0x0, s20;
	[sflag:s22] =	ssyncset.done $0x0  }
0xa6: {  	[sflag:s22] =	ssyncadd.s32 s4;
	_ =	sdelay $0x1  }
0xa7: {  	s23 =	simm.s32 $0x1B8B  }
0xa8: {  	_ =	swait.ge [sflag:s23], $0x1  }
0xa9: {  	[sflag:s23] =	ssyncset.done $0x0  }
0xaa: {  	s25 =	simm.s32 $0x1B8E;
	s24 =	sld [smem:$0x3FFE];
	[sflag:s23] =	ssyncadd.s32 $0xFFFFFFFF  }
0xab: {  	s26 =	simm.s32 $execute0_lowered;
	[smem:$0x3FD2] =	sst s25  }
0xac: {  	s5 =	sshll.u32 s26, $0x1;
	_ =	strace $0x80000046;
	[dreg:$0x1] =	wrdreg $0xFFFFFFFF  }
0xad: {  	s28 =	simm.s32 $_size_execute0_lowered;
	s3 =	sadd.s32 s3, s5;
	[dreg:$0x0] =	wrdreg $0x0  }
0xae: {  	s5 =	sshll.u32 s28, $0x1;
	[dreg:$0x2] =	wrdreg s3  }
0xaf: {  	[dreg:$0x3] =	wrdreg s5  }
0xb0: {  	[dreg:$0x4] =	wrdreg $0xC0  }
0xb1: {  	_ =	task [dreg:s7], $0x5FFFF  }
0xb2: {  	[dreg:$0x1] =	wrdreg $0xFFFFFFFF  }
0xb3: {  	[dreg:$0x0] =	wrdreg $0x60  }
0xb4: {  	[dreg:$0x2] =	wrdreg s24  }
0xb5: {  	[dreg:$0x3] =	wrdreg s16  }
0xb6: {  	[dreg:$0x4] =	wrdreg $0x9  }
0xb7: {  	_ =	task.clear_ibuf [dreg:s7], $0x5FFFF;
	_ =	strace $0x90000046  }
0xb8: {  	s29 =	simm.s32 $0x9;
	_ =	strace $0x80000048  }
0xb9: {  	_ =	swait.ge [sflag:s29], $0x1  }
0xba: {  	[sflag:s29] =	ssyncadd.s32 $0xFFFFFFFF  }
0xbb: {  	_ =	strace $0x90000048  }
0xbc: {  	_ =	sfence  }
0xbd: {  	s30 =	sld [smem:$0x0];
	_ =	sdelay $0x2  }
0xbe: {  	s31 =	sshll.u32 s1, $0xD;
	s1 =	sshrl.u32 s1, $0x2  }
0xbf: {  	s3 =	sand.u32 $0x4000, s31;
	s1 =	sadd.s32 s1, s30  }
0xc0: {  	s0 =	sor.u32 s3, s0;
	s1 =	sshll.u32 s1, $0x11  }
0xc1: {  	s0 =	sor.u32 s1, s0  }
0xc2: {  	s0 =	sadd.s32 $0x8F2B, s0  }
0xc3: {  	[sflag:s0] =	ssyncadd.remote.s32 $0x1  }
0xc4: {  	_ =	sfence.sel $0xFFFF  }
0xc5: {  	[dreg:$0x0] =	wrdreg $0xFFFFFFFF;
	(pc) =	sbr.abs _section_cstart, $3  }
0xc6: {  	[dreg:$0x1] =	wrdreg $0xFFFFFFFF  }
0xc7: {  	_ =	task.clear_ibuf [dreg:s7], $0x2FFFF;
	_ =	strace $0x9FFFFFFF  }
0xc8: {  	(tm) =	ssettm $0x7FFFFFFF  }
0xc9: {  	_ =	shalt  }
tec
execute0_lowered:
.L_overlay_start_1:
0x0: {  	(tag) =	ssettag $0x1  }
0x1: {  	v0 =	vimm.s32 $0xEFCDAB89  }
0x2: {  	v1 =	vimm.s32 $0x67452301;
	v2 =	vimm.s32 $0xDCFE98BA;
	v3 =	vimm.s32 $0x54761032  }
0x3: {  	v4 =	vimm.s32 $0xBA98FEDC;
	v5 =	vimm.s32 $0x32107654;
	v6 =	vimm.s32 $0xFEDCBA98  }
0x4: {  	v7 =	vimm.s32 $0x76543210;
	vm0 =	vmmov $0x1;
	vm1 =	vcmask $0x324  }
0x5: {  	s5 =	rddreg [dreg:$0x0];
	vm2 =	vcmask $0x724;
	vm3 =	vcmask $0xB24;
	vm4 =	vcmask $0xF24  }
0x6: {  	s8 =	rddreg [dreg:$0x1];
	vm5 =	vcmask $0x1324;
	vm6 =	vcmask $0x1724;
	vm7 =	vcmask $0x1B24  }
0x7: {  	s0 =	rddreg [dreg:$0x2];
	s3 =	srdreg.scid;
	v0 =	vunpack.c.l.s4.s8 v0;
	v1 =	vunpack.c.l.s4.s8 v1;
	v2 =	vunpack.c.l.s4.s8 v2  }
0x8: {  	s1 =	stileid.u32;
	s2 =	simm.s32 $0x0;
	s11 =	simm.s32 $0x2200;
	v3 =	vunpack.c.l.s4.s8 v3;
	v4 =	vunpack.c.l.s4.s8 v4;
	v5 =	vunpack.c.l.s4.s8 v5  }
0x9: {  	s12 =	simm.s32 $0x2000;
	v6 =	vunpack.c.l.s4.s8 v6;
	v7 =	vunpack.c.l.s4.s8 v7;
	s3 =	sand.u32 $0x1, s3;
	s4 =	sshll.u32 s1, $0x1;
	v0 =	vunpack.c.0.s8.s32 v0  }
0xa: {  	s13 =	simm.s32 $0x0;
	[smem:$0x7FF] =	sst s2;
	s9 =	sor.u32 s3, s4;
	v1 =	vunpack.c.0.s8.s32 v1;
	v2 =	vunpack.c.0.s8.s32 v2;
	v3 =	vunpack.c.0.s8.s32 v3  }
0xb: {  	_ =	strace $0x80000047;
	s6 =	ssub.s32 $0x2, s3;
	s3 =	sadd.s32 $0x1800, s5;
	v4 =	vunpack.c.0.s8.s32 v4;
	v5 =	vunpack.c.0.s8.s32 v5;
	v6 =	vunpack.c.0.s8.s32 v6  }
0xc: {  	vm8 =	vcmask $0x1F24;
	v7 =	vunpack.c.0.s8.s32 v7;
	s4 =	sshll.u32 s9, $0x2;
	s10 =	sshrl.u32 s6, $0x1;
	s9 =	sshll.u32 s9, $0x6;
	v0 =	vcombine.low v1, v0  }
0xd: {  	s7 =	sadd.s32 s4, s5;
	s4 =	sadd.s32 $0x1600, s5;
	s5 =	sadd.s32 $0x1400, s5;
	v1 =	vcombine.low v3, v2;
	v2 =	vcombine.low v5, v4;
	v4 =	vand.u32 $0xF, v6  }
0xe: {  	v8 =	vimm.f32 $0.0e+00;
	s10 =	ssub.s32 s6, s10;
	s8 =	sadd.s32 s8, s9;
	v3 =	vimm.s32 $0x0;
	s6 =	sadd.s32 $0x1200, s7;
	v4 =	vcombine.low v4, v7  }
0xf: {  	s7 =	sadd.s32 $0x1000, s7;
	s9 =	smax.u32 s10, $0x1;
	s10 =	simm.s32 $0x1;
	v5 =	vand.u32 $0xF, v0;
	v6 =	vand.u32 $0xF, v1;
	v7 =	vand.u32 $0xF, v2  }
.LBB2_1:
0x10: {  	[tilespmem:s2], [sflag:$0x1] =	stream.linear.gather [hbm4b:s3+s2], $0x800, $0x38;
	[tilespmem:$0x2280] =	vst v63  }
0x11: {  	_ =	swait.ge [sflag:s10], $0x800  }
0x12: {  	[sflag:s10] =	ssyncset.done $0x0  }
0x13: {  	s14 =	simm.s32 $0x800;
	[sflag:s10] =	ssyncadd.s32 $0xFFFFF800  }
0x14: {  	[tilespmem:s14], [sflag:$0x1] =	stream.linear.gather [hbm4b:s4+s2], $0x800, $0x38;
	[tilespmem:$0x2280] =	vst v63  }
0x15: {  	_ =	swait.ge [sflag:s10], $0x800  }
0x16: {  	[sflag:s10] =	ssyncset.done $0x0  }
0x17: {  	s15 =	simm.s32 $0x1800;
	[sflag:s10] =	ssyncadd.s32 $0xFFFFF800  }
0x18: {  	[tilespmem:s15], [sflag:$0x1] =	stream.linear.gather [hbm4b:s5+s2], $0x800, $0x38;
	[tilespmem:$0x2280] =	vst v63  }
0x19: {  	_ =	swait.ge [sflag:s10], $0x800  }
0x1a: {  	[sflag:s10] =	ssyncset.done $0x0  }
0x1b: {  	[sflag:s10] =	ssyncadd.s32 $0xFFFFF800  }
0x1c: {  	[tilespmem:s11], [sflag:$0x1] =	stream.linear.gather [hbm4b:s6+s2], $0x20, $0x38;
	[tilespmem:$0x2280] =	vst v63  }
0x1d: {  	_ =	swait.ge [sflag:s10], $0x20  }
0x1e: {  	[sflag:s10] =	ssyncset.done $0x0  }
0x1f: {  	[sflag:s10] =	ssyncadd.s32 $0xFFFFFFE0  }
0x20: {  	v9 =	vld [tilespmem:$0x2200];
	_ =	sdelay $0x4  }
0x21: {  	(v2sf) =	vpush v9, $0x0  }
0x22: {  	(v2sf) =	vpush v9, $0x1  }
0x23: {  	(v2sf) =	vpush v9, $0x2  }
0x24: {  	(v2sf) =	vpush v9, $0x3  }
0x25: {  	(v2sf) =	vpush v9, $0x4  }
0x26: {  	(v2sf) =	vpush v9, $0x5  }
0x27: {  	(v2sf) =	vpush v9, $0x6  }
0x28: {  	(v2sf) =	vpush v9, $0x7  }
0x29: {  	(v2sf) =	vpush v9, $0x8  }
0x2a: {  	(v2sf) =	vpush v9, $0x9  }
0x2b: {  	(v2sf) =	vpush v9, $0xA  }
0x2c: {  	v10 =	vld [tilespmem:$0x2210];
	(v2sf) =	vpush v9, $0xB  }
0x2d: {  	(v2sf) =	vpush v9, $0xC  }
0x2e: {  	(v2sf) =	vpush v9, $0xD  }
0x2f: {  	[tilespmem:s11], [sflag:$0x1] =	stream.linear.gather [hbm4b:s7+s2], $0x20, $0x38;
	(v2sf) =	vpush v9, $0xE;
	[tilespmem:$0x2280] =	vst v63  }
0x30: {  	s16 =	spop (v2sf);
	(v2sf) =	vpush v9, $0xF  }
0x31: {  	[smem:$0x0] =	sst s16;
	s24 =	spop (v2sf);
	(v2sf) =	vpush v10, $0x0  }
0x32: {  	[smem:$0x1] =	sst s24;
	s25 =	spop (v2sf);
	(v2sf) =	vpush v10, $0x1  }
0x33: {  	[smem:$0x2] =	sst s25;
	s26 =	spop (v2sf);
	(v2sf) =	vpush v10, $0x2  }
0x34: {  	[smem:$0x3] =	sst s26;
	s28 =	spop (v2sf);
	(v2sf) =	vpush v10, $0x3  }
0x35: {  	[smem:$0x4] =	sst s28;
	s29 =	spop (v2sf);
	(v2sf) =	vpush v10, $0x4  }
0x36: {  	[smem:$0x5] =	sst s29;
	s30 =	spop (v2sf);
	(v2sf) =	vpush v10, $0x5  }
0x37: {  	[smem:$0x6] =	sst s30;
	s31 =	spop (v2sf);
	(v2sf) =	vpush v10, $0x6  }
0x38: {  	[smem:$0x7] =	sst s31;
	s17 =	spop (v2sf);
	(v2sf) =	vpush v10, $0x7  }
0x39: {  	[smem:$0x8] =	sst s17;
	s18 =	spop (v2sf);
	(v2sf) =	vpush v10, $0x8  }
0x3a: {  	[smem:$0x9] =	sst s18;
	s19 =	spop (v2sf);
	(v2sf) =	vpush v10, $0x9  }
0x3b: {  	[smem:$0xA] =	sst s19;
	s20 =	spop (v2sf);
	(v2sf) =	vpush v10, $0xA  }
0x3c: {  	[smem:$0xB] =	sst s20;
	s21 =	spop (v2sf);
	(v2sf) =	vpush v10, $0xB  }
0x3d: {  	[smem:$0xC] =	sst s21;
	s22 =	spop (v2sf);
	(v2sf) =	vpush v10, $0xC  }
0x3e: {  	[smem:$0xD] =	sst s22;
	s23 =	spop (v2sf);
	(v2sf) =	vpush v10, $0xD  }
0x3f: {  	[smem:$0xE] =	sst s23;
	s24 =	spop (v2sf);
	(v2sf) =	vpush v10, $0xE  }
0x40: {  	[smem:$0xF] =	sst s24;
	s25 =	spop (v2sf);
	(v2sf) =	vpush v10, $0xF  }
0x41: {  	[smem:$0x10] =	sst s25;
	s26 =	spop (v2sf)  }
0x42: {  	[smem:$0x11] =	sst s26;
	s28 =	spop (v2sf)  }
0x43: {  	[smem:$0x12] =	sst s28;
	s29 =	spop (v2sf)  }
0x44: {  	[smem:$0x13] =	sst s29;
	s30 =	spop (v2sf)  }
0x45: {  	[smem:$0x14] =	sst s30;
	s31 =	spop (v2sf)  }
0x46: {  	[smem:$0x15] =	sst s31;
	s17 =	spop (v2sf)  }
0x47: {  	[smem:$0x16] =	sst s17;
	s18 =	spop (v2sf)  }
0x48: {  	[smem:$0x17] =	sst s18;
	s19 =	spop (v2sf)  }
0x49: {  	[smem:$0x18] =	sst s19;
	s20 =	spop (v2sf)  }
0x4a: {  	[smem:$0x19] =	sst s20;
	s21 =	spop (v2sf)  }
0x4b: {  	[smem:$0x1A] =	sst s21;
	s22 =	spop (v2sf)  }
0x4c: {  	[smem:$0x1B] =	sst s22;
	s23 =	spop (v2sf)  }
0x4d: {  	[smem:$0x1C] =	sst s23;
	s24 =	spop (v2sf)  }
0x4e: {  	[smem:$0x1D] =	sst s24;
	s25 =	spop (v2sf)  }
0x4f: {  	[smem:$0x1E] =	sst s25;
	s26 =	spop (v2sf)  }
0x50: {  	[smem:$0x1F] =	sst s26  }
0x51: {  	_ =	swait.ge [sflag:s10], $0x20  }
0x52: {  	[sflag:s10] =	ssyncset.done $0x0  }
0x53: {  	[sflag:s10] =	ssyncadd.s32 $0xFFFFFFE0  }
0x54: {  	v9 =	vld [tilespmem:$0x2200];
	_ =	sdelay $0x4  }
0x55: {  	(v2sf) =	vpush v9, $0x0  }
0x56: {  	(v2sf) =	vpush v9, $0x1  }
0x57: {  	(v2sf) =	vpush v9, $0x2  }
0x58: {  	(v2sf) =	vpush v9, $0x3  }
0x59: {  	(v2sf) =	vpush v9, $0x4  }
0x5a: {  	(v2sf) =	vpush v9, $0x5  }
0x5b: {  	(v2sf) =	vpush v9, $0x6  }
0x5c: {  	(v2sf) =	vpush v9, $0x7  }
0x5d: {  	(v2sf) =	vpush v9, $0x8  }
0x5e: {  	(v2sf) =	vpush v9, $0x9  }
0x5f: {  	(v2sf) =	vpush v9, $0xA  }
0x60: {  	v10 =	vld [tilespmem:$0x2210];
	(v2sf) =	vpush v9, $0xB  }
0x61: {  	(v2sf) =	vpush v9, $0xC  }
0x62: {  	(v2sf) =	vpush v9, $0xD  }
0x63: {  	(v2sf) =	vpush v9, $0xE  }
0x64: {  	s28 =	spop (v2sf);
	(v2sf) =	vpush v9, $0xF  }
0x65: {  	[smem:$0x80] =	sst s28;
	s29 =	spop (v2sf);
	(v2sf) =	vpush v10, $0x0  }
0x66: {  	[smem:$0x81] =	sst s29;
	s30 =	spop (v2sf);
	(v2sf) =	vpush v10, $0x1  }
0x67: {  	[smem:$0x82] =	sst s30;
	s31 =	spop (v2sf);
	(v2sf) =	vpush v10, $0x2  }
0x68: {  	[smem:$0x83] =	sst s31;
	s17 =	spop (v2sf);
	(v2sf) =	vpush v10, $0x3  }
0x69: {  	[smem:$0x84] =	sst s17;
	s18 =	spop (v2sf);
	(v2sf) =	vpush v10, $0x4  }
0x6a: {  	[smem:$0x85] =	sst s18;
	s19 =	spop (v2sf);
	(v2sf) =	vpush v10, $0x5  }
0x6b: {  	[smem:$0x86] =	sst s19;
	s20 =	spop (v2sf);
	(v2sf) =	vpush v10, $0x6  }
0x6c: {  	[smem:$0x87] =	sst s20;
	s21 =	spop (v2sf);
	(v2sf) =	vpush v10, $0x7  }
0x6d: {  	[smem:$0x88] =	sst s21;
	s22 =	spop (v2sf);
	(v2sf) =	vpush v10, $0x8  }
0x6e: {  	[smem:$0x89] =	sst s22;
	s23 =	spop (v2sf);
	(v2sf) =	vpush v10, $0x9  }
0x6f: {  	[smem:$0x8A] =	sst s23;
	s24 =	spop (v2sf);
	(v2sf) =	vpush v10, $0xA  }
0x70: {  	[smem:$0x8B] =	sst s24;
	s25 =	spop (v2sf);
	(v2sf) =	vpush v10, $0xB  }
0x71: {  	[smem:$0x8C] =	sst s25;
	s26 =	spop (v2sf);
	(v2sf) =	vpush v10, $0xC  }
0x72: {  	[smem:$0x8D] =	sst s26;
	s28 =	spop (v2sf);
	(v2sf) =	vpush v10, $0xD  }
0x73: {  	[smem:$0x8E] =	sst s28;
	s29 =	spop (v2sf);
	(v2sf) =	vpush v10, $0xE  }
0x74: {  	[smem:$0x8F] =	sst s29;
	s30 =	spop (v2sf);
	(v2sf) =	vpush v10, $0xF  }
0x75: {  	s17 =	spop (v2sf);
	[smem:$0x90] =	sst s30  }
0x76: {  	s31 =	spop (v2sf);
	[smem:$0x91] =	sst s17  }
0x77: {  	s18 =	spop (v2sf);
	[smem:$0x92] =	sst s31  }
0x78: {  	s19 =	spop (v2sf);
	[smem:$0x93] =	sst s18  }
0x79: {  	v9 =	vld [tilespmem:s15+$0x0];
	s20 =	spop (v2sf);
	[smem:$0x94] =	sst s19  }
0x7a: {  	v11 =	vld [tilespmem:s2+$0x0];
	s21 =	spop (v2sf);
	[smem:$0x95] =	sst s20  }
0x7b: {  	v10 =	vld [tilespmem:s14+$0x0];
	s22 =	spop (v2sf);
	[smem:$0x96] =	sst s21  }
0x7c: {  	s23 =	spop (v2sf);
	[smem:$0x97] =	sst s22  }
0x7d: {  	s24 =	spop (v2sf);
	[smem:$0x98] =	sst s23  }
0x7e: {  	v9 =	vand.u32 $0x7FFFFFFF, v9;
	s25 =	spop (v2sf);
	[smem:$0x99] =	sst s24  }
0x7f: {  	vm9 =	vgt.f32 v9, $1.000000010e-01;
	s26 =	spop (v2sf);
	[smem:$0x9A] =	sst s25  }
0x80: {  	v9 =	vnsel vm9, $0x46EA6000, v11;
	v10 =	vnsel vm9, $0x46EA6000, v10;
	s28 =	spop (v2sf);
	[smem:$0x9B] =	sst s26  }
0x81: {  	v11 =	vmul.f32 v9, v9;
	v12 =	vmul.f32 v10, v10;
	s29 =	spop (v2sf);
	[smem:$0x9C] =	sst s28  }
0x82: {  	s16 =	simm.s32 $0x0;
	[tilespmem:s2+$0x0] =	vst v9;
	s30 =	spop (v2sf);
	[smem:$0x9D] =	sst s29  }
0x83: {  	s15 =	simm.s32 $0x1000;
	v9 =	vsel vm9, $0x1, v3;
	[tilespmem:s14+$0x0] =	vst v10;
	v10 =	vadd.f32 v12, v11;
	[smem:$0x9E] =	sst s30;
	s31 =	spop (v2sf)  }
0x84: {  	v9 =	vadd.s32 v9, v3;
	s17 =	simm.s32 $0x10;
	s18 =	simm.s32 $0x1810;
	[smem:$0x9F] =	sst s31  }
.LBB2_2:
0x85: {  	s16 =	sadd.s32 $0x10, s16;
	[tilespmem:s15+$0x0] =	vst v10;
	s15 =	sadd.s32 $0x10, s15;
	s14 =	sadd.s32 $0x10, s14  }
0x86: {  	v10 =	vld [tilespmem:s18+$0x0];
	p0 =	slt.u32 s16, $0x7F0  }
0x87: {  	v11 =	vld [tilespmem:s14+$0x0]  }
0x88: {  	v12 =	vld [tilespmem:s17+$0x0];
	_ =	sdelay $0x2  }
0x89: {  	v10 =	vand.u32 $0x7FFFFFFF, v10  }
0x8a: {  	vm9 =	vgt.f32 v10, $1.000000010e-01  }
.Ltmp0:
0x8b: {  	v10 =	vnsel vm9, $0x46EA6000, v12;
	v11 =	vnsel vm9, $0x46EA6000, v11;
	v12 =	vsel vm9, $0x1, v3;
	(pc) =	sbr.rel @p0 .LBB2_2-.Ltmp0, $4  }
0x8c: {  	[tilespmem:s17+$0x0] =	vst v10;
	v10 =	vmul.f32 v10, v10;
	v13 =	vmul.f32 v11, v11;
	v9 =	vadd.s32 v12, v9  }
0x8d: {  	[tilespmem:s14+$0x0] =	vst v11  }
0x8e: {  	v10 =	vadd.f32 v13, v10  }
0x8f: {  	s18 =	sadd.s32 $0x10, s18;
	s17 =	sadd.s32 $0x10, s17  }
0x90: {  	v11 =	vperm.xlane v9, v0;
	_ =	sdelay $0x1  }
0x91: {  	v9 =	vadd.s32 v9, v11  }
0x92: {  	v11 =	vperm.xlane v9, v1;
	_ =	sdelay $0x1  }
0x93: {  	v9 =	vadd.s32 v11, v9  }
0x94: {  	v11 =	vperm.xlane v9, v2;
	_ =	sdelay $0x1  }
0x95: {  	v9 =	vadd.s32 v11, v9  }
0x96: {  	[tilespmem:s15+$0x0] =	vst v10;
	s14 =	simm.s32 $0x0;
	s15 =	simm.s32 $0x0;
	v10 =	vperm.xlane v9, v4  }
.LBB2_4:
0x97: {  	s16 =	sld [smem:s15+$0x0];
	_ =	sdelay $0x2  }
0x98: {  	p0 =	slt.s32 s16, $0x0;
	s17 =	sadd.s32 $0x201, s16;
	s18 =	smov.u32 s16  }
0x99: {  	s22 =	sld [smem:s15+$0x80];
	s30 =	simm.s32 $0x800;
	s18 =	smov.u32 @p0 s17  }
0x9a: {  	s20 =	sadd.s32 $0xFFFFFFFF, s16;
	p0 =	sgt.s32 s18, $0x200;
	s17 =	sadd.s32 $0xFFFFFDFF, s18  }
0x9b: {  	s18 =	smov.u32 @p0 s17;
	p0 =	slt.s32 s20, $0x0;
	s17 =	sadd.s32 $0x200, s16  }
0x9c: {  	s31 =	simm.s32 $0x1000;
	s21 =	sadd.s32 $0x1, s16;
	s20 =	smov.u32 @p0 s17  }
0x9d: {  	s19 =	scvt.s32.f32 s18;
	p0 =	sgt.s32 s20, $0x200;
	s17 =	sadd.s32 $0xFFFFFDFF, s20  }
0x9e: {  	s16 =	sadd.s32 $0x202, s16;
	s20 =	smov.u32 @p0 s17;
	p0 =	slt.s32 s21, $0x0  }
0x9f: {  	s29 =	smul.f32 $-2.000000000e+00, s19;
	s21 =	smov.u32 @p0 s16;
	s17 =	scvt.s32.f32 s20  }
0xa0: {  	s20 =	smov.u32 s22;
	p0 =	sgt.s32 s21, $0x200;
	s16 =	sadd.s32 $0xFFFFFDFF, s21  }
0xa1: {  	s21 =	smov.u32 @p0 s16;
	p0 =	slt.s32 s22, $0x0;
	s16 =	sadd.s32 $0x201, s22  }
0xa2: {  	s23 =	sadd.s32 $0x1, s22;
	s25 =	smul.f32 $-2.000000000e+00, s17;
	s20 =	smov.u32 @p0 s16  }
0xa3: {  	s18 =	scvt.s32.f32 s21;
	p0 =	sgt.s32 s20, $0x200;
	s16 =	sadd.s32 $0xFFFFFDFF, s20  }
0xa4: {  	s20 =	smov.u32 @p0 s16;
	p0 =	slt.s32 s23, $0x0;
	s16 =	sadd.s32 $0x202, s22  }
0xa5: {  	v16 =	vld [tilespmem:s14+$0x0];
	s24 =	sadd.s32 $0xFFFFFFFF, s22;
	s26 =	smul.f32 $-2.000000000e+00, s18;
	s23 =	smov.u32 @p0 s16  }
0xa6: {  	v17 =	vld [tilespmem:s30+$0x0];
	s21 =	scvt.s32.f32 s20;
	p0 =	sgt.s32 s23, $0x200;
	s16 =	sadd.s32 $0xFFFFFDFF, s23  }
0xa7: {  	v18 =	vld [tilespmem:s31+$0x0];
	s23 =	smov.u32 @p0 s16;
	p0 =	slt.s32 s24, $0x0;
	s16 =	sadd.s32 $0x200, s22  }
0xa8: {  	s28 =	smul.f32 $-2.000000000e+00, s21;
	s24 =	smov.u32 @p0 s16  }
0xa9: {  	v11 =	vmov s29;
	s20 =	scvt.s32.f32 s23;
	p0 =	sgt.s32 s24, $0x200;
	s23 =	sadd.s32 $0xFFFFFDFF, s24  }
0xaa: {  	v19 =	vmul.f32 v16, v11;
	v12 =	vmov s25;
	v13 =	vmov s26;
	s22 =	simm.s32 $0x810;
	s24 =	smov.u32 @p0 s23  }
0xab: {  	v21 =	vmul.f32 v16, v12;
	v20 =	vmul.f32 v16, v13;
	v29 =	vld [tilespmem:s22+$0x0];
	v14 =	vmov s28;
	s29 =	smul.f32 $-2.000000000e+00, s20;
	s16 =	scvt.s32.f32 s24  }
0xac: {  	v19 =	vadd.f32 v18, v19;
	v22 =	vmul.f32 v17, v14  }
0xad: {  	s31 =	simm.s32 $0x10;
	v20 =	vadd.f32 v18, v20;
	v18 =	vadd.f32 v18, v21;
	v15 =	vmov s29;
	s30 =	smul.f32 $-2.000000000e+00, s16  }
0xae: {  	v23 =	vimm.f32 $3.000000010e+38;
	v26 =	vld [tilespmem:s31+$0x0];
	v24 =	vadd.f32 v19, v22;
	v21 =	vmul.f32 v17, v15  }
0xaf: {  	s23 =	simm.s32 $0x1010;
	v27 =	vadd.f32 v18, v22;
	v22 =	vadd.f32 v20, v22;
	v16 =	vmov s30  }
0xb0: {  	v32 =	vld [tilespmem:s23+$0x0];
	v33 =	vmul.f32 v29, v14;
	v31 =	vadd.f32 v18, v21;
	v25 =	vmul.f32 v17, v16  }
0xb1: {  	v24 =	vmin.f32 v23, v24;
	v28 =	vadd.f32 v19, v21;
	v34 =	vadd.f32 v20, v21  }
0xb2: {  	v21 =	vmin.f32 v23, v31;
	v17 =	vadd.f32 v20, v25;
	v30 =	vadd.f32 v19, v25  }
0xb3: {  	v19 =	vmin.f32 v23, v27;
	v20 =	vmin.f32 v23, v22;
	v22 =	vmul.f32 v26, v11  }
0xb4: {  	v27 =	vadd.f32 v18, v25;
	v25 =	vmul.f32 v26, v13;
	v26 =	vmul.f32 v26, v12  }
0xb5: {  	v18 =	vmin.f32 v23, v28;
	v17 =	vmin.f32 v23, v17;
	v28 =	vadd.f32 v32, v22  }
0xb6: {  	v31 =	vadd.f32 v32, v25;
	v25 =	vmul.f32 v29, v16;
	v26 =	vadd.f32 v32, v26  }
0xb7: {  	s25 =	simm.s32 $0x20;
	s24 =	simm.s32 $0x10;
	v32 =	vmul.f32 v29, v15;
	v22 =	vmin.f32 v23, v34;
	v29 =	vimm.f32 $3.000000010e+38  }
.LBB2_5:
0xb8: {  	v34 =	vld [tilespmem:s25+$0x0];
	s24 =	sadd.s32 $0x10, s24;
	v35 =	vadd.f32 v28, v33;
	v36 =	vadd.f32 v31, v25;
	s22 =	sadd.s32 $0x10, s22;
	v23 =	vmin.f32 v23, v30  }
0xb9: {  	s23 =	sadd.s32 $0x10, s23;
	v29 =	vmin.f32 v29, v27;
	v37 =	vld [tilespmem:s22+$0x0];
	p0 =	slt.u32 s24, $0x7F0;
	v38 =	vadd.f32 v26, v33;
	v33 =	vadd.f32 v31, v33  }
0xba: {  	v40 =	vadd.f32 v28, v32;
	v41 =	vadd.f32 v26, v32;
	v39 =	vld [tilespmem:s23+$0x0];
	v17 =	vmin.f32 v17, v36  }
0xbb: {  	v30 =	vadd.f32 v28, v25;
	v24 =	vmin.f32 v24, v35;
	v35 =	vadd.f32 v31, v32  }
.Ltmp1:
0xbc: {  	v27 =	vadd.f32 v26, v25;
	v19 =	vmin.f32 v19, v38;
	v20 =	vmin.f32 v20, v33;
	(pc) =	sbr.rel @p0 .LBB2_5-.Ltmp1, $4  }
0xbd: {  	v18 =	vmin.f32 v18, v40;
	v25 =	vmul.f32 v34, v11;
	v26 =	vmul.f32 v34, v13  }
0xbe: {  	v21 =	vmin.f32 v21, v41;
	v32 =	vmul.f32 v34, v12;
	v33 =	vmul.f32 v37, v14  }
0xbf: {  	v28 =	vadd.f32 v39, v25;
	v31 =	vadd.f32 v39, v26;
	v25 =	vmul.f32 v37, v16  }
0xc0: {  	s25 =	sadd.s32 $0x10, s25;
	v22 =	vmin.f32 v22, v35;
	v26 =	vadd.f32 v39, v32;
	v32 =	vmul.f32 v37, v15  }
0xc1: {  	v11 =	vadd.f32 v28, v33;
	v12 =	vadd.f32 v31, v25  }
0xc2: {  	v15 =	vadd.f32 v31, v33;
	v14 =	vadd.f32 v26, v33  }
0xc3: {  	v13 =	vmin.f32 v23, v30;
	v61 =	vadd.f32 v28, v32;
	v62 =	vadd.f32 v26, v32  }
0xc4: {  	v16 =	vmin.f32 v29, v27;
	v32 =	vadd.f32 v31, v32;
	v33 =	vadd.f32 v28, v25  }
0xc5: {  	v34 =	vadd.f32 v26, v25;
	v11 =	vmin.f32 v24, v11;
	v12 =	vmin.f32 v17, v12  }
0xc6: {  	v15 =	vmin.f32 v20, v15;
	v63 =	vperm.xlane v11, v5;
	v14 =	vmin.f32 v19, v14  }
0xc7: {  	v18 =	vmin.f32 v18, v61;
	v21 =	vmin.f32 v21, v62;
	v37 =	vperm.xlane v15, v5  }
0xc8: {  	v17 =	vmin.f32 v22, v32;
	v53 =	vperm.xlane v12, v5;
	v36 =	vperm.xlane v14, v5  }
0xc9: {  	v13 =	vmin.f32 v13, v33;
	v38 =	vperm.xlane v18, v5;
	v44 =	vperm.xlane v21, v5  }
0xca: {  	v16 =	vmin.f32 v16, v34;
	v49 =	vperm.xlane v17, v5;
	v50 =	vperm.xlane v13, v5  }
0xcb: {  	v51 =	vperm.xlane v16, v5;
	v11 =	vmin.f32 v11, v63;
	v15 =	vmin.f32 v15, v37  }
0xcc: {  	v12 =	vmin.f32 v12, v53;
	v35 =	vperm.xlane v11, v6;
	v14 =	vmin.f32 v14, v36  }
0xcd: {  	v40 =	vperm.xlane v15, v6;
	v18 =	vmin.f32 v18, v38;
	v21 =	vmin.f32 v21, v44  }
0xce: {  	v17 =	vmin.f32 v17, v49;
	v13 =	vmin.f32 v13, v50;
	v57 =	vperm.xlane v12, v6  }
0xcf: {  	v16 =	vmin.f32 v16, v51;
	v25 =	vperm.xlane v14, v6;
	v20 =	vperm.xlane v18, v6  }
0xd0: {  	v52 =	vperm.xlane v17, v6;
	v55 =	vperm.xlane v13, v6;
	v11 =	vmin.f32 v11, v35  }
0xd1: {  	v15 =	vmin.f32 v15, v40;
	v12 =	vmin.f32 v12, v57;
	v39 =	vperm.xlane v11, v7  }
0xd2: {  	v14 =	vmin.f32 v14, v25;
	v22 =	vperm.xlane v15, v7;
	v18 =	vmin.f32 v18, v20  }
0xd3: {  	s19 =	smul.f32 s19, s19;
	v17 =	vmin.f32 v17, v52;
	v19 =	vperm.xlane v12, v7;
	v42 =	vperm.xlane v14, v7  }
0xd4: {  	s22 =	smul.f32 s21, s21;
	v20 =	vperm.xlane v18, v7;
	v56 =	vperm.xlane v17, v7;
	v11 =	vmin.f32 v11, v39  }
0xd5: {  	s17 =	smul.f32 s17, s17;
	v15 =	vmin.f32 v15, v22;
	v22 =	vperm.xlane v21, v6;
	v41 =	vperm.xlane v11, v4  }
0xd6: {  	s24 =	smul.f32 s18, s18;
	s23 =	sadd.f32 s22, s19;
	v14 =	vmin.f32 v14, v42;
	v45 =	vperm.xlane v15, v4;
	v18 =	vmin.f32 v18, v20  }
0xd7: {  	s20 =	smul.f32 s20, s20;
	s25 =	sadd.f32 s22, s17;
	v13 =	vmin.f32 v13, v55;
	v43 =	vperm.xlane v14, v4;
	v20 =	vperm.xlane v18, v4  }
0xd8: {  	s22 =	sadd.f32 s22, s24;
	v47 =	vmin.f32 v21, v22;
	v11 =	vmin.f32 v11, v41;
	v15 =	vmin.f32 v15, v45  }
0xd9: {  	s26 =	sadd.f32 s20, s19;
	v48 =	vperm.xlane v47, v7;
	v11 =	vadd.f32 s23, v11;
	v14 =	vmin.f32 v14, v43  }
0xda: {  	v15 =	vadd.f32 s22, v15;
	v18 =	vmin.f32 v18, v20;
	v14 =	vadd.f32 s25, v14  }
0xdb: {  	v46 =	vadd.f32 s26, v18;
	v18 =	vperm.xlane v16, v6;
	v11 =	vnsel vm0, $0x0, v11  }
0xdc: {  	v58 =	vperm.xlane v13, v7;
	v12 =	vmin.f32 v12, v19;
	v11 =	vsel vm1, v11, v14  }
0xdd: {  	v16 =	vmin.f32 v16, v18;
	v11 =	vsel vm2, v11, v15;
	v15 =	vmin.f32 v47, v48  }
0xde: {  	v14 =	vmin.f32 v17, v56;
	v59 =	vperm.xlane v16, v7;
	v54 =	vperm.xlane v15, v4  }
0xdf: {  	s16 =	smul.f32 s16, s16;
	s28 =	sadd.f32 s20, s17;
	v13 =	vmin.f32 v13, v58;
	v61 =	vperm.xlane v12, v4;
	v60 =	vperm.xlane v14, v4  }
0xe0: {  	s29 =	sadd.f32 s20, s24;
	v20 =	vperm.xlane v13, v4;
	v16 =	vmin.f32 v16, v59;
	v15 =	vmin.f32 v15, v54  }
0xe1: {  	s19 =	sadd.f32 s16, s19;
	v14 =	vmin.f32 v14, v60;
	v17 =	vperm.xlane v16, v4;
	v15 =	vadd.f32 s28, v15  }
0xe2: {  	s31 =	sshll.u32 s15, $0x4;
	s15 =	sadd.s32 $0x1, s15;
	s30 =	sadd.f32 s16, s17;
	v13 =	vmin.f32 v13, v20;
	v11 =	vsel vm3, v11, v46;
	v14 =	vadd.f32 s29, v14  }
0xe3: {  	p0 =	sne.s32 s15, $0x20;
	s16 =	sadd.f32 s16, s24;
	v13 =	vadd.f32 s19, v13;
	v62 =	vmin.f32 v16, v17;
	v11 =	vsel vm4, v11, v15  }
.Ltmp2:
0xe4: {  	v12 =	vmin.f32 v12, v61;
	v63 =	vadd.f32 s30, v62;
	v11 =	vsel vm5, v11, v14;
	(pc) =	sbr.rel @p0 .LBB2_4-.Ltmp2, $4  }
0xe5: {  	v12 =	vadd.f32 s16, v12;
	v11 =	vsel vm6, v11, v13  }
0xe6: {  	v11 =	vsel vm7, v11, v63  }
0xe7: {  	s16 =	sand.u32 $0x3FFFFFF0, s31;
	v11 =	vsel vm8, v11, v12  }
0xe8: {  	[tilespmem:s16+$0x2000] =	vst v11  }
0xe9: {  	s14 =	simm.s32 $0x2000  }
0xea: {  	v17 =	vld [tilespmem:s14+$0x0];
	_ =	sdelay $0x4  }
0xeb: {  	v11 =	vshrl.u32 v17, $0x1  }
0xec: {  	s17 =	simm.s32 $0x2010;
	v13 =	vadd.s32 $0x1FBD1DF5, v11  }
0xed: {  	v20 =	vld [tilespmem:s17+$0x0];
	(erf) = vrcp.f32 v13;
	_ =	sdelay $0x4  }
0xee: {  	v11 =	vshrl.u32 v20, $0x1  }
0xef: {  	v14 =	vadd.s32 $0x1FBD1DF5, v11  }
0xf0: {  	(erf) = vrcp.f32 v14  }
0xf1: {  	s15 =	simm.s32 $0x2020  }
0xf2: {  	v11 =	vld [tilespmem:s15+$0x0];
	v12 =	vpop (erf)  }
0xf3: {  	v15 =	vmul.f32 v12, v17;
	_ =	sdelay $0x1  }
0xf4: {  	v13 =	vadd.f32 v13, v15;
	_ =	sdelay $0x1  }
0xf5: {  	s16 =	simm.s32 $0x2030;
	v16 =	vshrl.u32 v11, $0x1  }
0xf6: {  	v18 =	vadd.s32 $0x1FBD1DF5, v16;
	v12 =	vld [tilespmem:s16+$0x0]  }
0xf7: {  	s18 =	simm.s32 $0x2040;
	(erf) = vrcp.f32 v18;
	v19 =	vmul.f32 $5.000000000e-01, v13;
	v13 =	vpop (erf)  }
0xf8: {  	v16 =	vmul.f32 v13, v20;
	v13 =	vld [tilespmem:s18+$0x0];
	_ =	sdelay $0x1  }
0xf9: {  	(erf) = vrcp.f32 v19  }
0xfa: {  	v15 =	vshrl.u32 v12, $0x1  }
0xfb: {  	v21 =	vadd.s32 $0x1FBD1DF5, v15;
	v14 =	vadd.f32 v14, v16  }
0xfc: {  	(erf) = vrcp.f32 v21;
	v15 =	vshrl.u32 v13, $0x1  }
0xfd: {  	v14 =	vmul.f32 $5.000000000e-01, v14;
	_ =	sdelay $0x1  }
0xfe: {  	(erf) = vrcp.f32 v14;
	v16 =	vadd.s32 $0x1FBD1DF5, v15;
	v15 =	vpop (erf)  }
0xff: {  	s19 =	simm.s32 $0x2050;
	v22 =	vmul.f32 v15, v11  }
0x100: {  	(erf) = vrcp.f32 v16;
	v15 =	vld [tilespmem:s19+$0x0]  }
0x101: {  	v23 =	vpop (erf);
	v18 =	vadd.f32 v18, v22  }
0x102: {  	v17 =	vmul.f32 v23, v17  }
0x103: {  	v9 =	vadd.s32 v10, v9;
	v10 =	vmul.f32 $5.000000000e-01, v18  }
0x104: {  	vm9 =	vgt.s32 v9, $0x1;
	v17 =	vadd.f32 v17, v19;
	v22 =	vpop (erf)  }
0x105: {  	s21 =	simm.s32 $0x2060;
	v22 =	vmul.f32 v22, v12;
	v9 =	vshrl.u32 v15, $0x1;
	(erf) = vrcp.f32 v10  }
0x106: {  	v23 =	vmul.f32 $5.000000000e-01, v17;
	v17 =	vld [tilespmem:s21+$0x0];
	v18 =	vadd.s32 $0x1FBD1DF5, v9  }
0x107: {  	v19 =	vadd.f32 v21, v22;
	(erf) = vrcp.f32 v18;
	v21 =	vpop (erf)  }
0x108: {  	v9 =	vsel vm9, $0x3C23D70A, v8;
	v21 =	vmul.f32 v21, v20  }
0x109: {  	s22 =	simm.s32 $0x60;
	s20 =	simm.s32 $0x2060;
	v20 =	vmul.f32 v23, v9;
	v19 =	vmul.f32 $5.000000000e-01, v19;
	v22 =	vpop (erf)  }
.LBB2_8:
0x10a: {  	s22 =	sadd.s32 $0x10, s22  }
0x10b: {  	v23 =	vshrl.u32 v17, $0x1;
	s21 =	sadd.s32 $0x10, s21;
	v22 =	vmul.f32 v22, v13;
	(erf) = vrcp.f32 v19;
	v24 =	vmovc v17;
	p0 =	slt.u32 s22, $0x1F0  }
.Ltmp3:
0x10c: {  	v21 =	vadd.f32 v21, v14;
	v14 =	vmovc v10;
	v10 =	vmov v19;
	v17 =	vld [tilespmem:s21+$0x0];
	v23 =	vadd.s32 $0x1FBD1DF5, v23;
	[tilespmem:s14+$0x0] =	vst v20;
	s14 =	smov.u32 s17;
	(pc) =	sbr.rel @p0 .LBB2_8-.Ltmp3, $4  }
0x10d: {  	s17 =	smov.u32 s15;
	s15 =	smov.u32 s16;
	s16 =	smov.u32 s18;
	(erf) = vrcp.f32 v23;
	v19 =	vadd.f32 v16, v22;
	v16 =	vmovc v18;
	v18 =	vmov v23  }
0x10e: {  	s18 =	smov.u32 s19;
	s19 =	smov.u32 s20;
	s20 =	smov.u32 s21;
	v23 =	vmul.f32 $5.000000000e-01, v21;
	v20 =	vpop (erf)  }
0x10f: {  	v19 =	vmul.f32 $5.000000000e-01, v19;
	v21 =	vmul.f32 v20, v11;
	v11 =	vmovc v12;
	v12 =	vmovc v13;
	v13 =	vmov v15  }
0x110: {  	v20 =	vmul.f32 v23, v9;
	v15 =	vmov v24;
	v22 =	vpop (erf)  }
0x111: {  	v23 =	vshrl.u32 v17, $0x1  }
0x112: {  	(erf) = vrcp.f32 v19;
	v23 =	vadd.s32 $0x1FBD1DF5, v23  }
0x113: {  	(erf) = vrcp.f32 v23;
	_ =	sdelay $0x5  }
0x114: {  	v24 =	vpop (erf)  }
0x115: {  	v25 =	vpop (erf)  }
0x116: {  	v22 =	vmul.f32 v22, v13;
	v26 =	vpop (erf)  }
0x117: {  	v25 =	vmul.f32 v25, v15;
	v27 =	vpop (erf)  }
0x118: {  	v16 =	vadd.f32 v16, v22;
	v59 =	vmul.f32 v27, v17  }
0x119: {  	v18 =	vadd.f32 v18, v25  }
0x11a: {  	v16 =	vmul.f32 $5.000000000e-01, v16;
	v22 =	vadd.f32 v23, v59  }
0x11b: {  	v18 =	vmul.f32 $5.000000000e-01, v18  }
0x11c: {  	(erf) = vrcp.f32 v16;
	v22 =	vmul.f32 $5.000000000e-01, v22  }
0x11d: {  	(erf) = vrcp.f32 v18  }
0x11e: {  	(erf) = vrcp.f32 v22;
	_ =	sdelay $0x5  }
0x11f: {  	v11 =	vmul.f32 v24, v11  }
0x120: {  	v14 =	vadd.f32 v21, v14;
	v12 =	vmul.f32 v26, v12;
	v60 =	vpop (erf)  }
0x121: {  	v10 =	vadd.f32 v11, v10;
	v11 =	vmul.f32 v60, v13;
	v61 =	vpop (erf)  }
0x122: {  	v14 =	vmul.f32 $5.000000000e-01, v14;
	v12 =	vadd.f32 v12, v19;
	v13 =	vmul.f32 v61, v15;
	v62 =	vpop (erf)  }
0x123: {  	v10 =	vmul.f32 $5.000000000e-01, v10;
	v11 =	vadd.f32 v11, v16;
	v15 =	vmul.f32 v62, v17  }
0x124: {  	v14 =	vmul.f32 v14, v9;
	v12 =	vmul.f32 $5.000000000e-01, v12;
	v13 =	vadd.f32 v13, v18  }
0x125: {  	[tilespmem:s14+$0x0] =	vst v20;
	v10 =	vmul.f32 v10, v9;
	v11 =	vmul.f32 $5.000000000e-01, v11;
	v15 =	vadd.f32 v15, v22  }
0x126: {  	[tilespmem:s17+$0x0] =	vst v14;
	v12 =	vmul.f32 v12, v9;
	v13 =	vmul.f32 $5.000000000e-01, v13  }
0x127: {  	[tilespmem:s15+$0x0] =	vst v10;
	v10 =	vmul.f32 v11, v9;
	v11 =	vmul.f32 $5.000000000e-01, v15  }
0x128: {  	[tilespmem:s16+$0x0] =	vst v12;
	v63 =	vmul.f32 v13, v9  }
0x129: {  	s13 =	sadd.s32 $0x1, s13;
	[tilespmem:s18+$0x0] =	vst v10;
	v9 =	vmul.f32 v11, v9  }
0x12a: {  	p0 =	sne.s32 s13, s9;
	[tilespmem:s19+$0x0] =	vst v63  }
.Ltmp4:
0x12b: {  	[tilespmem:s20+$0x0] =	vst v9;
	(pc) =	sbr.rel @p0 .LBB2_1-.Ltmp4, $4  }
0x12c: {  	[hbm4b:s8+s2] =	stream.linear.scatter [tilespmem:s12], [sflag:$0x1], $0x200, $0x38;
	[tilespmem:$0x2280] =	vst v63  }
0x12d: {  	_ =	swait.ge [sflag:s10], $0x200  }
0x12e: {  	[sflag:s10] =	ssyncset.done $0x0  }
0x12f: {  	[sflag:s10] =	ssyncadd.s32 $0xFFFFFE00  }
0x130: {  	_ =	sfence.sel $0x180000  }
0x131: {  	[bflag:$0x0] =	sbarrier.arrive $0xFFFF  }
0x132: {  	p0 =	sne.s32 s1, $0x0;
	_ =	strace $0x90000047  }
0x133: {  	s0 =	sadd.s32 @!p0 $0x100000, s0;
	[bflag:$0x2] =	sbarrier.arrive $0xFFFF  }
0x134: {  	[sflag:s0] =	ssyncadd.tile.s32 @!p0 $0x1;
	_ =	shalt  }
.Lfunc_end2:
_tile_overlayer_lowered:
.L_overlay_start_2:
0x135: {  	(tag) =	ssettag $0x2  }
0x136: {  	s0 =	rddreg [dreg:$0x0];
	s2 =	stileid.u32  }
0x137: {  	s1 =	rddreg [dreg:$0x1];
	p0 =	sne.s32 s2, $0x0  }
0x138: {  	s3 =	rddreg [dreg:$0x2];
	[bflag:$0x3] =	sbarrier.arrive $0xFFFF;
	s2 =	simm.s32 @!p0 $0x1C01  }
0x139: {  	[timem:s3], [sflag:s2] =	dma.local @!p0 [hbm:s0], s1  }
0x13a: {  	s0 =	simm.s32 @!p0 $0x1  }
0x13b: {  	_ =	swait.ge @!p0 [sflag:s0], s1  }
0x13c: {  	s1 =	ssub.s32 @!p0 $0x0, s1;
	[sflag:s0] =	ssyncset.done @!p0 $0x0  }
0x13d: {  	[sflag:s0] =	ssyncadd.s32 @!p0 s1  }
0x13e: {  	[bflag:$0x3] =	sbarrier.arrive $0xFFFF  }
0x13f: {  	_ =	shalt  }

</sc_bundles>
